<compile_context>
chip_gen: v7x
topology: tpu7x:2x2x1
jax: 0.10.2.dev20260603
libtpu: 0.0.44.dev20260713+nightly
codegen_flags: <defaults>
</compile_context>

<pallas_src>
import functools

import numpy as np

import jax
import jax.numpy as jnp
from jax import lax
from jax.experimental import pallas as pl
from jax.experimental.pallas import tpu as pltpu
from jax.experimental.pallas import tpu_sc as plsc

_N = 2048
_ROWS = 8
_BETA = 1.0
_KCHUNK = 1024


def _rank_body(x_ref, out_ref):
    k_all = lax.bitcast_convert_type(jnp.abs(x_ref[...]), jnp.int32)
    kT = jnp.transpose(k_all)
    nchunk = _N // _KCHUNK
    jlt_diag = (lax.broadcasted_iota(jnp.int32, (_KCHUNK, _KCHUNK), 1)
                < lax.broadcasted_iota(jnp.int32, (_KCHUNK, _KCHUNK), 0)
                ).astype(jnp.int32)
    for r in range(_ROWS):
        kr = k_all[r:r + 1, :]
        kc = kT[:, r:r + 1]
        col_parts = []
        colacc = [None] * nchunk
        for i_ in range(nchunk):
            kcol = kc[i_ * _KCHUNK:(i_ + 1) * _KCHUNK, :]
            acc2d = None
            for j_ in range(i_, nchunk):
                krow = kr[:, j_ * _KCHUNK:(j_ + 1) * _KCHUNK]
                if j_ == i_:
                    t = ((krow + jlt_diag) > kcol).astype(jnp.float32)
                else:
                    t = (krow > kcol).astype(jnp.float32)
                acc2d = t if acc2d is None else acc2d + t
                if j_ > i_:
                    colacc[j_] = t if colacc[j_] is None else colacc[j_] + t
            col_parts.append(jnp.sum(acc2d, axis=1, keepdims=True))
        row_parts = [
            jnp.zeros((1, _KCHUNK), jnp.float32) if colacc[j_] is None
            else (float(j_ * _KCHUNK)
                  - jnp.sum(colacc[j_], axis=0, keepdims=True))
            for j_ in range(nchunk)
        ]
        col_full = jnp.concatenate(col_parts, axis=0)
        out_ref[r:r + 1, :] = (jnp.transpose(col_full)
                               + jnp.concatenate(row_parts, axis=1)
                               ).astype(jnp.int32)


def _ranks_tc(x):
    return pl.pallas_call(
        _rank_body,
        out_shape=jax.ShapeDtypeStruct((_ROWS, _N), jnp.int32),
    )(x)


def _sc_oscarmax(x, rank, recip):
    mesh = plsc.VectorSubcoreMesh(core_axis_name="c", subcore_axis_name="s")
    nv = _N // 16

    @functools.partial(
        pl.kernel,
        mesh=mesh,
        out_type=jax.ShapeDtypeStruct((_ROWS, _N), jnp.float32),
        compiler_params=pltpu.CompilerParams(
            use_tc_tiling_on_sc=False, needs_layout_passes=False),
        scratch_types=[
            pltpu.VMEM((_N,), jnp.float32),
            pltpu.VMEM((_N,), jnp.int32),
            pltpu.VMEM((_N,), jnp.float32),
            pltpu.VMEM((_N,), jnp.float32),
            pltpu.VMEM((_N,), jnp.float32),
            pltpu.VMEM((_N + 32,), jnp.int32),
            pltpu.VMEM((_N + 16,), jnp.float32),
            pltpu.VMEM((_N + 16,), jnp.float32),
            pltpu.VMEM((_N + 16,), jnp.float32),
            pltpu.VMEM((_N + 16,), jnp.float32),
            pltpu.VMEM((_N,), jnp.float32),
            pltpu.VMEM((_N,), jnp.float32),
            pltpu.VMEM((_N,), jnp.float32),
            pltpu.VMEM((_N + 16,), jnp.float32),
            pltpu.SemaphoreType.DMA,
            pltpu.SemaphoreType.DMA,
            pltpu.SemaphoreType.DMA,
        ],
    )
    def k(x_hbm, rank_hbm, recip_hbm, out_hbm, v_ref, r_ref, a_ref, sg_ref,
          ca_ref, st_ref, rm_ref, rc_ref, pm_ref, pc_ref, y_ref, zs_ref,
          o_ref, recip_ref, sem1, sem2, sem3):
        wid = lax.axis_index("s") * 2 + lax.axis_index("c")
        lane = lax.broadcasted_iota(jnp.int32, (16,), 0)
        inf = jnp.float32(jnp.inf)

        def sload(ref, idx):
            return plsc.load_gather(ref, [jnp.full((16,), idx, jnp.int32)])[0]

        def sstore(ref, idx, val):
            plsc.store_scatter(ref, [jnp.full((16,), idx, jnp.int32)],
                               jnp.full((16,), val, ref.dtype))

        @pl.when(wid < _ROWS)
        def _():
            row = wid
            h1 = pltpu.async_copy(x_hbm.at[row], v_ref, sem1)
            h2 = pltpu.async_copy(rank_hbm.at[row], r_ref, sem2)
            h3 = pltpu.async_copy(recip_hbm, recip_ref, sem3)
            h1.wait()
            h2.wait()
            h3.wait()

            def scat(p, npos):
                r = r_ref[pl.ds(p * 16, 16)]
                xv = v_ref[pl.ds(p * 16, 16)]
                plsc.store_scatter(a_ref, [r], jnp.abs(xv))
                plsc.store_scatter(sg_ref, [r], jnp.sign(xv))
                return npos + jnp.sum((xv > 0).astype(jnp.float32))

            npos = lax.fori_loop(0, nv, scat, jnp.float32(0.0), unroll=4)

            def runscan(p, carry):
                cA, nbrk = carry
                av = a_ref[pl.ds(p * 16, 16)]
                incl = plsc.cumsum(av) + cA
                ca_ref[pl.ds(p * 16, 16)] = incl
                gpos = lane + p * 16
                prev = plsc.load_gather(a_ref, [jnp.maximum(gpos - 1, 0)])
                prev = jnp.where(gpos == 0, inf, prev)
                brk = (prev - av) > jnp.float32(_BETA)
                bf = brk.astype(jnp.float32)
                binc = plsc.cumsum(bf)
                tgt = nbrk + (binc - bf).astype(jnp.int32)
                plsc.store_scatter(st_ref, [tgt], gpos, mask=brk)
                return (incl[15], nbrk + binc[15].astype(jnp.int32))

            _, nrun = lax.fori_loop(0, nv, runscan, (jnp.float32(0.0),
                                                     jnp.int32(0)), unroll=2)
            sstore(st_ref, nrun, jnp.int32(_N))

            def runstat(q, _):
                base = q * 16
                idx = lane + base
                valid = idx < nrun
                cidx = jnp.where(valid, idx, 0)
                b = plsc.load_gather(st_ref, [cidx])
                e = plsc.load_gather(st_ref, [cidx + 1])
                bf = b.astype(jnp.float32)
                ef = e.astype(jnp.float32)
                cb = jnp.where(b == 0, 0.0,
                               plsc.load_gather(ca_ref,
                                                [jnp.maximum(b - 1, 0)]))
                ce = plsc.load_gather(ca_ref, [jnp.maximum(e - 1, 0)])
                cnt = ef - bf
                sum_a = ce - cb
                sum_w = _BETA * (cnt * float(_N - 1)
                                 - (bf + ef - 1.0) * cnt * 0.5)
                rcp = plsc.load_gather(
                    recip_ref, [jnp.where(valid, e - b, 1)])
                rm_ref[pl.ds(base, 16)] = (sum_a - sum_w) * rcp
                rc_ref[pl.ds(base, 16)] = jnp.where(valid, cnt, 0.0)
                return 0

            nvq = (nrun + 15) >> 4
            lax.fori_loop(0, nvq, runstat, 0)

            def pav(q, carry):
                d, tm, tc = carry
                cm = sload(rm_ref, q)
                cc = sload(rc_ref, q)

                def cond(st):
                    _d, ttm, _tc, m, _c = st
                    return ttm <= m

                def merge(st):
                    dd, ttm, ttc, m, c = st
                    c2 = ttc + c
                    m2 = (ttm * ttc + m * c) * sload(
                        recip_ref, c2.astype(jnp.int32))
                    dd = dd - 1
                    return (dd, sload(pm_ref, dd - 1), sload(pc_ref, dd - 1),
                            m2, c2)

                d, tm, tc, cm, cc = lax.while_loop(
                    cond, merge, (d, tm, tc, cm, cc))
                sstore(pm_ref, d - 1, tm)
                sstore(pc_ref, d - 1, tc)
                return (d + 1, cm, cc)

            d, tm, tc = lax.fori_loop(
                0, nrun, pav, (jnp.int32(1), inf, jnp.float32(1.0)))
            sstore(pm_ref, d - 1, tm)
            sstore(pc_ref, d - 1, tc)

            def init_y(p, _):
                y_ref[pl.ds(p * 16, 16)] = jnp.full((16,), inf, jnp.float32)
                return 0

            lax.fori_loop(0, nv, init_y, 0, unroll=8)

            def scatter_pools(p, start_carry):
                slot = lane + p * 16
                valid = jnp.logical_and(slot >= 1, slot < d)
                pcv = jnp.where(valid, pc_ref[pl.ds(p * 16, 16)], 0.0)
                pmv = pm_ref[pl.ds(p * 16, 16)]
                incl = plsc.cumsum(pcv)
                starts = (start_carry + incl - pcv).astype(jnp.int32)
                plsc.store_scatter(y_ref, [starts], pmv, mask=valid)
                return start_carry + incl[15]

            lax.fori_loop(0, (d + 15) >> 4, scatter_pools, jnp.float32(0.0))

            def fill(p, neg_carry):
                yv = y_ref[pl.ds(p * 16, 16)]
                m = jnp.maximum(plsc.cummax(-yv), neg_carry)
                y_ref[pl.ds(p * 16, 16)] = -m
                return m[15]

            lax.fori_loop(0, nv, fill, -inf, unroll=2)

            def build_zs(p, carry):
                cpos, czer, cneg = carry
                yc = jnp.maximum(y_ref[pl.ds(p * 16, 16)], 0.0)
                sgv = sg_ref[pl.ds(p * 16, 16)]
                fp = (sgv > 0).astype(jnp.float32)
                fz = (sgv == 0).astype(jnp.float32)
                fn = (sgv < 0).astype(jnp.float32)
                ip_ = plsc.cumsum(fp)
                iz = plsc.cumsum(fz)
                in_ = plsc.cumsum(fn)
                tp = cpos + (ip_ - fp)
                tz = npos + czer + (iz - fz)
                tn = float(_N - 1) - (cneg + (in_ - fn))
                tgt = (fp * tp + fz * tz + fn * tn).astype(jnp.int32)
                val = (fp - fn) * yc
                plsc.store_scatter(zs_ref, [tgt], val)
                return (cpos + ip_[15], czer + iz[15], cneg + in_[15])

            lax.fori_loop(0, nv, build_zs,
                          (jnp.float32(0.0), jnp.float32(0.0),
                           jnp.float32(0.0)), unroll=2)

            def smax(p, carry):
                cs, ssum, scnt = carry
                zv = zs_ref[pl.ds(p * 16, 16)]
                ics = plsc.cumsum(zv) + cs
                kk = (lane + p * 16 + 1).astype(jnp.float32)
                sup = (1.0 + kk * zv) > ics
                sf = sup.astype(jnp.float32)
                ssum = ssum + jnp.sum(jnp.where(sup, zv, 0.0))
                scnt = scnt + jnp.sum(sf)
                return (ics[15], ssum, scnt)

            _, ssum, scnt = lax.fori_loop(
                0, nv, smax, (jnp.float32(0.0), jnp.float32(0.0),
                              jnp.float32(0.0)), unroll=2)
            k_z = jnp.maximum(scnt, 1.0)
            tau = (ssum - 1.0) * sload(recip_ref, k_z.astype(jnp.int32))

            def outp(p, _):
                r = r_ref[pl.ds(p * 16, 16)]
                yv = jnp.maximum(plsc.load_gather(y_ref, [r]), 0.0)
                sg = jnp.sign(v_ref[pl.ds(p * 16, 16)])
                o_ref[pl.ds(p * 16, 16)] = jnp.maximum(sg * yv - tau, 0.0)
                return 0

            lax.fori_loop(0, nv, outp, 0, unroll=4)
            pltpu.sync_copy(o_ref, out_hbm.at[row])

    return k(x, rank, recip)


_RECIP = np.float32(1.0) / np.maximum(
    np.arange(_N + 16, dtype=np.float32), np.float32(1.0))


def kernel(x):
    rank = _ranks_tc(x)
    return _sc_oscarmax(x, rank, jnp.asarray(_RECIP))

# --- scband reference (transcript-rebuilt; emitter-appended) ---
"""Pipeline reference for scband-oscarmax-13211319402877 (READ-ONLY COPY).

The authoritative reference and input builder live on the scoring server;
editing this copy changes nothing except your own understanding.
"""

import jax, jax.numpy as jnp
import numpy as np

BETA = 1.0


def _isotonic_dec(s):
    # Non-increasing isotonic regression with lower bound 0 (PAV solution via
    # the min-max characterization: yhat_i = min_{j<=i} max_{k>=i} mean(s[j..k])).
    n = s.shape[0]
    S = jnp.concatenate([jnp.zeros((1,), s.dtype), jnp.cumsum(s)])
    j = jnp.arange(n)[:, None]
    k = jnp.arange(n)[None, :]
    valid = k >= j
    denom = jnp.where(valid, (k - j + 1).astype(s.dtype), jnp.ones((), s.dtype))
    M = jnp.where(valid, (S[k + 1] - S[j]) / denom, -jnp.inf)
    # R[j, i] = max_{k >= i} M[j, k]
    R = jnp.flip(jax.lax.cummax(jnp.flip(M, axis=1), axis=1), axis=1)
    R = jnp.where(valid, R, jnp.inf)
    # C[i, i] = min_{j <= i} R[j, i]
    C = jax.lax.cummin(R, axis=0)
    y = jnp.diagonal(C)
    return jnp.maximum(y, jnp.zeros((), s.dtype))


def _prox_owl_row(v, w):
    # Proximal operator of the OWL norm dot(w, reversed(sort(|v|))).
    v_abs = jnp.abs(v)
    ix = jnp.argsort(-v_abs)  # descending sort of |v|
    y = _isotonic_dec(v_abs[ix] - w)
    inv = jnp.argsort(ix)
    return jnp.sign(v) * y[inv]


def _sparsemax_row(z):
    n = z.shape[0]
    z_sorted = jnp.flip(jnp.sort(z))
    cs = jnp.cumsum(z_sorted)
    kk = jnp.arange(1, n + 1, dtype=z.dtype)
    support = (1.0 + kk * z_sorted) > cs
    k_z = jnp.maximum(jnp.sum(support), 1).astype(z.dtype)
    tau = (jnp.sum(jnp.where(support, z_sorted, jnp.zeros((), z.dtype))) - 1.0) / k_z
    return jnp.maximum(z - tau, jnp.zeros((), z.dtype))


def _oscarmax(x, beta):
    n = x.shape[1]
    # _oscar_weights(alpha=0, beta, n) = beta * arange(n-1, -1, -1)
    w = beta * jnp.arange(n - 1, -1, -1, dtype=x.dtype)

    def row_fn(v):
        return _sparsemax_row(_prox_owl_row(v, w))

    return jax.lax.map(row_fn, x)


def setup_inputs(seed: int = 0) -> dict:
    key = jax.random.key(seed)
    x = jax.random.normal(key, (8, 2048), dtype=jnp.float32)
    return {"x": x}


def reference(x):
    return _oscarmax(x, BETA)

if __name__ == "__main__":
    import jax
    _d = setup_inputs()
    print(jax.jit(kernel)(*tuple(_d.values())))

</pallas_src>

<mosaic_0001>
#map = affine_map<(d0, d1) -> (0, 0)>
#map1 = affine_map<(d0, d1) -> (0)>
module attributes {stable_mosaic.version = 14 : i64} {
  func.func @k(%arg0: i32, %arg1: i32, %arg2: memref<8x2048xf32, #tpu.memory_space<hbm>>, %arg3: memref<8x2048xi32, #tpu.memory_space<hbm>>, %arg4: memref<2064xf32, #tpu.memory_space<hbm>>, %arg5: memref<8x2048xf32, #tpu.memory_space<hbm>>, %arg6: memref<2048xf32, #tpu.memory_space<vmem>>, %arg7: memref<2048xi32, #tpu.memory_space<vmem>>, %arg8: memref<2048xf32, #tpu.memory_space<vmem>>, %arg9: memref<2048xf32, #tpu.memory_space<vmem>>, %arg10: memref<2048xf32, #tpu.memory_space<vmem>>, %arg11: memref<2080xi32, #tpu.memory_space<vmem>>, %arg12: memref<2064xf32, #tpu.memory_space<vmem>>, %arg13: memref<2064xf32, #tpu.memory_space<vmem>>, %arg14: memref<2064xf32, #tpu.memory_space<vmem>>, %arg15: memref<2064xf32, #tpu.memory_space<vmem>>, %arg16: memref<2048xf32, #tpu.memory_space<vmem>>, %arg17: memref<2048xf32, #tpu.memory_space<vmem>>, %arg18: memref<2048xf32, #tpu.memory_space<vmem>>, %arg19: memref<2064xf32, #tpu.memory_space<vmem>>, %arg20: memref<!tpu.dma_semaphore, #tpu.memory_space<semaphore_mem>>, %arg21: memref<!tpu.dma_semaphore, #tpu.memory_space<semaphore_mem>>, %arg22: memref<!tpu.dma_semaphore, #tpu.memory_space<semaphore_mem>>) attributes {dimension_semantics = [#tpu.dimension_semantics<core_parallel>, #tpu.dimension_semantics<subcore_parallel>], iteration_bounds = array<i64: 2, 16>, scalar_prefetch = 0 : i64, scratch_operands = 17 : i64, tpu.core_type = #tpu.core_type<sc_vector_subcore>, window_params = [{transform_indices = #map}, {transform_indices = #map}, {transform_indices = #map1}, {transform_indices = #map}]} {
    %mul3A = arith.constant 2 : i32
    %mul3A_0 = arith.muli %arg1, %mul3A : i32
    %add3A = arith.addi %mul3A_0, %arg0 : i32
    %iota3A = tpu.iota {dimensions = array<i32: 0>} : vector<16xi32>
    %lt3A = arith.constant 8 : i32
    %lt3A_1 = arith.cmpi slt, %add3A, %lt3A : i32
    %convert_element_type3A = arith.extui %lt3A_1 : i1 to i32
    %cond3A = arith.constant 0x7F800000 : f32
    %cond3A_2 = arith.constant 0 : i32
    %cond3A_3 = arith.cmpi ne, %convert_element_type3A, %cond3A_2 : i32
    scf.if %cond3A_3 {
      %dma_start3A = arith.constant 0 : i32
      %dma_start3A_4 = tpu.memref_slice %arg2[%add3A, %dma_start3A] : memref<8x2048xf32, #tpu.memory_space<hbm>> -> memref<1x2048xf32, #tpu.memory_space<hbm>>
      %dma_start3A_5 = tpu.memref_squeeze %dma_start3A_4 : memref<1x2048xf32, #tpu.memory_space<hbm>> -> memref<2048xf32, #tpu.memory_space<hbm>>
      %dma_start3A_6 = arith.constant 0 : i32
      %dma_start3A_7 = tpu.memref_slice %arg2[%add3A, %dma_start3A_6] : memref<8x2048xf32, #tpu.memory_space<hbm>> -> memref<1x2048xf32, #tpu.memory_space<hbm>>
      %dma_start3A_8 = tpu.memref_squeeze %dma_start3A_7 : memref<1x2048xf32, #tpu.memory_space<hbm>> -> memref<2048xf32, #tpu.memory_space<hbm>>
      tpu.enqueue_dma source(%dma_start3A_8 : memref<2048xf32, #tpu.memory_space<hbm>>) target(%arg6 : memref<2048xf32, #tpu.memory_space<vmem>>) target_semaphore(%arg20 : memref<!tpu.dma_semaphore, #tpu.memory_space<semaphore_mem>>)
      %dma_start3A_9 = arith.constant 0 : i32
      %dma_start3A_10 = tpu.memref_slice %arg3[%add3A, %dma_start3A_9] : memref<8x2048xi32, #tpu.memory_space<hbm>> -> memref<1x2048xi32, #tpu.memory_space<hbm>>
      %dma_start3A_11 = tpu.memref_squeeze %dma_start3A_10 : memref<1x2048xi32, #tpu.memory_space<hbm>> -> memref<2048xi32, #tpu.memory_space<hbm>>
      %dma_start3A_12 = arith.constant 0 : i32
      %dma_start3A_13 = tpu.memref_slice %arg3[%add3A, %dma_start3A_12] : memref<8x2048xi32, #tpu.memory_space<hbm>> -> memref<1x2048xi32, #tpu.memory_space<hbm>>
      %dma_start3A_14 = tpu.memref_squeeze %dma_start3A_13 : memref<1x2048xi32, #tpu.memory_space<hbm>> -> memref<2048xi32, #tpu.memory_space<hbm>>
      tpu.enqueue_dma source(%dma_start3A_14 : memref<2048xi32, #tpu.memory_space<hbm>>) target(%arg7 : memref<2048xi32, #tpu.memory_space<vmem>>) target_semaphore(%arg21 : memref<!tpu.dma_semaphore, #tpu.memory_space<semaphore_mem>>)
      tpu.enqueue_dma source(%arg4 : memref<2064xf32, #tpu.memory_space<hbm>>) target(%arg19 : memref<2064xf32, #tpu.memory_space<vmem>>) target_semaphore(%arg22 : memref<!tpu.dma_semaphore, #tpu.memory_space<semaphore_mem>>)
      %dma_wait3A = arith.constant 0 : i32
      %dma_wait3A_15 = tpu.memref_slice %arg2[%add3A, %dma_wait3A] : memref<8x2048xf32, #tpu.memory_space<hbm>> -> memref<1x2048xf32, #tpu.memory_space<hbm>>
      %dma_wait3A_16 = tpu.memref_squeeze %dma_wait3A_15 : memref<1x2048xf32, #tpu.memory_space<hbm>> -> memref<2048xf32, #tpu.memory_space<hbm>>
      %dma_wait3A_17 = arith.constant 0 : i32
      %dma_wait3A_18 = tpu.memref_slice %arg2[%add3A, %dma_wait3A_17] : memref<8x2048xf32, #tpu.memory_space<hbm>> -> memref<1x2048xf32, #tpu.memory_space<hbm>>
      %dma_wait3A_19 = tpu.memref_squeeze %dma_wait3A_18 : memref<1x2048xf32, #tpu.memory_space<hbm>> -> memref<2048xf32, #tpu.memory_space<hbm>>
      tpu.wait_dma2 semaphore(%arg20 : memref<!tpu.dma_semaphore, #tpu.memory_space<semaphore_mem>>) src(%dma_wait3A_19 : memref<2048xf32, #tpu.memory_space<hbm>>) dst(%arg6 : memref<2048xf32, #tpu.memory_space<vmem>>)
      %dma_wait3A_20 = arith.constant 0 : i32
      %dma_wait3A_21 = tpu.memref_slice %arg3[%add3A, %dma_wait3A_20] : memref<8x2048xi32, #tpu.memory_space<hbm>> -> memref<1x2048xi32, #tpu.memory_space<hbm>>
      %dma_wait3A_22 = tpu.memref_squeeze %dma_wait3A_21 : memref<1x2048xi32, #tpu.memory_space<hbm>> -> memref<2048xi32, #tpu.memory_space<hbm>>
      %dma_wait3A_23 = arith.constant 0 : i32
      %dma_wait3A_24 = tpu.memref_slice %arg3[%add3A, %dma_wait3A_23] : memref<8x2048xi32, #tpu.memory_space<hbm>> -> memref<1x2048xi32, #tpu.memory_space<hbm>>
      %dma_wait3A_25 = tpu.memref_squeeze %dma_wait3A_24 : memref<1x2048xi32, #tpu.memory_space<hbm>> -> memref<2048xi32, #tpu.memory_space<hbm>>
      tpu.wait_dma2 semaphore(%arg21 : memref<!tpu.dma_semaphore, #tpu.memory_space<semaphore_mem>>) src(%dma_wait3A_25 : memref<2048xi32, #tpu.memory_space<hbm>>) dst(%arg7 : memref<2048xi32, #tpu.memory_space<vmem>>)
      tpu.wait_dma2 semaphore(%arg22 : memref<!tpu.dma_semaphore, #tpu.memory_space<semaphore_mem>>) src(%arg4 : memref<2064xf32, #tpu.memory_space<hbm>>) dst(%arg19 : memref<2064xf32, #tpu.memory_space<vmem>>)
      %scan3A = arith.constant 0.000000e+00 : f32
      %scan3A_26 = arith.constant 0 : i32
      %scan3A_27 = arith.constant 128 : i32
      %scan3A_28 = arith.addi %scan3A_26, %scan3A_27 : i32
      %scan3A_29 = arith.constant 4 : i32
      %scan3A_30 = scf.for %scan3A_137 = %scan3A_26 to %scan3A_28 step %scan3A_29 iter_args(%scan3A_138 = %scan3A) -> (f32)  : i32 {
        %mul3A_139 = arith.constant 16 : i32
        %mul3A_140 = arith.muli %scan3A_137, %mul3A_139 : i32
        %get3A = arith.index_cast %mul3A_140 : i32 to index
        %get3A_141 = tpu.vector_load %arg7[%get3A] {strides = array<i32>} : memref<2048xi32, #tpu.memory_space<vmem>>, vector<16xi32>,
        %mul3A_142 = arith.constant 16 : i32
        %mul3A_143 = arith.muli %scan3A_137, %mul3A_142 : i32
        %get3A_144 = arith.index_cast %mul3A_143 : i32 to index
        %get3A_145 = tpu.vector_load %arg6[%get3A_144] {strides = array<i32>} : memref<2048xf32, #tpu.memory_space<vmem>>, vector<16xf32>,
        %abs3A = math.absf %get3A_145 : vector<16xf32>
        tpu.vector_store_idx %arg8[%get3A_141], %abs3A : memref<2048xf32, #tpu.memory_space<vmem>>[vector<16xi32>], vector<16xf32>,
        %sign3A = tpu.bitcast %get3A_145 : vector<16xf32> -> vector<16xi32>
        %sign3A_146 = arith.constant -2147483648 : i32
        %sign3A_147 = vector.broadcast %sign3A_146 : i32 to vector<16xi32>
        %sign3A_148 = arith.andi %sign3A, %sign3A_147 : vector<16xi32>
        %sign3A_149 = arith.constant 1065353216 : i32
        %sign3A_150 = vector.broadcast %sign3A_149 : i32 to vector<16xi32>
        %sign3A_151 = arith.ori %sign3A_150, %sign3A_148 : vector<16xi32>
        %sign3A_152 = tpu.bitcast %sign3A_151 : vector<16xi32> -> vector<16xf32>
        %sign3A_153 = math.absf %get3A_145 : vector<16xf32>
        %sign3A_154 = arith.constant 0.000000e+00 : f32
        %sign3A_155 = vector.broadcast %sign3A_154 : f32 to vector<16xf32>
        %sign3A_156 = arith.cmpf ogt, %sign3A_153, %sign3A_155 : vector<16xf32>
        %sign3A_157 = arith.select %sign3A_156, %sign3A_152, %get3A_145 : vector<16xi1>, vector<16xf32>
        tpu.vector_store_idx %arg9[%get3A_141], %sign3A_157 : memref<2048xf32, #tpu.memory_space<vmem>>[vector<16xi32>], vector<16xf32>,
        %gt3A = arith.constant 0.000000e+00 : f32
        %gt3A_158 = vector.broadcast %gt3A : f32 to vector<16xf32>
        %gt3A_159 = arith.cmpf ogt, %get3A_145, %gt3A_158 : vector<16xf32>
        %convert_element_type3A_160 = arith.extui %gt3A_159 : vector<16xi1> to vector<16xi32>
        %convert_element_type3A_161 = arith.sitofp %convert_element_type3A_160 : vector<16xi32> to vector<16xf32>
        %reduce_sum3A = arith.constant true
        %reduce_sum3A_162 = vector.broadcast %reduce_sum3A : i1 to vector<16xi1>
        %reduce_sum3A_163 = tpu.scan <sum>, %convert_element_type3A_161 masked %reduce_sum3A_162 : vector<16xf32>, vector<16xi1> -> vector<16xf32>
        %reduce_sum3A_164 = vector.extract %reduce_sum3A_163[15] : f32 from vector<16xf32>
        %add3A_165 = arith.addf %scan3A_138, %reduce_sum3A_164 : f32
        %scan3A_166 = arith.constant 1 : i32
        %scan3A_167 = arith.addi %scan3A_137, %scan3A_166 : i32
        %mul3A_168 = arith.constant 16 : i32
        %mul3A_169 = arith.muli %scan3A_167, %mul3A_168 : i32
        %get3A_170 = arith.index_cast %mul3A_169 : i32 to index
        %get3A_171 = tpu.vector_load %arg7[%get3A_170] {strides = array<i32>} : memref<2048xi32, #tpu.memory_space<vmem>>, vector<16xi32>,
        %mul3A_172 = arith.constant 16 : i32
        %mul3A_173 = arith.muli %scan3A_167, %mul3A_172 : i32
        %get3A_174 = arith.index_cast %mul3A_173 : i32 to index
        %get3A_175 = tpu.vector_load %arg6[%get3A_174] {strides = array<i32>} : memref<2048xf32, #tpu.memory_space<vmem>>, vector<16xf32>,
        %abs3A_176 = math.absf %get3A_175 : vector<16xf32>
        tpu.vector_store_idx %arg8[%get3A_171], %abs3A_176 : memref<2048xf32, #tpu.memory_space<vmem>>[vector<16xi32>], vector<16xf32>,
        %sign3A_177 = tpu.bitcast %get3A_175 : vector<16xf32> -> vector<16xi32>
        %sign3A_178 = arith.constant -2147483648 : i32
        %sign3A_179 = vector.broadcast %sign3A_178 : i32 to vector<16xi32>
        %sign3A_180 = arith.andi %sign3A_177, %sign3A_179 : vector<16xi32>
        %sign3A_181 = arith.constant 1065353216 : i32
        %sign3A_182 = vector.broadcast %sign3A_181 : i32 to vector<16xi32>
        %sign3A_183 = arith.ori %sign3A_182, %sign3A_180 : vector<16xi32>
        %sign3A_184 = tpu.bitcast %sign3A_183 : vector<16xi32> -> vector<16xf32>
        %sign3A_185 = math.absf %get3A_175 : vector<16xf32>
        %sign3A_186 = arith.constant 0.000000e+00 : f32
        %sign3A_187 = vector.broadcast %sign3A_186 : f32 to vector<16xf32>
        %sign3A_188 = arith.cmpf ogt, %sign3A_185, %sign3A_187 : vector<16xf32>
        %sign3A_189 = arith.select %sign3A_188, %sign3A_184, %get3A_175 : vector<16xi1>, vector<16xf32>
        tpu.vector_store_idx %arg9[%get3A_171], %sign3A_189 : memref<2048xf32, #tpu.memory_space<vmem>>[vector<16xi32>], vector<16xf32>,
        %gt3A_190 = arith.constant 0.000000e+00 : f32
        %gt3A_191 = vector.broadcast %gt3A_190 : f32 to vector<16xf32>
        %gt3A_192 = arith.cmpf ogt, %get3A_175, %gt3A_191 : vector<16xf32>
        %convert_element_type3A_193 = arith.extui %gt3A_192 : vector<16xi1> to vector<16xi32>
        %convert_element_type3A_194 = arith.sitofp %convert_element_type3A_193 : vector<16xi32> to vector<16xf32>
        %reduce_sum3A_195 = arith.constant true
        %reduce_sum3A_196 = vector.broadcast %reduce_sum3A_195 : i1 to vector<16xi1>
        %reduce_sum3A_197 = tpu.scan <sum>, %convert_element_type3A_194 masked %reduce_sum3A_196 : vector<16xf32>, vector<16xi1> -> vector<16xf32>
        %reduce_sum3A_198 = vector.extract %reduce_sum3A_197[15] : f32 from vector<16xf32>
        %add3A_199 = arith.addf %add3A_165, %reduce_sum3A_198 : f32
        %scan3A_200 = arith.constant 2 : i32
        %scan3A_201 = arith.addi %scan3A_137, %scan3A_200 : i32
        %mul3A_202 = arith.constant 16 : i32
        %mul3A_203 = arith.muli %scan3A_201, %mul3A_202 : i32
        %get3A_204 = arith.index_cast %mul3A_203 : i32 to index
        %get3A_205 = tpu.vector_load %arg7[%get3A_204] {strides = array<i32>} : memref<2048xi32, #tpu.memory_space<vmem>>, vector<16xi32>,
        %mul3A_206 = arith.constant 16 : i32
        %mul3A_207 = arith.muli %scan3A_201, %mul3A_206 : i32
        %get3A_208 = arith.index_cast %mul3A_207 : i32 to index
        %get3A_209 = tpu.vector_load %arg6[%get3A_208] {strides = array<i32>} : memref<2048xf32, #tpu.memory_space<vmem>>, vector<16xf32>,
        %abs3A_210 = math.absf %get3A_209 : vector<16xf32>
        tpu.vector_store_idx %arg8[%get3A_205], %abs3A_210 : memref<2048xf32, #tpu.memory_space<vmem>>[vector<16xi32>], vector<16xf32>,
        %sign3A_211 = tpu.bitcast %get3A_209 : vector<16xf32> -> vector<16xi32>
        %sign3A_212 = arith.constant -2147483648 : i32
        %sign3A_213 = vector.broadcast %sign3A_212 : i32 to vector<16xi32>
        %sign3A_214 = arith.andi %sign3A_211, %sign3A_213 : vector<16xi32>
        %sign3A_215 = arith.constant 1065353216 : i32
        %sign3A_216 = vector.broadcast %sign3A_215 : i32 to vector<16xi32>
        %sign3A_217 = arith.ori %sign3A_216, %sign3A_214 : vector<16xi32>
        %sign3A_218 = tpu.bitcast %sign3A_217 : vector<16xi32> -> vector<16xf32>
        %sign3A_219 = math.absf %get3A_209 : vector<16xf32>
        %sign3A_220 = arith.constant 0.000000e+00 : f32
        %sign3A_221 = vector.broadcast %sign3A_220 : f32 to vector<16xf32>
        %sign3A_222 = arith.cmpf ogt, %sign3A_219, %sign3A_221 : vector<16xf32>
        %sign3A_223 = arith.select %sign3A_222, %sign3A_218, %get3A_209 : vector<16xi1>, vector<16xf32>
        tpu.vector_store_idx %arg9[%get3A_205], %sign3A_223 : memref<2048xf32, #tpu.memory_space<vmem>>[vector<16xi32>], vector<16xf32>,
        %gt3A_224 = arith.constant 0.000000e+00 : f32
        %gt3A_225 = vector.broadcast %gt3A_224 : f32 to vector<16xf32>
        %gt3A_226 = arith.cmpf ogt, %get3A_209, %gt3A_225 : vector<16xf32>
        %convert_element_type3A_227 = arith.extui %gt3A_226 : vector<16xi1> to vector<16xi32>
        %convert_element_type3A_228 = arith.sitofp %convert_element_type3A_227 : vector<16xi32> to vector<16xf32>
        %reduce_sum3A_229 = arith.constant true
        %reduce_sum3A_230 = vector.broadcast %reduce_sum3A_229 : i1 to vector<16xi1>
        %reduce_sum3A_231 = tpu.scan <sum>, %convert_element_type3A_228 masked %reduce_sum3A_230 : vector<16xf32>, vector<16xi1> -> vector<16xf32>
        %reduce_sum3A_232 = vector.extract %reduce_sum3A_231[15] : f32 from vector<16xf32>
        %add3A_233 = arith.addf %add3A_199, %reduce_sum3A_232 : f32
        %scan3A_234 = arith.constant 3 : i32
        %scan3A_235 = arith.addi %scan3A_137, %scan3A_234 : i32
        %mul3A_236 = arith.constant 16 : i32
        %mul3A_237 = arith.muli %scan3A_235, %mul3A_236 : i32
        %get3A_238 = arith.index_cast %mul3A_237 : i32 to index
        %get3A_239 = tpu.vector_load %arg7[%get3A_238] {strides = array<i32>} : memref<2048xi32, #tpu.memory_space<vmem>>, vector<16xi32>,
        %mul3A_240 = arith.constant 16 : i32
        %mul3A_241 = arith.muli %scan3A_235, %mul3A_240 : i32
        %get3A_242 = arith.index_cast %mul3A_241 : i32 to index
        %get3A_243 = tpu.vector_load %arg6[%get3A_242] {strides = array<i32>} : memref<2048xf32, #tpu.memory_space<vmem>>, vector<16xf32>,
        %abs3A_244 = math.absf %get3A_243 : vector<16xf32>
        tpu.vector_store_idx %arg8[%get3A_239], %abs3A_244 : memref<2048xf32, #tpu.memory_space<vmem>>[vector<16xi32>], vector<16xf32>,
        %sign3A_245 = tpu.bitcast %get3A_243 : vector<16xf32> -> vector<16xi32>
        %sign3A_246 = arith.constant -2147483648 : i32
        %sign3A_247 = vector.broadcast %sign3A_246 : i32 to vector<16xi32>
        %sign3A_248 = arith.andi %sign3A_245, %sign3A_247 : vector<16xi32>
        %sign3A_249 = arith.constant 1065353216 : i32
        %sign3A_250 = vector.broadcast %sign3A_249 : i32 to vector<16xi32>
        %sign3A_251 = arith.ori %sign3A_250, %sign3A_248 : vector<16xi32>
        %sign3A_252 = tpu.bitcast %sign3A_251 : vector<16xi32> -> vector<16xf32>
        %sign3A_253 = math.absf %get3A_243 : vector<16xf32>
        %sign3A_254 = arith.constant 0.000000e+00 : f32
        %sign3A_255 = vector.broadcast %sign3A_254 : f32 to vector<16xf32>
        %sign3A_256 = arith.cmpf ogt, %sign3A_253, %sign3A_255 : vector<16xf32>
        %sign3A_257 = arith.select %sign3A_256, %sign3A_252, %get3A_243 : vector<16xi1>, vector<16xf32>
        tpu.vector_store_idx %arg9[%get3A_239], %sign3A_257 : memref<2048xf32, #tpu.memory_space<vmem>>[vector<16xi32>], vector<16xf32>,
        %gt3A_258 = arith.constant 0.000000e+00 : f32
        %gt3A_259 = vector.broadcast %gt3A_258 : f32 to vector<16xf32>
        %gt3A_260 = arith.cmpf ogt, %get3A_243, %gt3A_259 : vector<16xf32>
        %convert_element_type3A_261 = arith.extui %gt3A_260 : vector<16xi1> to vector<16xi32>
        %convert_element_type3A_262 = arith.sitofp %convert_element_type3A_261 : vector<16xi32> to vector<16xf32>
        %reduce_sum3A_263 = arith.constant true
        %reduce_sum3A_264 = vector.broadcast %reduce_sum3A_263 : i1 to vector<16xi1>
        %reduce_sum3A_265 = tpu.scan <sum>, %convert_element_type3A_262 masked %reduce_sum3A_264 : vector<16xf32>, vector<16xi1> -> vector<16xf32>
        %reduce_sum3A_266 = vector.extract %reduce_sum3A_265[15] : f32 from vector<16xf32>
        %add3A_267 = arith.addf %add3A_233, %reduce_sum3A_266 : f32
        scf.yield %add3A_267 : f32
      }
      %scan3A_31 = arith.constant 128 : i32
      %scan3A_32 = arith.constant 0.000000e+00 : f32
      %scan3A_33 = arith.constant 0 : i32
      %scan3A_34 = arith.constant 0 : i32
      %scan3A_35 = arith.constant 128 : i32
      %scan3A_36 = arith.addi %scan3A_34, %scan3A_35 : i32
      %scan3A_37 = arith.constant 2 : i32
      %scan3A_38:2 = scf.for %scan3A_137 = %scan3A_34 to %scan3A_36 step %scan3A_37 iter_args(%scan3A_138 = %scan3A_32, %scan3A_139 = %scan3A_33) -> (f32, i32)  : i32 {
        %mul3A_140 = arith.constant 16 : i32
        %mul3A_141 = arith.muli %scan3A_137, %mul3A_140 : i32
        %get3A = arith.index_cast %mul3A_141 : i32 to index
        %get3A_142 = tpu.vector_load %arg8[%get3A] {strides = array<i32>} : memref<2048xf32, #tpu.memory_space<vmem>>, vector<16xf32>,
        %broadcast_in_dim3A_143 = arith.constant true
        %broadcast_in_dim3A_144 = vector.broadcast %broadcast_in_dim3A_143 : i1 to vector<16xi1>
        %masked_cumsum3A = tpu.scan <sum>, %get3A_142 masked %broadcast_in_dim3A_144 : vector<16xf32>, vector<16xi1> -> vector<16xf32>
        %add3A_145 = vector.broadcast %scan3A_138 : f32 to vector<16xf32>
        %add3A_146 = arith.addf %masked_cumsum3A, %add3A_145 : vector<16xf32>
        %mul3A_147 = arith.constant 16 : i32
        %mul3A_148 = arith.muli %scan3A_137, %mul3A_147 : i32
        %swap3A = arith.index_cast %mul3A_148 : i32 to index
        %swap3A_149 = tpu.vector_load %arg10[%swap3A] {strides = array<i32>} : memref<2048xf32, #tpu.memory_space<vmem>>, vector<16xf32>,
        tpu.vector_store %arg10[%swap3A], %add3A_146 {strides = array<i32>} : memref<2048xf32, #tpu.memory_space<vmem>>, vector<16xf32>,
        %mul3A_150 = arith.constant 16 : i32
        %mul3A_151 = arith.muli %scan3A_137, %mul3A_150 : i32
        %add3A_152 = vector.broadcast %mul3A_151 : i32 to vector<16xi32>
        %add3A_153 = arith.addi %iota3A, %add3A_152 : vector<16xi32>
        %sub3A_154 = arith.constant 1 : i32
        %sub3A_155 = vector.broadcast %sub3A_154 : i32 to vector<16xi32>
        %sub3A_156 = arith.subi %add3A_153, %sub3A_155 : vector<16xi32>
        %max3A_157 = arith.constant 0 : i32
        %max3A_158 = vector.broadcast %max3A_157 : i32 to vector<16xi32>
        %max3A_159 = arith.maxsi %sub3A_156, %max3A_158 : vector<16xi32>
        %gather3A_160 = tpu.vector_load_idx %arg8[%max3A_159] : memref<2048xf32, #tpu.memory_space<vmem>>[vector<16xi32>], vector<16xf32>,
        %eq3A = arith.constant 0 : i32
        %eq3A_161 = vector.broadcast %eq3A : i32 to vector<16xi32>
        %eq3A_162 = arith.cmpi eq, %add3A_153, %eq3A_161 : vector<16xi32>
        %broadcast_in_dim3A_163 = vector.broadcast %cond3A : f32 to vector<16xf32>
        %select_n3A = arith.select %eq3A_162, %broadcast_in_dim3A_163, %gather3A_160 : vector<16xi1>, vector<16xf32>
        %sub3A_164 = arith.subf %select_n3A, %get3A_142 : vector<16xf32>
        %gt3A = arith.constant 1.000000e+00 : f32
        %gt3A_165 = vector.broadcast %gt3A : f32 to vector<16xf32>
        %gt3A_166 = arith.cmpf ogt, %sub3A_164, %gt3A_165 : vector<16xf32>
        %convert_element_type3A_167 = arith.extui %gt3A_166 : vector<16xi1> to vector<16xi32>
        %convert_element_type3A_168 = arith.sitofp %convert_element_type3A_167 : vector<16xi32> to vector<16xf32>
        %broadcast_in_dim3A_169 = arith.constant true
        %broadcast_in_dim3A_170 = vector.broadcast %broadcast_in_dim3A_169 : i1 to vector<16xi1>
        %masked_cumsum3A_171 = tpu.scan <sum>, %convert_element_type3A_168 masked %broadcast_in_dim3A_170 : vector<16xf32>, vector<16xi1> -> vector<16xf32>
        %sub3A_172 = arith.subf %masked_cumsum3A_171, %convert_element_type3A_168 : vector<16xf32>
        %convert_element_type3A_173 = arith.fptosi %sub3A_172 : vector<16xf32> to vector<16xi32>
        %add3A_174 = vector.broadcast %scan3A_139 : i32 to vector<16xi32>
        %add3A_175 = arith.addi %add3A_174, %convert_element_type3A_173 : vector<16xi32>
        tpu.vector_store_idx %arg11[%add3A_175], %add3A_153 masked %gt3A_166 : memref<2080xi32, #tpu.memory_space<vmem>>[vector<16xi32>], vector<16xi32>, vector<16xi1>
        %slice3A_176 = vector.extract_strided_slice %add3A_146 {offsets = [15], sizes = [1], strides = [1]} : vector<16xf32> to vector<1xf32>
        %squeeze3A_177 = vector.extract %slice3A_176[0] : f32 from vector<1xf32>
        %slice3A_178 = vector.extract_strided_slice %masked_cumsum3A_171 {offsets = [15], sizes = [1], strides = [1]} : vector<16xf32> to vector<1xf32>
        %squeeze3A_179 = vector.extract %slice3A_178[0] : f32 from vector<1xf32>
        %convert_element_type3A_180 = arith.fptosi %squeeze3A_179 : f32 to i32
        %add3A_181 = arith.addi %scan3A_139, %convert_element_type3A_180 : i32
        %scan3A_182 = arith.constant 1 : i32
        %scan3A_183 = arith.addi %scan3A_137, %scan3A_182 : i32
        %mul3A_184 = arith.constant 16 : i32
        %mul3A_185 = arith.muli %scan3A_183, %mul3A_184 : i32
        %get3A_186 = arith.index_cast %mul3A_185 : i32 to index
        %get3A_187 = tpu.vector_load %arg8[%get3A_186] {strides = array<i32>} : memref<2048xf32, #tpu.memory_space<vmem>>, vector<16xf32>,
        %broadcast_in_dim3A_188 = arith.constant true
        %broadcast_in_dim3A_189 = vector.broadcast %broadcast_in_dim3A_188 : i1 to vector<16xi1>
        %masked_cumsum3A_190 = tpu.scan <sum>, %get3A_187 masked %broadcast_in_dim3A_189 : vector<16xf32>, vector<16xi1> -> vector<16xf32>
        %add3A_191 = vector.broadcast %squeeze3A_177 : f32 to vector<16xf32>
        %add3A_192 = arith.addf %masked_cumsum3A_190, %add3A_191 : vector<16xf32>
        %mul3A_193 = arith.constant 16 : i32
        %mul3A_194 = arith.muli %scan3A_183, %mul3A_193 : i32
        %swap3A_195 = arith.index_cast %mul3A_194 : i32 to index
        %swap3A_196 = tpu.vector_load %arg10[%swap3A_195] {strides = array<i32>} : memref<2048xf32, #tpu.memory_space<vmem>>, vector<16xf32>,
        tpu.vector_store %arg10[%swap3A_195], %add3A_192 {strides = array<i32>} : memref<2048xf32, #tpu.memory_space<vmem>>, vector<16xf32>,
        %mul3A_197 = arith.constant 16 : i32
        %mul3A_198 = arith.muli %scan3A_183, %mul3A_197 : i32
        %add3A_199 = vector.broadcast %mul3A_198 : i32 to vector<16xi32>
        %add3A_200 = arith.addi %iota3A, %add3A_199 : vector<16xi32>
        %sub3A_201 = arith.constant 1 : i32
        %sub3A_202 = vector.broadcast %sub3A_201 : i32 to vector<16xi32>
        %sub3A_203 = arith.subi %add3A_200, %sub3A_202 : vector<16xi32>
        %max3A_204 = arith.constant 0 : i32
        %max3A_205 = vector.broadcast %max3A_204 : i32 to vector<16xi32>
        %max3A_206 = arith.maxsi %sub3A_203, %max3A_205 : vector<16xi32>
        %gather3A_207 = tpu.vector_load_idx %arg8[%max3A_206] : memref<2048xf32, #tpu.memory_space<vmem>>[vector<16xi32>], vector<16xf32>,
        %eq3A_208 = arith.constant 0 : i32
        %eq3A_209 = vector.broadcast %eq3A_208 : i32 to vector<16xi32>
        %eq3A_210 = arith.cmpi eq, %add3A_200, %eq3A_209 : vector<16xi32>
        %broadcast_in_dim3A_211 = vector.broadcast %cond3A : f32 to vector<16xf32>
        %select_n3A_212 = arith.select %eq3A_210, %broadcast_in_dim3A_211, %gather3A_207 : vector<16xi1>, vector<16xf32>
        %sub3A_213 = arith.subf %select_n3A_212, %get3A_187 : vector<16xf32>
        %gt3A_214 = arith.constant 1.000000e+00 : f32
        %gt3A_215 = vector.broadcast %gt3A_214 : f32 to vector<16xf32>
        %gt3A_216 = arith.cmpf ogt, %sub3A_213, %gt3A_215 : vector<16xf32>
        %convert_element_type3A_217 = arith.extui %gt3A_216 : vector<16xi1> to vector<16xi32>
        %convert_element_type3A_218 = arith.sitofp %convert_element_type3A_217 : vector<16xi32> to vector<16xf32>
        %broadcast_in_dim3A_219 = arith.constant true
        %broadcast_in_dim3A_220 = vector.broadcast %broadcast_in_dim3A_219 : i1 to vector<16xi1>
        %masked_cumsum3A_221 = tpu.scan <sum>, %convert_element_type3A_218 masked %broadcast_in_dim3A_220 : vector<16xf32>, vector<16xi1> -> vector<16xf32>
        %sub3A_222 = arith.subf %masked_cumsum3A_221, %convert_element_type3A_218 : vector<16xf32>
        %convert_element_type3A_223 = arith.fptosi %sub3A_222 : vector<16xf32> to vector<16xi32>
        %add3A_224 = vector.broadcast %add3A_181 : i32 to vector<16xi32>
        %add3A_225 = arith.addi %add3A_224, %convert_element_type3A_223 : vector<16xi32>
        tpu.vector_store_idx %arg11[%add3A_225], %add3A_200 masked %gt3A_216 : memref<2080xi32, #tpu.memory_space<vmem>>[vector<16xi32>], vector<16xi32>, vector<16xi1>
        %slice3A_226 = vector.extract_strided_slice %add3A_192 {offsets = [15], sizes = [1], strides = [1]} : vector<16xf32> to vector<1xf32>
        %squeeze3A_227 = vector.extract %slice3A_226[0] : f32 from vector<1xf32>
        %slice3A_228 = vector.extract_strided_slice %masked_cumsum3A_221 {offsets = [15], sizes = [1], strides = [1]} : vector<16xf32> to vector<1xf32>
        %squeeze3A_229 = vector.extract %slice3A_228[0] : f32 from vector<1xf32>
        %convert_element_type3A_230 = arith.fptosi %squeeze3A_229 : f32 to i32
        %add3A_231 = arith.addi %add3A_181, %convert_element_type3A_230 : i32
        scf.yield %squeeze3A_227, %add3A_231 : f32, i32
      }
      %scan3A_39 = arith.constant 128 : i32
      %broadcast_in_dim3A = vector.broadcast %scan3A_38#1 : i32 to vector<16xi32>
      %broadcast_in_dim3A_40 = arith.constant 2048 : i32
      %broadcast_in_dim3A_41 = vector.broadcast %broadcast_in_dim3A_40 : i32 to vector<16xi32>
      tpu.vector_store_idx %arg11[%broadcast_in_dim3A], %broadcast_in_dim3A_41 : memref<2080xi32, #tpu.memory_space<vmem>>[vector<16xi32>], vector<16xi32>,
      %add3A_42 = arith.constant 15 : i32
      %add3A_43 = arith.addi %scan3A_38#1, %add3A_42 : i32
      %shift_right_arithmetic3A = arith.constant 4 : i32
      %shift_right_arithmetic3A_44 = arith.shrsi %add3A_43, %shift_right_arithmetic3A : i32
      %while3A = arith.constant 0 : i32
      %while3A_45 = arith.constant 0 : i32
      %while3A_46 = arith.subi %shift_right_arithmetic3A_44, %while3A : i32
      %while3A_47 = arith.addi %while3A, %while3A_46 : i32
      %while3A_48 = arith.constant 1 : i32
      %while3A_49 = arith.divsi %while3A_46, %while3A_48 : i32
      %while3A_50 = arith.muli %while3A_49, %while3A_48 : i32
      %while3A_51 = arith.addi %while3A, %while3A_50 : i32
      %while3A_52 = arith.constant 1 : i32
      %while3A_53 = scf.for %while3A_137 = %while3A to %while3A_51 step %while3A_52 iter_args(%while3A_138 = %while3A_45) -> (i32)  : i32 {
        %mul3A_139 = arith.constant 16 : i32
        %mul3A_140 = arith.muli %while3A_137, %mul3A_139 : i32
        %add3A_141 = vector.broadcast %mul3A_140 : i32 to vector<16xi32>
        %add3A_142 = arith.addi %iota3A, %add3A_141 : vector<16xi32>
        %lt3A_143 = vector.broadcast %scan3A_38#1 : i32 to vector<16xi32>
        %lt3A_144 = arith.cmpi slt, %add3A_142, %lt3A_143 : vector<16xi32>
        %jit3A = arith.constant 0 : i32
        %broadcast_in_dim3A_145 = vector.broadcast %jit3A : i32 to vector<16xi32>
        %select_n3A = arith.select %lt3A_144, %add3A_142, %broadcast_in_dim3A_145 : vector<16xi1>, vector<16xi32>
        %gather3A_146 = tpu.vector_load_idx %arg11[%select_n3A] : memref<2080xi32, #tpu.memory_space<vmem>>[vector<16xi32>], vector<16xi32>,
        %add3A_147 = arith.constant 1 : i32
        %add3A_148 = vector.broadcast %add3A_147 : i32 to vector<16xi32>
        %add3A_149 = arith.addi %select_n3A, %add3A_148 : vector<16xi32>
        %gather3A_150 = tpu.vector_load_idx %arg11[%add3A_149] : memref<2080xi32, #tpu.memory_space<vmem>>[vector<16xi32>], vector<16xi32>,
        %convert_element_type3A_151 = arith.sitofp %gather3A_146 : vector<16xi32> to vector<16xf32>
        %convert_element_type3A_152 = arith.sitofp %gather3A_150 : vector<16xi32> to vector<16xf32>
        %eq3A = arith.constant 0 : i32
        %eq3A_153 = vector.broadcast %eq3A : i32 to vector<16xi32>
        %eq3A_154 = arith.cmpi eq, %gather3A_146, %eq3A_153 : vector<16xi32>
        %sub3A_155 = arith.constant 1 : i32
        %sub3A_156 = vector.broadcast %sub3A_155 : i32 to vector<16xi32>
        %sub3A_157 = arith.subi %gather3A_146, %sub3A_156 : vector<16xi32>
        %max3A_158 = arith.constant 0 : i32
        %max3A_159 = vector.broadcast %max3A_158 : i32 to vector<16xi32>
        %max3A_160 = arith.maxsi %sub3A_157, %max3A_159 : vector<16xi32>
        %gather3A_161 = tpu.vector_load_idx %arg10[%max3A_160] : memref<2048xf32, #tpu.memory_space<vmem>>[vector<16xi32>], vector<16xf32>,
        %jit3A_162 = arith.constant 0.000000e+00 : f32
        %broadcast_in_dim3A_163 = vector.broadcast %jit3A_162 : f32 to vector<16xf32>
        %select_n3A_164 = arith.select %eq3A_154, %broadcast_in_dim3A_163, %gather3A_161 : vector<16xi1>, vector<16xf32>
        %sub3A_165 = arith.constant 1 : i32
        %sub3A_166 = vector.broadcast %sub3A_165 : i32 to vector<16xi32>
        %sub3A_167 = arith.subi %gather3A_150, %sub3A_166 : vector<16xi32>
        %max3A_168 = arith.constant 0 : i32
        %max3A_169 = vector.broadcast %max3A_168 : i32 to vector<16xi32>
        %max3A_170 = arith.maxsi %sub3A_167, %max3A_169 : vector<16xi32>
        %gather3A_171 = tpu.vector_load_idx %arg10[%max3A_170] : memref<2048xf32, #tpu.memory_space<vmem>>[vector<16xi32>], vector<16xf32>,
        %sub3A_172 = arith.subf %convert_element_type3A_152, %convert_element_type3A_151 : vector<16xf32>
        %sub3A_173 = arith.subf %gather3A_171, %select_n3A_164 : vector<16xf32>
        %mul3A_174 = arith.constant 2.047000e+03 : f32
        %mul3A_175 = vector.broadcast %mul3A_174 : f32 to vector<16xf32>
        %mul3A_176 = arith.mulf %sub3A_172, %mul3A_175 : vector<16xf32>
        %add3A_177 = arith.addf %convert_element_type3A_151, %convert_element_type3A_152 : vector<16xf32>
        %sub3A_178 = arith.constant 1.000000e+00 : f32
        %sub3A_179 = vector.broadcast %sub3A_178 : f32 to vector<16xf32>
        %sub3A_180 = arith.subf %add3A_177, %sub3A_179 : vector<16xf32>
        %mul3A_181 = arith.mulf %sub3A_180, %sub3A_172 : vector<16xf32>
        %mul3A_182 = arith.constant 5.000000e-01 : f32
        %mul3A_183 = vector.broadcast %mul3A_182 : f32 to vector<16xf32>
        %mul3A_184 = arith.mulf %mul3A_181, %mul3A_183 : vector<16xf32>
        %sub3A_185 = arith.subf %mul3A_176, %mul3A_184 : vector<16xf32>
        %mul3A_186 = arith.constant 1.000000e+00 : f32
        %mul3A_187 = vector.broadcast %mul3A_186 : f32 to vector<16xf32>
        %mul3A_188 = arith.mulf %mul3A_187, %sub3A_185 : vector<16xf32>
        %sub3A_189 = arith.subi %gather3A_150, %gather3A_146 : vector<16xi32>
        %jit3A_190 = arith.constant 1 : i32
        %broadcast_in_dim3A_191 = vector.broadcast %jit3A_190 : i32 to vector<16xi32>
        %select_n3A_192 = arith.select %lt3A_144, %sub3A_189, %broadcast_in_dim3A_191 : vector<16xi1>, vector<16xi32>
        %gather3A_193 = tpu.vector_load_idx %arg19[%select_n3A_192] : memref<2064xf32, #tpu.memory_space<vmem>>[vector<16xi32>], vector<16xf32>,
        %sub3A_194 = arith.subf %sub3A_173, %mul3A_188 : vector<16xf32>
        %mul3A_195 = arith.mulf %sub3A_194, %gather3A_193 : vector<16xf32>
        %swap3A = arith.index_cast %mul3A_140 : i32 to index
        %swap3A_196 = tpu.vector_load %arg12[%swap3A] {strides = array<i32>} : memref<2064xf32, #tpu.memory_space<vmem>>, vector<16xf32>,
        tpu.vector_store %arg12[%swap3A], %mul3A_195 {strides = array<i32>} : memref<2064xf32, #tpu.memory_space<vmem>>, vector<16xf32>,
        %jit3A_197 = arith.constant 0.000000e+00 : f32
        %broadcast_in_dim3A_198 = vector.broadcast %jit3A_197 : f32 to vector<16xf32>
        %select_n3A_199 = arith.select %lt3A_144, %sub3A_172, %broadcast_in_dim3A_198 : vector<16xi1>, vector<16xf32>
        %swap3A_200 = arith.index_cast %mul3A_140 : i32 to index
        %swap3A_201 = tpu.vector_load %arg13[%swap3A_200] {strides = array<i32>} : memref<2064xf32, #tpu.memory_space<vmem>>, vector<16xf32>,
        tpu.vector_store %arg13[%swap3A_200], %select_n3A_199 {strides = array<i32>} : memref<2064xf32, #tpu.memory_space<vmem>>, vector<16xf32>,
        %while3A_202 = arith.constant 0 : i32
        scf.yield %while3A_202 : i32
      }
      %while3A_54 = arith.constant 1 : i32
      %while3A_55 = scf.for %while3A_137 = %while3A_51 to %while3A_47 step %while3A_54 iter_args(%while3A_138 = %while3A_53) -> (i32)  : i32 {
        %mul3A_139 = arith.constant 16 : i32
        %mul3A_140 = arith.muli %while3A_137, %mul3A_139 : i32
        %add3A_141 = vector.broadcast %mul3A_140 : i32 to vector<16xi32>
        %add3A_142 = arith.addi %iota3A, %add3A_141 : vector<16xi32>
        %lt3A_143 = vector.broadcast %scan3A_38#1 : i32 to vector<16xi32>
        %lt3A_144 = arith.cmpi slt, %add3A_142, %lt3A_143 : vector<16xi32>
        %jit3A = arith.constant 0 : i32
        %broadcast_in_dim3A_145 = vector.broadcast %jit3A : i32 to vector<16xi32>
        %select_n3A = arith.select %lt3A_144, %add3A_142, %broadcast_in_dim3A_145 : vector<16xi1>, vector<16xi32>
        %gather3A_146 = tpu.vector_load_idx %arg11[%select_n3A] : memref<2080xi32, #tpu.memory_space<vmem>>[vector<16xi32>], vector<16xi32>,
        %add3A_147 = arith.constant 1 : i32
        %add3A_148 = vector.broadcast %add3A_147 : i32 to vector<16xi32>
        %add3A_149 = arith.addi %select_n3A, %add3A_148 : vector<16xi32>
        %gather3A_150 = tpu.vector_load_idx %arg11[%add3A_149] : memref<2080xi32, #tpu.memory_space<vmem>>[vector<16xi32>], vector<16xi32>,
        %convert_element_type3A_151 = arith.sitofp %gather3A_146 : vector<16xi32> to vector<16xf32>
        %convert_element_type3A_152 = arith.sitofp %gather3A_150 : vector<16xi32> to vector<16xf32>
        %eq3A = arith.constant 0 : i32
        %eq3A_153 = vector.broadcast %eq3A : i32 to vector<16xi32>
        %eq3A_154 = arith.cmpi eq, %gather3A_146, %eq3A_153 : vector<16xi32>
        %sub3A_155 = arith.constant 1 : i32
        %sub3A_156 = vector.broadcast %sub3A_155 : i32 to vector<16xi32>
        %sub3A_157 = arith.subi %gather3A_146, %sub3A_156 : vector<16xi32>
        %max3A_158 = arith.constant 0 : i32
        %max3A_159 = vector.broadcast %max3A_158 : i32 to vector<16xi32>
        %max3A_160 = arith.maxsi %sub3A_157, %max3A_159 : vector<16xi32>
        %gather3A_161 = tpu.vector_load_idx %arg10[%max3A_160] : memref<2048xf32, #tpu.memory_space<vmem>>[vector<16xi32>], vector<16xf32>,
        %jit3A_162 = arith.constant 0.000000e+00 : f32
        %broadcast_in_dim3A_163 = vector.broadcast %jit3A_162 : f32 to vector<16xf32>
        %select_n3A_164 = arith.select %eq3A_154, %broadcast_in_dim3A_163, %gather3A_161 : vector<16xi1>, vector<16xf32>
        %sub3A_165 = arith.constant 1 : i32
        %sub3A_166 = vector.broadcast %sub3A_165 : i32 to vector<16xi32>
        %sub3A_167 = arith.subi %gather3A_150, %sub3A_166 : vector<16xi32>
        %max3A_168 = arith.constant 0 : i32
        %max3A_169 = vector.broadcast %max3A_168 : i32 to vector<16xi32>
        %max3A_170 = arith.maxsi %sub3A_167, %max3A_169 : vector<16xi32>
        %gather3A_171 = tpu.vector_load_idx %arg10[%max3A_170] : memref<2048xf32, #tpu.memory_space<vmem>>[vector<16xi32>], vector<16xf32>,
        %sub3A_172 = arith.subf %convert_element_type3A_152, %convert_element_type3A_151 : vector<16xf32>
        %sub3A_173 = arith.subf %gather3A_171, %select_n3A_164 : vector<16xf32>
        %mul3A_174 = arith.constant 2.047000e+03 : f32
        %mul3A_175 = vector.broadcast %mul3A_174 : f32 to vector<16xf32>
        %mul3A_176 = arith.mulf %sub3A_172, %mul3A_175 : vector<16xf32>
        %add3A_177 = arith.addf %convert_element_type3A_151, %convert_element_type3A_152 : vector<16xf32>
        %sub3A_178 = arith.constant 1.000000e+00 : f32
        %sub3A_179 = vector.broadcast %sub3A_178 : f32 to vector<16xf32>
        %sub3A_180 = arith.subf %add3A_177, %sub3A_179 : vector<16xf32>
        %mul3A_181 = arith.mulf %sub3A_180, %sub3A_172 : vector<16xf32>
        %mul3A_182 = arith.constant 5.000000e-01 : f32
        %mul3A_183 = vector.broadcast %mul3A_182 : f32 to vector<16xf32>
        %mul3A_184 = arith.mulf %mul3A_181, %mul3A_183 : vector<16xf32>
        %sub3A_185 = arith.subf %mul3A_176, %mul3A_184 : vector<16xf32>
        %mul3A_186 = arith.constant 1.000000e+00 : f32
        %mul3A_187 = vector.broadcast %mul3A_186 : f32 to vector<16xf32>
        %mul3A_188 = arith.mulf %mul3A_187, %sub3A_185 : vector<16xf32>
        %sub3A_189 = arith.subi %gather3A_150, %gather3A_146 : vector<16xi32>
        %jit3A_190 = arith.constant 1 : i32
        %broadcast_in_dim3A_191 = vector.broadcast %jit3A_190 : i32 to vector<16xi32>
        %select_n3A_192 = arith.select %lt3A_144, %sub3A_189, %broadcast_in_dim3A_191 : vector<16xi1>, vector<16xi32>
        %gather3A_193 = tpu.vector_load_idx %arg19[%select_n3A_192] : memref<2064xf32, #tpu.memory_space<vmem>>[vector<16xi32>], vector<16xf32>,
        %sub3A_194 = arith.subf %sub3A_173, %mul3A_188 : vector<16xf32>
        %mul3A_195 = arith.mulf %sub3A_194, %gather3A_193 : vector<16xf32>
        %swap3A = arith.index_cast %mul3A_140 : i32 to index
        %swap3A_196 = tpu.vector_load %arg12[%swap3A] {strides = array<i32>} : memref<2064xf32, #tpu.memory_space<vmem>>, vector<16xf32>,
        tpu.vector_store %arg12[%swap3A], %mul3A_195 {strides = array<i32>} : memref<2064xf32, #tpu.memory_space<vmem>>, vector<16xf32>,
        %jit3A_197 = arith.constant 0.000000e+00 : f32
        %broadcast_in_dim3A_198 = vector.broadcast %jit3A_197 : f32 to vector<16xf32>
        %select_n3A_199 = arith.select %lt3A_144, %sub3A_172, %broadcast_in_dim3A_198 : vector<16xi1>, vector<16xf32>
        %swap3A_200 = arith.index_cast %mul3A_140 : i32 to index
        %swap3A_201 = tpu.vector_load %arg13[%swap3A_200] {strides = array<i32>} : memref<2064xf32, #tpu.memory_space<vmem>>, vector<16xf32>,
        tpu.vector_store %arg13[%swap3A_200], %select_n3A_199 {strides = array<i32>} : memref<2064xf32, #tpu.memory_space<vmem>>, vector<16xf32>,
        %while3A_202 = arith.constant 0 : i32
        scf.yield %while3A_202 : i32
      }
      %while3A_56 = arith.constant 0 : i32
      %while3A_57 = arith.constant 1 : i32
      %while3A_58 = arith.constant 1.000000e+00 : f32
      %while3A_59 = arith.subi %scan3A_38#1, %while3A_56 : i32
      %while3A_60 = arith.addi %while3A_56, %while3A_59 : i32
      %while3A_61 = arith.constant 1 : i32
      %while3A_62 = arith.divsi %while3A_59, %while3A_61 : i32
      %while3A_63 = arith.muli %while3A_62, %while3A_61 : i32
      %while3A_64 = arith.addi %while3A_56, %while3A_63 : i32
      %while3A_65 = arith.constant 1 : i32
      %while3A_66:3 = scf.for %while3A_137 = %while3A_56 to %while3A_64 step %while3A_65 iter_args(%while3A_138 = %while3A_57, %while3A_139 = %cond3A, %while3A_140 = %while3A_58) -> (i32, f32, f32)  : i32 {
        %broadcast_in_dim3A_141 = vector.broadcast %while3A_137 : i32 to vector<16xi32>
        %gather3A_142 = tpu.vector_load_idx %arg12[%broadcast_in_dim3A_141] : memref<2064xf32, #tpu.memory_space<vmem>>[vector<16xi32>], vector<16xf32>,
        %slice3A_143 = vector.extract_strided_slice %gather3A_142 {offsets = [0], sizes = [1], strides = [1]} : vector<16xf32> to vector<1xf32>
        %squeeze3A_144 = vector.extract %slice3A_143[0] : f32 from vector<1xf32>
        %broadcast_in_dim3A_145 = vector.broadcast %while3A_137 : i32 to vector<16xi32>
        %gather3A_146 = tpu.vector_load_idx %arg13[%broadcast_in_dim3A_145] : memref<2064xf32, #tpu.memory_space<vmem>>[vector<16xi32>], vector<16xf32>,
        %slice3A_147 = vector.extract_strided_slice %gather3A_146 {offsets = [0], sizes = [1], strides = [1]} : vector<16xf32> to vector<1xf32>
        %squeeze3A_148 = vector.extract %slice3A_147[0] : f32 from vector<1xf32>
        %while3A_149:5 = scf.while (%while3A_160 = %while3A_138, %while3A_161 = %while3A_139, %while3A_162 = %while3A_140, %while3A_163 = %squeeze3A_144, %while3A_164 = %squeeze3A_148) : (i32, f32, f32, f32, f32) -> (i32, f32, f32, f32, f32) {
          %le3A = arith.cmpf ole, %while3A_161, %while3A_163 : f32
          scf.condition(%le3A) %while3A_160, %while3A_161, %while3A_162, %while3A_163, %while3A_164 : i32, f32, f32, f32, f32
        } do {
        ^bb0(%while3A_160: i32, %while3A_161: f32, %while3A_162: f32, %while3A_163: f32, %while3A_164: f32):
          %add3A_165 = arith.addf %while3A_162, %while3A_164 : f32
          %mul3A_166 = arith.mulf %while3A_161, %while3A_162 : f32
          %mul3A_167 = arith.mulf %while3A_163, %while3A_164 : f32
          %add3A_168 = arith.addf %mul3A_166, %mul3A_167 : f32
          %convert_element_type3A_169 = arith.fptosi %add3A_165 : f32 to i32
          %broadcast_in_dim3A_170 = vector.broadcast %convert_element_type3A_169 : i32 to vector<16xi32>
          %gather3A_171 = tpu.vector_load_idx %arg19[%broadcast_in_dim3A_170] : memref<2064xf32, #tpu.memory_space<vmem>>[vector<16xi32>], vector<16xf32>,
          %slice3A_172 = vector.extract_strided_slice %gather3A_171 {offsets = [0], sizes = [1], strides = [1]} : vector<16xf32> to vector<1xf32>
          %squeeze3A_173 = vector.extract %slice3A_172[0] : f32 from vector<1xf32>
          %mul3A_174 = arith.mulf %add3A_168, %squeeze3A_173 : f32
          %sub3A_175 = arith.constant 1 : i32
          %sub3A_176 = arith.subi %while3A_160, %sub3A_175 : i32
          %sub3A_177 = arith.constant 1 : i32
          %sub3A_178 = arith.subi %sub3A_176, %sub3A_177 : i32
          %broadcast_in_dim3A_179 = vector.broadcast %sub3A_178 : i32 to vector<16xi32>
          %gather3A_180 = tpu.vector_load_idx %arg14[%broadcast_in_dim3A_179] : memref<2064xf32, #tpu.memory_space<vmem>>[vector<16xi32>], vector<16xf32>,
          %slice3A_181 = vector.extract_strided_slice %gather3A_180 {offsets = [0], sizes = [1], strides = [1]} : vector<16xf32> to vector<1xf32>
          %squeeze3A_182 = vector.extract %slice3A_181[0] : f32 from vector<1xf32>
          %sub3A_183 = arith.constant 1 : i32
          %sub3A_184 = arith.subi %sub3A_176, %sub3A_183 : i32
          %broadcast_in_dim3A_185 = vector.broadcast %sub3A_184 : i32 to vector<16xi32>
          %gather3A_186 = tpu.vector_load_idx %arg15[%broadcast_in_dim3A_185] : memref<2064xf32, #tpu.memory_space<vmem>>[vector<16xi32>], vector<16xf32>,
          %slice3A_187 = vector.extract_strided_slice %gather3A_186 {offsets = [0], sizes = [1], strides = [1]} : vector<16xf32> to vector<1xf32>
          %squeeze3A_188 = vector.extract %slice3A_187[0] : f32 from vector<1xf32>
          scf.yield %sub3A_176, %squeeze3A_182, %squeeze3A_188, %mul3A_174, %add3A_165 : i32, f32, f32, f32, f32
        }
        %sub3A_150 = arith.constant 1 : i32
        %sub3A_151 = arith.subi %while3A_149#0, %sub3A_150 : i32
        %broadcast_in_dim3A_152 = vector.broadcast %sub3A_151 : i32 to vector<16xi32>
        %broadcast_in_dim3A_153 = vector.broadcast %while3A_149#1 : f32 to vector<16xf32>
        tpu.vector_store_idx %arg14[%broadcast_in_dim3A_152], %broadcast_in_dim3A_153 : memref<2064xf32, #tpu.memory_space<vmem>>[vector<16xi32>], vector<16xf32>,
        %sub3A_154 = arith.constant 1 : i32
        %sub3A_155 = arith.subi %while3A_149#0, %sub3A_154 : i32
        %broadcast_in_dim3A_156 = vector.broadcast %sub3A_155 : i32 to vector<16xi32>
        %broadcast_in_dim3A_157 = vector.broadcast %while3A_149#2 : f32 to vector<16xf32>
        tpu.vector_store_idx %arg15[%broadcast_in_dim3A_156], %broadcast_in_dim3A_157 : memref<2064xf32, #tpu.memory_space<vmem>>[vector<16xi32>], vector<16xf32>,
        %add3A_158 = arith.constant 1 : i32
        %add3A_159 = arith.addi %while3A_149#0, %add3A_158 : i32
        scf.yield %add3A_159, %while3A_149#3, %while3A_149#4 : i32, f32, f32
      }
      %while3A_67 = arith.constant 1 : i32
      %while3A_68:3 = scf.for %while3A_137 = %while3A_64 to %while3A_60 step %while3A_67 iter_args(%while3A_138 = %while3A_66#0, %while3A_139 = %while3A_66#1, %while3A_140 = %while3A_66#2) -> (i32, f32, f32)  : i32 {
        %broadcast_in_dim3A_141 = vector.broadcast %while3A_137 : i32 to vector<16xi32>
        %gather3A_142 = tpu.vector_load_idx %arg12[%broadcast_in_dim3A_141] : memref<2064xf32, #tpu.memory_space<vmem>>[vector<16xi32>], vector<16xf32>,
        %slice3A_143 = vector.extract_strided_slice %gather3A_142 {offsets = [0], sizes = [1], strides = [1]} : vector<16xf32> to vector<1xf32>
        %squeeze3A_144 = vector.extract %slice3A_143[0] : f32 from vector<1xf32>
        %broadcast_in_dim3A_145 = vector.broadcast %while3A_137 : i32 to vector<16xi32>
        %gather3A_146 = tpu.vector_load_idx %arg13[%broadcast_in_dim3A_145] : memref<2064xf32, #tpu.memory_space<vmem>>[vector<16xi32>], vector<16xf32>,
        %slice3A_147 = vector.extract_strided_slice %gather3A_146 {offsets = [0], sizes = [1], strides = [1]} : vector<16xf32> to vector<1xf32>
        %squeeze3A_148 = vector.extract %slice3A_147[0] : f32 from vector<1xf32>
        %while3A_149:5 = scf.while (%while3A_160 = %while3A_138, %while3A_161 = %while3A_139, %while3A_162 = %while3A_140, %while3A_163 = %squeeze3A_144, %while3A_164 = %squeeze3A_148) : (i32, f32, f32, f32, f32) -> (i32, f32, f32, f32, f32) {
          %le3A = arith.cmpf ole, %while3A_161, %while3A_163 : f32
          scf.condition(%le3A) %while3A_160, %while3A_161, %while3A_162, %while3A_163, %while3A_164 : i32, f32, f32, f32, f32
        } do {
        ^bb0(%while3A_160: i32, %while3A_161: f32, %while3A_162: f32, %while3A_163: f32, %while3A_164: f32):
          %add3A_165 = arith.addf %while3A_162, %while3A_164 : f32
          %mul3A_166 = arith.mulf %while3A_161, %while3A_162 : f32
          %mul3A_167 = arith.mulf %while3A_163, %while3A_164 : f32
          %add3A_168 = arith.addf %mul3A_166, %mul3A_167 : f32
          %convert_element_type3A_169 = arith.fptosi %add3A_165 : f32 to i32
          %broadcast_in_dim3A_170 = vector.broadcast %convert_element_type3A_169 : i32 to vector<16xi32>
          %gather3A_171 = tpu.vector_load_idx %arg19[%broadcast_in_dim3A_170] : memref<2064xf32, #tpu.memory_space<vmem>>[vector<16xi32>], vector<16xf32>,
          %slice3A_172 = vector.extract_strided_slice %gather3A_171 {offsets = [0], sizes = [1], strides = [1]} : vector<16xf32> to vector<1xf32>
          %squeeze3A_173 = vector.extract %slice3A_172[0] : f32 from vector<1xf32>
          %mul3A_174 = arith.mulf %add3A_168, %squeeze3A_173 : f32
          %sub3A_175 = arith.constant 1 : i32
          %sub3A_176 = arith.subi %while3A_160, %sub3A_175 : i32
          %sub3A_177 = arith.constant 1 : i32
          %sub3A_178 = arith.subi %sub3A_176, %sub3A_177 : i32
          %broadcast_in_dim3A_179 = vector.broadcast %sub3A_178 : i32 to vector<16xi32>
          %gather3A_180 = tpu.vector_load_idx %arg14[%broadcast_in_dim3A_179] : memref<2064xf32, #tpu.memory_space<vmem>>[vector<16xi32>], vector<16xf32>,
          %slice3A_181 = vector.extract_strided_slice %gather3A_180 {offsets = [0], sizes = [1], strides = [1]} : vector<16xf32> to vector<1xf32>
          %squeeze3A_182 = vector.extract %slice3A_181[0] : f32 from vector<1xf32>
          %sub3A_183 = arith.constant 1 : i32
          %sub3A_184 = arith.subi %sub3A_176, %sub3A_183 : i32
          %broadcast_in_dim3A_185 = vector.broadcast %sub3A_184 : i32 to vector<16xi32>
          %gather3A_186 = tpu.vector_load_idx %arg15[%broadcast_in_dim3A_185] : memref<2064xf32, #tpu.memory_space<vmem>>[vector<16xi32>], vector<16xf32>,
          %slice3A_187 = vector.extract_strided_slice %gather3A_186 {offsets = [0], sizes = [1], strides = [1]} : vector<16xf32> to vector<1xf32>
          %squeeze3A_188 = vector.extract %slice3A_187[0] : f32 from vector<1xf32>
          scf.yield %sub3A_176, %squeeze3A_182, %squeeze3A_188, %mul3A_174, %add3A_165 : i32, f32, f32, f32, f32
        }
        %sub3A_150 = arith.constant 1 : i32
        %sub3A_151 = arith.subi %while3A_149#0, %sub3A_150 : i32
        %broadcast_in_dim3A_152 = vector.broadcast %sub3A_151 : i32 to vector<16xi32>
        %broadcast_in_dim3A_153 = vector.broadcast %while3A_149#1 : f32 to vector<16xf32>
        tpu.vector_store_idx %arg14[%broadcast_in_dim3A_152], %broadcast_in_dim3A_153 : memref<2064xf32, #tpu.memory_space<vmem>>[vector<16xi32>], vector<16xf32>,
        %sub3A_154 = arith.constant 1 : i32
        %sub3A_155 = arith.subi %while3A_149#0, %sub3A_154 : i32
        %broadcast_in_dim3A_156 = vector.broadcast %sub3A_155 : i32 to vector<16xi32>
        %broadcast_in_dim3A_157 = vector.broadcast %while3A_149#2 : f32 to vector<16xf32>
        tpu.vector_store_idx %arg15[%broadcast_in_dim3A_156], %broadcast_in_dim3A_157 : memref<2064xf32, #tpu.memory_space<vmem>>[vector<16xi32>], vector<16xf32>,
        %add3A_158 = arith.constant 1 : i32
        %add3A_159 = arith.addi %while3A_149#0, %add3A_158 : i32
        scf.yield %add3A_159, %while3A_149#3, %while3A_149#4 : i32, f32, f32
      }
      %sub3A = arith.constant 1 : i32
      %sub3A_69 = arith.subi %while3A_68#0, %sub3A : i32
      %broadcast_in_dim3A_70 = vector.broadcast %sub3A_69 : i32 to vector<16xi32>
      %broadcast_in_dim3A_71 = vector.broadcast %while3A_68#1 : f32 to vector<16xf32>
      tpu.vector_store_idx %arg14[%broadcast_in_dim3A_70], %broadcast_in_dim3A_71 : memref<2064xf32, #tpu.memory_space<vmem>>[vector<16xi32>], vector<16xf32>,
      %sub3A_72 = arith.constant 1 : i32
      %sub3A_73 = arith.subi %while3A_68#0, %sub3A_72 : i32
      %broadcast_in_dim3A_74 = vector.broadcast %sub3A_73 : i32 to vector<16xi32>
      %broadcast_in_dim3A_75 = vector.broadcast %while3A_68#2 : f32 to vector<16xf32>
      tpu.vector_store_idx %arg15[%broadcast_in_dim3A_74], %broadcast_in_dim3A_75 : memref<2064xf32, #tpu.memory_space<vmem>>[vector<16xi32>], vector<16xf32>,
      %scan3A_76 = arith.constant 0 : i32
      %scan3A_77 = arith.constant 0 : i32
      %scan3A_78 = arith.constant 128 : i32
      %scan3A_79 = arith.addi %scan3A_77, %scan3A_78 : i32
      %scan3A_80 = arith.constant 8 : i32
      %scan3A_81 = scf.for %scan3A_137 = %scan3A_77 to %scan3A_79 step %scan3A_80 iter_args(%scan3A_138 = %scan3A_76) -> (i32)  : i32 {
        %broadcast_in_dim3A_139 = vector.broadcast %cond3A : f32 to vector<16xf32>
        %mul3A_140 = arith.constant 16 : i32
        %mul3A_141 = arith.muli %scan3A_137, %mul3A_140 : i32
        %swap3A = arith.index_cast %mul3A_141 : i32 to index
        %swap3A_142 = tpu.vector_load %arg16[%swap3A] {strides = array<i32>} : memref<2048xf32, #tpu.memory_space<vmem>>, vector<16xf32>,
        tpu.vector_store %arg16[%swap3A], %broadcast_in_dim3A_139 {strides = array<i32>} : memref<2048xf32, #tpu.memory_space<vmem>>, vector<16xf32>,
        %scan3A_143 = arith.constant 0 : i32
        %scan3A_144 = arith.constant 1 : i32
        %scan3A_145 = arith.addi %scan3A_137, %scan3A_144 : i32
        %broadcast_in_dim3A_146 = vector.broadcast %cond3A : f32 to vector<16xf32>
        %mul3A_147 = arith.constant 16 : i32
        %mul3A_148 = arith.muli %scan3A_145, %mul3A_147 : i32
        %swap3A_149 = arith.index_cast %mul3A_148 : i32 to index
        %swap3A_150 = tpu.vector_load %arg16[%swap3A_149] {strides = array<i32>} : memref<2048xf32, #tpu.memory_space<vmem>>, vector<16xf32>,
        tpu.vector_store %arg16[%swap3A_149], %broadcast_in_dim3A_146 {strides = array<i32>} : memref<2048xf32, #tpu.memory_space<vmem>>, vector<16xf32>,
        %scan3A_151 = arith.constant 0 : i32
        %scan3A_152 = arith.constant 2 : i32
        %scan3A_153 = arith.addi %scan3A_137, %scan3A_152 : i32
        %broadcast_in_dim3A_154 = vector.broadcast %cond3A : f32 to vector<16xf32>
        %mul3A_155 = arith.constant 16 : i32
        %mul3A_156 = arith.muli %scan3A_153, %mul3A_155 : i32
        %swap3A_157 = arith.index_cast %mul3A_156 : i32 to index
        %swap3A_158 = tpu.vector_load %arg16[%swap3A_157] {strides = array<i32>} : memref<2048xf32, #tpu.memory_space<vmem>>, vector<16xf32>,
        tpu.vector_store %arg16[%swap3A_157], %broadcast_in_dim3A_154 {strides = array<i32>} : memref<2048xf32, #tpu.memory_space<vmem>>, vector<16xf32>,
        %scan3A_159 = arith.constant 0 : i32
        %scan3A_160 = arith.constant 3 : i32
        %scan3A_161 = arith.addi %scan3A_137, %scan3A_160 : i32
        %broadcast_in_dim3A_162 = vector.broadcast %cond3A : f32 to vector<16xf32>
        %mul3A_163 = arith.constant 16 : i32
        %mul3A_164 = arith.muli %scan3A_161, %mul3A_163 : i32
        %swap3A_165 = arith.index_cast %mul3A_164 : i32 to index
        %swap3A_166 = tpu.vector_load %arg16[%swap3A_165] {strides = array<i32>} : memref<2048xf32, #tpu.memory_space<vmem>>, vector<16xf32>,
        tpu.vector_store %arg16[%swap3A_165], %broadcast_in_dim3A_162 {strides = array<i32>} : memref<2048xf32, #tpu.memory_space<vmem>>, vector<16xf32>,
        %scan3A_167 = arith.constant 0 : i32
        %scan3A_168 = arith.constant 4 : i32
        %scan3A_169 = arith.addi %scan3A_137, %scan3A_168 : i32
        %broadcast_in_dim3A_170 = vector.broadcast %cond3A : f32 to vector<16xf32>
        %mul3A_171 = arith.constant 16 : i32
        %mul3A_172 = arith.muli %scan3A_169, %mul3A_171 : i32
        %swap3A_173 = arith.index_cast %mul3A_172 : i32 to index
        %swap3A_174 = tpu.vector_load %arg16[%swap3A_173] {strides = array<i32>} : memref<2048xf32, #tpu.memory_space<vmem>>, vector<16xf32>,
        tpu.vector_store %arg16[%swap3A_173], %broadcast_in_dim3A_170 {strides = array<i32>} : memref<2048xf32, #tpu.memory_space<vmem>>, vector<16xf32>,
        %scan3A_175 = arith.constant 0 : i32
        %scan3A_176 = arith.constant 5 : i32
        %scan3A_177 = arith.addi %scan3A_137, %scan3A_176 : i32
        %broadcast_in_dim3A_178 = vector.broadcast %cond3A : f32 to vector<16xf32>
        %mul3A_179 = arith.constant 16 : i32
        %mul3A_180 = arith.muli %scan3A_177, %mul3A_179 : i32
        %swap3A_181 = arith.index_cast %mul3A_180 : i32 to index
        %swap3A_182 = tpu.vector_load %arg16[%swap3A_181] {strides = array<i32>} : memref<2048xf32, #tpu.memory_space<vmem>>, vector<16xf32>,
        tpu.vector_store %arg16[%swap3A_181], %broadcast_in_dim3A_178 {strides = array<i32>} : memref<2048xf32, #tpu.memory_space<vmem>>, vector<16xf32>,
        %scan3A_183 = arith.constant 0 : i32
        %scan3A_184 = arith.constant 6 : i32
        %scan3A_185 = arith.addi %scan3A_137, %scan3A_184 : i32
        %broadcast_in_dim3A_186 = vector.broadcast %cond3A : f32 to vector<16xf32>
        %mul3A_187 = arith.constant 16 : i32
        %mul3A_188 = arith.muli %scan3A_185, %mul3A_187 : i32
        %swap3A_189 = arith.index_cast %mul3A_188 : i32 to index
        %swap3A_190 = tpu.vector_load %arg16[%swap3A_189] {strides = array<i32>} : memref<2048xf32, #tpu.memory_space<vmem>>, vector<16xf32>,
        tpu.vector_store %arg16[%swap3A_189], %broadcast_in_dim3A_186 {strides = array<i32>} : memref<2048xf32, #tpu.memory_space<vmem>>, vector<16xf32>,
        %scan3A_191 = arith.constant 0 : i32
        %scan3A_192 = arith.constant 7 : i32
        %scan3A_193 = arith.addi %scan3A_137, %scan3A_192 : i32
        %broadcast_in_dim3A_194 = vector.broadcast %cond3A : f32 to vector<16xf32>
        %mul3A_195 = arith.constant 16 : i32
        %mul3A_196 = arith.muli %scan3A_193, %mul3A_195 : i32
        %swap3A_197 = arith.index_cast %mul3A_196 : i32 to index
        %swap3A_198 = tpu.vector_load %arg16[%swap3A_197] {strides = array<i32>} : memref<2048xf32, #tpu.memory_space<vmem>>, vector<16xf32>,
        tpu.vector_store %arg16[%swap3A_197], %broadcast_in_dim3A_194 {strides = array<i32>} : memref<2048xf32, #tpu.memory_space<vmem>>, vector<16xf32>,
        %scan3A_199 = arith.constant 0 : i32
        scf.yield %scan3A_199 : i32
      }
      %scan3A_82 = arith.constant 128 : i32
      %add3A_83 = arith.constant 15 : i32
      %add3A_84 = arith.addi %while3A_68#0, %add3A_83 : i32
      %shift_right_arithmetic3A_85 = arith.constant 4 : i32
      %shift_right_arithmetic3A_86 = arith.shrsi %add3A_84, %shift_right_arithmetic3A_85 : i32
      %while3A_87 = arith.constant 0 : i32
      %while3A_88 = arith.constant 0.000000e+00 : f32
      %while3A_89 = arith.subi %shift_right_arithmetic3A_86, %while3A_87 : i32
      %while3A_90 = arith.addi %while3A_87, %while3A_89 : i32
      %while3A_91 = arith.constant 1 : i32
      %while3A_92 = arith.divsi %while3A_89, %while3A_91 : i32
      %while3A_93 = arith.muli %while3A_92, %while3A_91 : i32
      %while3A_94 = arith.addi %while3A_87, %while3A_93 : i32
      %while3A_95 = arith.constant 1 : i32
      %while3A_96 = scf.for %while3A_137 = %while3A_87 to %while3A_94 step %while3A_95 iter_args(%while3A_138 = %while3A_88) -> (f32)  : i32 {
        %mul3A_139 = arith.constant 16 : i32
        %mul3A_140 = arith.muli %while3A_137, %mul3A_139 : i32
        %add3A_141 = vector.broadcast %mul3A_140 : i32 to vector<16xi32>
        %add3A_142 = arith.addi %iota3A, %add3A_141 : vector<16xi32>
        %ge3A = arith.constant 1 : i32
        %ge3A_143 = vector.broadcast %ge3A : i32 to vector<16xi32>
        %ge3A_144 = arith.cmpi sge, %add3A_142, %ge3A_143 : vector<16xi32>
        %lt3A_145 = vector.broadcast %while3A_68#0 : i32 to vector<16xi32>
        %lt3A_146 = arith.cmpi slt, %add3A_142, %lt3A_145 : vector<16xi32>
        %and3A = arith.andi %ge3A_144, %lt3A_146 : vector<16xi1>
        %mul3A_147 = arith.constant 16 : i32
        %mul3A_148 = arith.muli %while3A_137, %mul3A_147 : i32
        %get3A = arith.index_cast %mul3A_148 : i32 to index
        %get3A_149 = tpu.vector_load %arg15[%get3A] {strides = array<i32>} : memref<2064xf32, #tpu.memory_space<vmem>>, vector<16xf32>,
        %jit3A = arith.constant 0.000000e+00 : f32
        %broadcast_in_dim3A_150 = vector.broadcast %jit3A : f32 to vector<16xf32>
        %select_n3A = arith.select %and3A, %get3A_149, %broadcast_in_dim3A_150 : vector<16xi1>, vector<16xf32>
        %mul3A_151 = arith.constant 16 : i32
        %mul3A_152 = arith.muli %while3A_137, %mul3A_151 : i32
        %get3A_153 = arith.index_cast %mul3A_152 : i32 to index
        %get3A_154 = tpu.vector_load %arg14[%get3A_153] {strides = array<i32>} : memref<2064xf32, #tpu.memory_space<vmem>>, vector<16xf32>,
        %broadcast_in_dim3A_155 = arith.constant true
        %broadcast_in_dim3A_156 = vector.broadcast %broadcast_in_dim3A_155 : i1 to vector<16xi1>
        %masked_cumsum3A = tpu.scan <sum>, %select_n3A masked %broadcast_in_dim3A_156 : vector<16xf32>, vector<16xi1> -> vector<16xf32>
        %add3A_157 = vector.broadcast %while3A_138 : f32 to vector<16xf32>
        %add3A_158 = arith.addf %add3A_157, %masked_cumsum3A : vector<16xf32>
        %sub3A_159 = arith.subf %add3A_158, %select_n3A : vector<16xf32>
        %convert_element_type3A_160 = arith.fptosi %sub3A_159 : vector<16xf32> to vector<16xi32>
        tpu.vector_store_idx %arg16[%convert_element_type3A_160], %get3A_154 masked %and3A : memref<2048xf32, #tpu.memory_space<vmem>>[vector<16xi32>], vector<16xf32>, vector<16xi1>
        %slice3A_161 = vector.extract_strided_slice %masked_cumsum3A {offsets = [15], sizes = [1], strides = [1]} : vector<16xf32> to vector<1xf32>
        %squeeze3A_162 = vector.extract %slice3A_161[0] : f32 from vector<1xf32>
        %add3A_163 = arith.addf %while3A_138, %squeeze3A_162 : f32
        scf.yield %add3A_163 : f32
      }
      %while3A_97 = arith.constant 1 : i32
      %while3A_98 = scf.for %while3A_137 = %while3A_94 to %while3A_90 step %while3A_97 iter_args(%while3A_138 = %while3A_96) -> (f32)  : i32 {
        %mul3A_139 = arith.constant 16 : i32
        %mul3A_140 = arith.muli %while3A_137, %mul3A_139 : i32
        %add3A_141 = vector.broadcast %mul3A_140 : i32 to vector<16xi32>
        %add3A_142 = arith.addi %iota3A, %add3A_141 : vector<16xi32>
        %ge3A = arith.constant 1 : i32
        %ge3A_143 = vector.broadcast %ge3A : i32 to vector<16xi32>
        %ge3A_144 = arith.cmpi sge, %add3A_142, %ge3A_143 : vector<16xi32>
        %lt3A_145 = vector.broadcast %while3A_68#0 : i32 to vector<16xi32>
        %lt3A_146 = arith.cmpi slt, %add3A_142, %lt3A_145 : vector<16xi32>
        %and3A = arith.andi %ge3A_144, %lt3A_146 : vector<16xi1>
        %mul3A_147 = arith.constant 16 : i32
        %mul3A_148 = arith.muli %while3A_137, %mul3A_147 : i32
        %get3A = arith.index_cast %mul3A_148 : i32 to index
        %get3A_149 = tpu.vector_load %arg15[%get3A] {strides = array<i32>} : memref<2064xf32, #tpu.memory_space<vmem>>, vector<16xf32>,
        %jit3A = arith.constant 0.000000e+00 : f32
        %broadcast_in_dim3A_150 = vector.broadcast %jit3A : f32 to vector<16xf32>
        %select_n3A = arith.select %and3A, %get3A_149, %broadcast_in_dim3A_150 : vector<16xi1>, vector<16xf32>
        %mul3A_151 = arith.constant 16 : i32
        %mul3A_152 = arith.muli %while3A_137, %mul3A_151 : i32
        %get3A_153 = arith.index_cast %mul3A_152 : i32 to index
        %get3A_154 = tpu.vector_load %arg14[%get3A_153] {strides = array<i32>} : memref<2064xf32, #tpu.memory_space<vmem>>, vector<16xf32>,
        %broadcast_in_dim3A_155 = arith.constant true
        %broadcast_in_dim3A_156 = vector.broadcast %broadcast_in_dim3A_155 : i1 to vector<16xi1>
        %masked_cumsum3A = tpu.scan <sum>, %select_n3A masked %broadcast_in_dim3A_156 : vector<16xf32>, vector<16xi1> -> vector<16xf32>
        %add3A_157 = vector.broadcast %while3A_138 : f32 to vector<16xf32>
        %add3A_158 = arith.addf %add3A_157, %masked_cumsum3A : vector<16xf32>
        %sub3A_159 = arith.subf %add3A_158, %select_n3A : vector<16xf32>
        %convert_element_type3A_160 = arith.fptosi %sub3A_159 : vector<16xf32> to vector<16xi32>
        tpu.vector_store_idx %arg16[%convert_element_type3A_160], %get3A_154 masked %and3A : memref<2048xf32, #tpu.memory_space<vmem>>[vector<16xi32>], vector<16xf32>, vector<16xi1>
        %slice3A_161 = vector.extract_strided_slice %masked_cumsum3A {offsets = [15], sizes = [1], strides = [1]} : vector<16xf32> to vector<1xf32>
        %squeeze3A_162 = vector.extract %slice3A_161[0] : f32 from vector<1xf32>
        %add3A_163 = arith.addf %while3A_138, %squeeze3A_162 : f32
        scf.yield %add3A_163 : f32
      }
      %neg3A = arith.constant 0.000000e+00 : f32
      %neg3A_99 = arith.subf %neg3A, %cond3A : f32
      %scan3A_100 = arith.constant 0 : i32
      %scan3A_101 = arith.constant 128 : i32
      %scan3A_102 = arith.addi %scan3A_100, %scan3A_101 : i32
      %scan3A_103 = arith.constant 2 : i32
      %scan3A_104 = scf.for %scan3A_137 = %scan3A_100 to %scan3A_102 step %scan3A_103 iter_args(%scan3A_138 = %neg3A_99) -> (f32)  : i32 {
        %mul3A_139 = arith.constant 16 : i32
        %mul3A_140 = arith.muli %scan3A_137, %mul3A_139 : i32
        %get3A = arith.index_cast %mul3A_140 : i32 to index
        %get3A_141 = tpu.vector_load %arg16[%get3A] {strides = array<i32>} : memref<2048xf32, #tpu.memory_space<vmem>>, vector<16xf32>,
        %neg3A_142 = arith.constant 0.000000e+00 : f32
        %neg3A_143 = vector.broadcast %neg3A_142 : f32 to vector<16xf32>
        %neg3A_144 = arith.subf %neg3A_143, %get3A_141 : vector<16xf32>
        %broadcast_in_dim3A_145 = arith.constant true
        %broadcast_in_dim3A_146 = vector.broadcast %broadcast_in_dim3A_145 : i1 to vector<16xi1>
        %masked_cummax3A = tpu.scan <max>, %neg3A_144 masked %broadcast_in_dim3A_146 : vector<16xf32>, vector<16xi1> -> vector<16xf32>
        %max3A_147 = vector.broadcast %scan3A_138 : f32 to vector<16xf32>
        %max3A_148 = arith.maximumf %masked_cummax3A, %max3A_147 : vector<16xf32>
        %neg3A_149 = arith.constant 0.000000e+00 : f32
        %neg3A_150 = vector.broadcast %neg3A_149 : f32 to vector<16xf32>
        %neg3A_151 = arith.subf %neg3A_150, %max3A_148 : vector<16xf32>
        %mul3A_152 = arith.constant 16 : i32
        %mul3A_153 = arith.muli %scan3A_137, %mul3A_152 : i32
        %swap3A = arith.index_cast %mul3A_153 : i32 to index
        %swap3A_154 = tpu.vector_load %arg16[%swap3A] {strides = array<i32>} : memref<2048xf32, #tpu.memory_space<vmem>>, vector<16xf32>,
        tpu.vector_store %arg16[%swap3A], %neg3A_151 {strides = array<i32>} : memref<2048xf32, #tpu.memory_space<vmem>>, vector<16xf32>,
        %slice3A_155 = vector.extract_strided_slice %max3A_148 {offsets = [15], sizes = [1], strides = [1]} : vector<16xf32> to vector<1xf32>
        %squeeze3A_156 = vector.extract %slice3A_155[0] : f32 from vector<1xf32>
        %scan3A_157 = arith.constant 1 : i32
        %scan3A_158 = arith.addi %scan3A_137, %scan3A_157 : i32
        %mul3A_159 = arith.constant 16 : i32
        %mul3A_160 = arith.muli %scan3A_158, %mul3A_159 : i32
        %get3A_161 = arith.index_cast %mul3A_160 : i32 to index
        %get3A_162 = tpu.vector_load %arg16[%get3A_161] {strides = array<i32>} : memref<2048xf32, #tpu.memory_space<vmem>>, vector<16xf32>,
        %neg3A_163 = arith.constant 0.000000e+00 : f32
        %neg3A_164 = vector.broadcast %neg3A_163 : f32 to vector<16xf32>
        %neg3A_165 = arith.subf %neg3A_164, %get3A_162 : vector<16xf32>
        %broadcast_in_dim3A_166 = arith.constant true
        %broadcast_in_dim3A_167 = vector.broadcast %broadcast_in_dim3A_166 : i1 to vector<16xi1>
        %masked_cummax3A_168 = tpu.scan <max>, %neg3A_165 masked %broadcast_in_dim3A_167 : vector<16xf32>, vector<16xi1> -> vector<16xf32>
        %max3A_169 = vector.broadcast %squeeze3A_156 : f32 to vector<16xf32>
        %max3A_170 = arith.maximumf %masked_cummax3A_168, %max3A_169 : vector<16xf32>
        %neg3A_171 = arith.constant 0.000000e+00 : f32
        %neg3A_172 = vector.broadcast %neg3A_171 : f32 to vector<16xf32>
        %neg3A_173 = arith.subf %neg3A_172, %max3A_170 : vector<16xf32>
        %mul3A_174 = arith.constant 16 : i32
        %mul3A_175 = arith.muli %scan3A_158, %mul3A_174 : i32
        %swap3A_176 = arith.index_cast %mul3A_175 : i32 to index
        %swap3A_177 = tpu.vector_load %arg16[%swap3A_176] {strides = array<i32>} : memref<2048xf32, #tpu.memory_space<vmem>>, vector<16xf32>,
        tpu.vector_store %arg16[%swap3A_176], %neg3A_173 {strides = array<i32>} : memref<2048xf32, #tpu.memory_space<vmem>>, vector<16xf32>,
        %slice3A_178 = vector.extract_strided_slice %max3A_170 {offsets = [15], sizes = [1], strides = [1]} : vector<16xf32> to vector<1xf32>
        %squeeze3A_179 = vector.extract %slice3A_178[0] : f32 from vector<1xf32>
        scf.yield %squeeze3A_179 : f32
      }
      %scan3A_105 = arith.constant 128 : i32
      %scan3A_106 = arith.constant 0.000000e+00 : f32
      %scan3A_107 = arith.constant 0.000000e+00 : f32
      %scan3A_108 = arith.constant 0.000000e+00 : f32
      %scan3A_109 = arith.constant 0 : i32
      %scan3A_110 = arith.constant 128 : i32
      %scan3A_111 = arith.addi %scan3A_109, %scan3A_110 : i32
      %scan3A_112 = arith.constant 2 : i32
      %scan3A_113:3 = scf.for %scan3A_137 = %scan3A_109 to %scan3A_111 step %scan3A_112 iter_args(%scan3A_138 = %scan3A_106, %scan3A_139 = %scan3A_107, %scan3A_140 = %scan3A_108) -> (f32, f32, f32)  : i32 {
        %mul3A_141 = arith.constant 16 : i32
        %mul3A_142 = arith.muli %scan3A_137, %mul3A_141 : i32
        %get3A = arith.index_cast %mul3A_142 : i32 to index
        %get3A_143 = tpu.vector_load %arg16[%get3A] {strides = array<i32>} : memref<2048xf32, #tpu.memory_space<vmem>>, vector<16xf32>,
        %max3A_144 = arith.constant 0.000000e+00 : f32
        %max3A_145 = vector.broadcast %max3A_144 : f32 to vector<16xf32>
        %max3A_146 = arith.maximumf %get3A_143, %max3A_145 : vector<16xf32>
        %mul3A_147 = arith.constant 16 : i32
        %mul3A_148 = arith.muli %scan3A_137, %mul3A_147 : i32
        %get3A_149 = arith.index_cast %mul3A_148 : i32 to index
        %get3A_150 = tpu.vector_load %arg9[%get3A_149] {strides = array<i32>} : memref<2048xf32, #tpu.memory_space<vmem>>, vector<16xf32>,
        %gt3A = arith.constant 0.000000e+00 : f32
        %gt3A_151 = vector.broadcast %gt3A : f32 to vector<16xf32>
        %gt3A_152 = arith.cmpf ogt, %get3A_150, %gt3A_151 : vector<16xf32>
        %convert_element_type3A_153 = arith.extui %gt3A_152 : vector<16xi1> to vector<16xi32>
        %convert_element_type3A_154 = arith.sitofp %convert_element_type3A_153 : vector<16xi32> to vector<16xf32>
        %eq3A = arith.constant 0.000000e+00 : f32
        %eq3A_155 = vector.broadcast %eq3A : f32 to vector<16xf32>
        %eq3A_156 = arith.cmpf oeq, %get3A_150, %eq3A_155 : vector<16xf32>
        %convert_element_type3A_157 = arith.extui %eq3A_156 : vector<16xi1> to vector<16xi32>
        %convert_element_type3A_158 = arith.sitofp %convert_element_type3A_157 : vector<16xi32> to vector<16xf32>
        %lt3A_159 = arith.constant 0.000000e+00 : f32
        %lt3A_160 = vector.broadcast %lt3A_159 : f32 to vector<16xf32>
        %lt3A_161 = arith.cmpf olt, %get3A_150, %lt3A_160 : vector<16xf32>
        %convert_element_type3A_162 = arith.extui %lt3A_161 : vector<16xi1> to vector<16xi32>
        %convert_element_type3A_163 = arith.sitofp %convert_element_type3A_162 : vector<16xi32> to vector<16xf32>
        %broadcast_in_dim3A_164 = arith.constant true
        %broadcast_in_dim3A_165 = vector.broadcast %broadcast_in_dim3A_164 : i1 to vector<16xi1>
        %masked_cumsum3A = tpu.scan <sum>, %convert_element_type3A_154 masked %broadcast_in_dim3A_165 : vector<16xf32>, vector<16xi1> -> vector<16xf32>
        %broadcast_in_dim3A_166 = arith.constant true
        %broadcast_in_dim3A_167 = vector.broadcast %broadcast_in_dim3A_166 : i1 to vector<16xi1>
        %masked_cumsum3A_168 = tpu.scan <sum>, %convert_element_type3A_158 masked %broadcast_in_dim3A_167 : vector<16xf32>, vector<16xi1> -> vector<16xf32>
        %broadcast_in_dim3A_169 = arith.constant true
        %broadcast_in_dim3A_170 = vector.broadcast %broadcast_in_dim3A_169 : i1 to vector<16xi1>
        %masked_cumsum3A_171 = tpu.scan <sum>, %convert_element_type3A_163 masked %broadcast_in_dim3A_170 : vector<16xf32>, vector<16xi1> -> vector<16xf32>
        %sub3A_172 = arith.subf %masked_cumsum3A, %convert_element_type3A_154 : vector<16xf32>
        %add3A_173 = vector.broadcast %scan3A_138 : f32 to vector<16xf32>
        %add3A_174 = arith.addf %add3A_173, %sub3A_172 : vector<16xf32>
        %add3A_175 = arith.addf %scan3A_30, %scan3A_139 : f32
        %sub3A_176 = arith.subf %masked_cumsum3A_168, %convert_element_type3A_158 : vector<16xf32>
        %add3A_177 = vector.broadcast %add3A_175 : f32 to vector<16xf32>
        %add3A_178 = arith.addf %add3A_177, %sub3A_176 : vector<16xf32>
        %sub3A_179 = arith.subf %masked_cumsum3A_171, %convert_element_type3A_163 : vector<16xf32>
        %add3A_180 = vector.broadcast %scan3A_140 : f32 to vector<16xf32>
        %add3A_181 = arith.addf %add3A_180, %sub3A_179 : vector<16xf32>
        %sub3A_182 = arith.constant 2.047000e+03 : f32
        %sub3A_183 = vector.broadcast %sub3A_182 : f32 to vector<16xf32>
        %sub3A_184 = arith.subf %sub3A_183, %add3A_181 : vector<16xf32>
        %mul3A_185 = arith.mulf %convert_element_type3A_154, %add3A_174 : vector<16xf32>
        %mul3A_186 = arith.mulf %convert_element_type3A_158, %add3A_178 : vector<16xf32>
        %add3A_187 = arith.addf %mul3A_185, %mul3A_186 : vector<16xf32>
        %mul3A_188 = arith.mulf %convert_element_type3A_163, %sub3A_184 : vector<16xf32>
        %add3A_189 = arith.addf %add3A_187, %mul3A_188 : vector<16xf32>
        %convert_element_type3A_190 = arith.fptosi %add3A_189 : vector<16xf32> to vector<16xi32>
        %sub3A_191 = arith.subf %convert_element_type3A_154, %convert_element_type3A_163 : vector<16xf32>
        %mul3A_192 = arith.mulf %sub3A_191, %max3A_146 : vector<16xf32>
        tpu.vector_store_idx %arg17[%convert_element_type3A_190], %mul3A_192 : memref<2048xf32, #tpu.memory_space<vmem>>[vector<16xi32>], vector<16xf32>,
        %slice3A_193 = vector.extract_strided_slice %masked_cumsum3A {offsets = [15], sizes = [1], strides = [1]} : vector<16xf32> to vector<1xf32>
        %squeeze3A_194 = vector.extract %slice3A_193[0] : f32 from vector<1xf32>
        %add3A_195 = arith.addf %scan3A_138, %squeeze3A_194 : f32
        %slice3A_196 = vector.extract_strided_slice %masked_cumsum3A_168 {offsets = [15], sizes = [1], strides = [1]} : vector<16xf32> to vector<1xf32>
        %squeeze3A_197 = vector.extract %slice3A_196[0] : f32 from vector<1xf32>
        %add3A_198 = arith.addf %scan3A_139, %squeeze3A_197 : f32
        %slice3A_199 = vector.extract_strided_slice %masked_cumsum3A_171 {offsets = [15], sizes = [1], strides = [1]} : vector<16xf32> to vector<1xf32>
        %squeeze3A_200 = vector.extract %slice3A_199[0] : f32 from vector<1xf32>
        %add3A_201 = arith.addf %scan3A_140, %squeeze3A_200 : f32
        %scan3A_202 = arith.constant 1 : i32
        %scan3A_203 = arith.addi %scan3A_137, %scan3A_202 : i32
        %mul3A_204 = arith.constant 16 : i32
        %mul3A_205 = arith.muli %scan3A_203, %mul3A_204 : i32
        %get3A_206 = arith.index_cast %mul3A_205 : i32 to index
        %get3A_207 = tpu.vector_load %arg16[%get3A_206] {strides = array<i32>} : memref<2048xf32, #tpu.memory_space<vmem>>, vector<16xf32>,
        %max3A_208 = arith.constant 0.000000e+00 : f32
        %max3A_209 = vector.broadcast %max3A_208 : f32 to vector<16xf32>
        %max3A_210 = arith.maximumf %get3A_207, %max3A_209 : vector<16xf32>
        %mul3A_211 = arith.constant 16 : i32
        %mul3A_212 = arith.muli %scan3A_203, %mul3A_211 : i32
        %get3A_213 = arith.index_cast %mul3A_212 : i32 to index
        %get3A_214 = tpu.vector_load %arg9[%get3A_213] {strides = array<i32>} : memref<2048xf32, #tpu.memory_space<vmem>>, vector<16xf32>,
        %gt3A_215 = arith.constant 0.000000e+00 : f32
        %gt3A_216 = vector.broadcast %gt3A_215 : f32 to vector<16xf32>
        %gt3A_217 = arith.cmpf ogt, %get3A_214, %gt3A_216 : vector<16xf32>
        %convert_element_type3A_218 = arith.extui %gt3A_217 : vector<16xi1> to vector<16xi32>
        %convert_element_type3A_219 = arith.sitofp %convert_element_type3A_218 : vector<16xi32> to vector<16xf32>
        %eq3A_220 = arith.constant 0.000000e+00 : f32
        %eq3A_221 = vector.broadcast %eq3A_220 : f32 to vector<16xf32>
        %eq3A_222 = arith.cmpf oeq, %get3A_214, %eq3A_221 : vector<16xf32>
        %convert_element_type3A_223 = arith.extui %eq3A_222 : vector<16xi1> to vector<16xi32>
        %convert_element_type3A_224 = arith.sitofp %convert_element_type3A_223 : vector<16xi32> to vector<16xf32>
        %lt3A_225 = arith.constant 0.000000e+00 : f32
        %lt3A_226 = vector.broadcast %lt3A_225 : f32 to vector<16xf32>
        %lt3A_227 = arith.cmpf olt, %get3A_214, %lt3A_226 : vector<16xf32>
        %convert_element_type3A_228 = arith.extui %lt3A_227 : vector<16xi1> to vector<16xi32>
        %convert_element_type3A_229 = arith.sitofp %convert_element_type3A_228 : vector<16xi32> to vector<16xf32>
        %broadcast_in_dim3A_230 = arith.constant true
        %broadcast_in_dim3A_231 = vector.broadcast %broadcast_in_dim3A_230 : i1 to vector<16xi1>
        %masked_cumsum3A_232 = tpu.scan <sum>, %convert_element_type3A_219 masked %broadcast_in_dim3A_231 : vector<16xf32>, vector<16xi1> -> vector<16xf32>
        %broadcast_in_dim3A_233 = arith.constant true
        %broadcast_in_dim3A_234 = vector.broadcast %broadcast_in_dim3A_233 : i1 to vector<16xi1>
        %masked_cumsum3A_235 = tpu.scan <sum>, %convert_element_type3A_224 masked %broadcast_in_dim3A_234 : vector<16xf32>, vector<16xi1> -> vector<16xf32>
        %broadcast_in_dim3A_236 = arith.constant true
        %broadcast_in_dim3A_237 = vector.broadcast %broadcast_in_dim3A_236 : i1 to vector<16xi1>
        %masked_cumsum3A_238 = tpu.scan <sum>, %convert_element_type3A_229 masked %broadcast_in_dim3A_237 : vector<16xf32>, vector<16xi1> -> vector<16xf32>
        %sub3A_239 = arith.subf %masked_cumsum3A_232, %convert_element_type3A_219 : vector<16xf32>
        %add3A_240 = vector.broadcast %add3A_195 : f32 to vector<16xf32>
        %add3A_241 = arith.addf %add3A_240, %sub3A_239 : vector<16xf32>
        %add3A_242 = arith.addf %scan3A_30, %add3A_198 : f32
        %sub3A_243 = arith.subf %masked_cumsum3A_235, %convert_element_type3A_224 : vector<16xf32>
        %add3A_244 = vector.broadcast %add3A_242 : f32 to vector<16xf32>
        %add3A_245 = arith.addf %add3A_244, %sub3A_243 : vector<16xf32>
        %sub3A_246 = arith.subf %masked_cumsum3A_238, %convert_element_type3A_229 : vector<16xf32>
        %add3A_247 = vector.broadcast %add3A_201 : f32 to vector<16xf32>
        %add3A_248 = arith.addf %add3A_247, %sub3A_246 : vector<16xf32>
        %sub3A_249 = arith.constant 2.047000e+03 : f32
        %sub3A_250 = vector.broadcast %sub3A_249 : f32 to vector<16xf32>
        %sub3A_251 = arith.subf %sub3A_250, %add3A_248 : vector<16xf32>
        %mul3A_252 = arith.mulf %convert_element_type3A_219, %add3A_241 : vector<16xf32>
        %mul3A_253 = arith.mulf %convert_element_type3A_224, %add3A_245 : vector<16xf32>
        %add3A_254 = arith.addf %mul3A_252, %mul3A_253 : vector<16xf32>
        %mul3A_255 = arith.mulf %convert_element_type3A_229, %sub3A_251 : vector<16xf32>
        %add3A_256 = arith.addf %add3A_254, %mul3A_255 : vector<16xf32>
        %convert_element_type3A_257 = arith.fptosi %add3A_256 : vector<16xf32> to vector<16xi32>
        %sub3A_258 = arith.subf %convert_element_type3A_219, %convert_element_type3A_229 : vector<16xf32>
        %mul3A_259 = arith.mulf %sub3A_258, %max3A_210 : vector<16xf32>
        tpu.vector_store_idx %arg17[%convert_element_type3A_257], %mul3A_259 : memref<2048xf32, #tpu.memory_space<vmem>>[vector<16xi32>], vector<16xf32>,
        %slice3A_260 = vector.extract_strided_slice %masked_cumsum3A_232 {offsets = [15], sizes = [1], strides = [1]} : vector<16xf32> to vector<1xf32>
        %squeeze3A_261 = vector.extract %slice3A_260[0] : f32 from vector<1xf32>
        %add3A_262 = arith.addf %add3A_195, %squeeze3A_261 : f32
        %slice3A_263 = vector.extract_strided_slice %masked_cumsum3A_235 {offsets = [15], sizes = [1], strides = [1]} : vector<16xf32> to vector<1xf32>
        %squeeze3A_264 = vector.extract %slice3A_263[0] : f32 from vector<1xf32>
        %add3A_265 = arith.addf %add3A_198, %squeeze3A_264 : f32
        %slice3A_266 = vector.extract_strided_slice %masked_cumsum3A_238 {offsets = [15], sizes = [1], strides = [1]} : vector<16xf32> to vector<1xf32>
        %squeeze3A_267 = vector.extract %slice3A_266[0] : f32 from vector<1xf32>
        %add3A_268 = arith.addf %add3A_201, %squeeze3A_267 : f32
        scf.yield %add3A_262, %add3A_265, %add3A_268 : f32, f32, f32
      }
      %scan3A_114 = arith.constant 128 : i32
      %scan3A_115 = arith.constant 0.000000e+00 : f32
      %scan3A_116 = arith.constant 0.000000e+00 : f32
      %scan3A_117 = arith.constant 0.000000e+00 : f32
      %scan3A_118 = arith.constant 0 : i32
      %scan3A_119 = arith.constant 128 : i32
      %scan3A_120 = arith.addi %scan3A_118, %scan3A_119 : i32
      %scan3A_121 = arith.constant 2 : i32
      %scan3A_122:3 = scf.for %scan3A_137 = %scan3A_118 to %scan3A_120 step %scan3A_121 iter_args(%scan3A_138 = %scan3A_115, %scan3A_139 = %scan3A_116, %scan3A_140 = %scan3A_117) -> (f32, f32, f32)  : i32 {
        %mul3A_141 = arith.constant 16 : i32
        %mul3A_142 = arith.muli %scan3A_137, %mul3A_141 : i32
        %get3A = arith.index_cast %mul3A_142 : i32 to index
        %get3A_143 = tpu.vector_load %arg17[%get3A] {strides = array<i32>} : memref<2048xf32, #tpu.memory_space<vmem>>, vector<16xf32>,
        %broadcast_in_dim3A_144 = arith.constant true
        %broadcast_in_dim3A_145 = vector.broadcast %broadcast_in_dim3A_144 : i1 to vector<16xi1>
        %masked_cumsum3A = tpu.scan <sum>, %get3A_143 masked %broadcast_in_dim3A_145 : vector<16xf32>, vector<16xi1> -> vector<16xf32>
        %add3A_146 = vector.broadcast %scan3A_138 : f32 to vector<16xf32>
        %add3A_147 = arith.addf %masked_cumsum3A, %add3A_146 : vector<16xf32>
        %mul3A_148 = arith.constant 16 : i32
        %mul3A_149 = arith.muli %scan3A_137, %mul3A_148 : i32
        %add3A_150 = vector.broadcast %mul3A_149 : i32 to vector<16xi32>
        %add3A_151 = arith.addi %iota3A, %add3A_150 : vector<16xi32>
        %add3A_152 = arith.constant 1 : i32
        %add3A_153 = vector.broadcast %add3A_152 : i32 to vector<16xi32>
        %add3A_154 = arith.addi %add3A_151, %add3A_153 : vector<16xi32>
        %convert_element_type3A_155 = arith.sitofp %add3A_154 : vector<16xi32> to vector<16xf32>
        %mul3A_156 = arith.mulf %convert_element_type3A_155, %get3A_143 : vector<16xf32>
        %add3A_157 = arith.constant 1.000000e+00 : f32
        %add3A_158 = vector.broadcast %add3A_157 : f32 to vector<16xf32>
        %add3A_159 = arith.addf %add3A_158, %mul3A_156 : vector<16xf32>
        %gt3A = arith.cmpf ogt, %add3A_159, %add3A_147 : vector<16xf32>
        %convert_element_type3A_160 = arith.extui %gt3A : vector<16xi1> to vector<16xi32>
        %convert_element_type3A_161 = arith.sitofp %convert_element_type3A_160 : vector<16xi32> to vector<16xf32>
        %jit3A = arith.constant 0.000000e+00 : f32
        %broadcast_in_dim3A_162 = vector.broadcast %jit3A : f32 to vector<16xf32>
        %select_n3A = arith.select %gt3A, %get3A_143, %broadcast_in_dim3A_162 : vector<16xi1>, vector<16xf32>
        %reduce_sum3A = arith.constant true
        %reduce_sum3A_163 = vector.broadcast %reduce_sum3A : i1 to vector<16xi1>
        %reduce_sum3A_164 = tpu.scan <sum>, %select_n3A masked %reduce_sum3A_163 : vector<16xf32>, vector<16xi1> -> vector<16xf32>
        %reduce_sum3A_165 = vector.extract %reduce_sum3A_164[15] : f32 from vector<16xf32>
        %add3A_166 = arith.addf %scan3A_139, %reduce_sum3A_165 : f32
        %reduce_sum3A_167 = arith.constant true
        %reduce_sum3A_168 = vector.broadcast %reduce_sum3A_167 : i1 to vector<16xi1>
        %reduce_sum3A_169 = tpu.scan <sum>, %convert_element_type3A_161 masked %reduce_sum3A_168 : vector<16xf32>, vector<16xi1> -> vector<16xf32>
        %reduce_sum3A_170 = vector.extract %reduce_sum3A_169[15] : f32 from vector<16xf32>
        %add3A_171 = arith.addf %scan3A_140, %reduce_sum3A_170 : f32
        %slice3A_172 = vector.extract_strided_slice %add3A_147 {offsets = [15], sizes = [1], strides = [1]} : vector<16xf32> to vector<1xf32>
        %squeeze3A_173 = vector.extract %slice3A_172[0] : f32 from vector<1xf32>
        %scan3A_174 = arith.constant 1 : i32
        %scan3A_175 = arith.addi %scan3A_137, %scan3A_174 : i32
        %mul3A_176 = arith.constant 16 : i32
        %mul3A_177 = arith.muli %scan3A_175, %mul3A_176 : i32
        %get3A_178 = arith.index_cast %mul3A_177 : i32 to index
        %get3A_179 = tpu.vector_load %arg17[%get3A_178] {strides = array<i32>} : memref<2048xf32, #tpu.memory_space<vmem>>, vector<16xf32>,
        %broadcast_in_dim3A_180 = arith.constant true
        %broadcast_in_dim3A_181 = vector.broadcast %broadcast_in_dim3A_180 : i1 to vector<16xi1>
        %masked_cumsum3A_182 = tpu.scan <sum>, %get3A_179 masked %broadcast_in_dim3A_181 : vector<16xf32>, vector<16xi1> -> vector<16xf32>
        %add3A_183 = vector.broadcast %squeeze3A_173 : f32 to vector<16xf32>
        %add3A_184 = arith.addf %masked_cumsum3A_182, %add3A_183 : vector<16xf32>
        %mul3A_185 = arith.constant 16 : i32
        %mul3A_186 = arith.muli %scan3A_175, %mul3A_185 : i32
        %add3A_187 = vector.broadcast %mul3A_186 : i32 to vector<16xi32>
        %add3A_188 = arith.addi %iota3A, %add3A_187 : vector<16xi32>
        %add3A_189 = arith.constant 1 : i32
        %add3A_190 = vector.broadcast %add3A_189 : i32 to vector<16xi32>
        %add3A_191 = arith.addi %add3A_188, %add3A_190 : vector<16xi32>
        %convert_element_type3A_192 = arith.sitofp %add3A_191 : vector<16xi32> to vector<16xf32>
        %mul3A_193 = arith.mulf %convert_element_type3A_192, %get3A_179 : vector<16xf32>
        %add3A_194 = arith.constant 1.000000e+00 : f32
        %add3A_195 = vector.broadcast %add3A_194 : f32 to vector<16xf32>
        %add3A_196 = arith.addf %add3A_195, %mul3A_193 : vector<16xf32>
        %gt3A_197 = arith.cmpf ogt, %add3A_196, %add3A_184 : vector<16xf32>
        %convert_element_type3A_198 = arith.extui %gt3A_197 : vector<16xi1> to vector<16xi32>
        %convert_element_type3A_199 = arith.sitofp %convert_element_type3A_198 : vector<16xi32> to vector<16xf32>
        %jit3A_200 = arith.constant 0.000000e+00 : f32
        %broadcast_in_dim3A_201 = vector.broadcast %jit3A_200 : f32 to vector<16xf32>
        %select_n3A_202 = arith.select %gt3A_197, %get3A_179, %broadcast_in_dim3A_201 : vector<16xi1>, vector<16xf32>
        %reduce_sum3A_203 = arith.constant true
        %reduce_sum3A_204 = vector.broadcast %reduce_sum3A_203 : i1 to vector<16xi1>
        %reduce_sum3A_205 = tpu.scan <sum>, %select_n3A_202 masked %reduce_sum3A_204 : vector<16xf32>, vector<16xi1> -> vector<16xf32>
        %reduce_sum3A_206 = vector.extract %reduce_sum3A_205[15] : f32 from vector<16xf32>
        %add3A_207 = arith.addf %add3A_166, %reduce_sum3A_206 : f32
        %reduce_sum3A_208 = arith.constant true
        %reduce_sum3A_209 = vector.broadcast %reduce_sum3A_208 : i1 to vector<16xi1>
        %reduce_sum3A_210 = tpu.scan <sum>, %convert_element_type3A_199 masked %reduce_sum3A_209 : vector<16xf32>, vector<16xi1> -> vector<16xf32>
        %reduce_sum3A_211 = vector.extract %reduce_sum3A_210[15] : f32 from vector<16xf32>
        %add3A_212 = arith.addf %add3A_171, %reduce_sum3A_211 : f32
        %slice3A_213 = vector.extract_strided_slice %add3A_184 {offsets = [15], sizes = [1], strides = [1]} : vector<16xf32> to vector<1xf32>
        %squeeze3A_214 = vector.extract %slice3A_213[0] : f32 from vector<1xf32>
        scf.yield %squeeze3A_214, %add3A_207, %add3A_212 : f32, f32, f32
      }
      %scan3A_123 = arith.constant 128 : i32
      %max3A = arith.constant 1.000000e+00 : f32
      %max3A_124 = arith.maximumf %scan3A_122#2, %max3A : f32
      %sub3A_125 = arith.constant 1.000000e+00 : f32
      %sub3A_126 = arith.subf %scan3A_122#1, %sub3A_125 : f32
      %convert_element_type3A_127 = arith.fptosi %max3A_124 : f32 to i32
      %broadcast_in_dim3A_128 = vector.broadcast %convert_element_type3A_127 : i32 to vector<16xi32>
      %gather3A = tpu.vector_load_idx %arg19[%broadcast_in_dim3A_128] : memref<2064xf32, #tpu.memory_space<vmem>>[vector<16xi32>], vector<16xf32>,
      %slice3A = vector.extract_strided_slice %gather3A {offsets = [0], sizes = [1], strides = [1]} : vector<16xf32> to vector<1xf32>
      %squeeze3A = vector.extract %slice3A[0] : f32 from vector<1xf32>
      %mul3A_129 = arith.mulf %sub3A_126, %squeeze3A : f32
      %scan3A_130 = arith.constant 0 : i32
      %scan3A_131 = arith.constant 0 : i32
      %scan3A_132 = arith.constant 128 : i32
      %scan3A_133 = arith.addi %scan3A_131, %scan3A_132 : i32
      %scan3A_134 = arith.constant 4 : i32
      %scan3A_135 = scf.for %scan3A_137 = %scan3A_131 to %scan3A_133 step %scan3A_134 iter_args(%scan3A_138 = %scan3A_130) -> (i32)  : i32 {
        %mul3A_139 = arith.constant 16 : i32
        %mul3A_140 = arith.muli %scan3A_137, %mul3A_139 : i32
        %get3A = arith.index_cast %mul3A_140 : i32 to index
        %get3A_141 = tpu.vector_load %arg7[%get3A] {strides = array<i32>} : memref<2048xi32, #tpu.memory_space<vmem>>, vector<16xi32>,
        %gather3A_142 = tpu.vector_load_idx %arg16[%get3A_141] : memref<2048xf32, #tpu.memory_space<vmem>>[vector<16xi32>], vector<16xf32>,
        %max3A_143 = arith.constant 0.000000e+00 : f32
        %max3A_144 = vector.broadcast %max3A_143 : f32 to vector<16xf32>
        %max3A_145 = arith.maximumf %gather3A_142, %max3A_144 : vector<16xf32>
        %mul3A_146 = arith.constant 16 : i32
        %mul3A_147 = arith.muli %scan3A_137, %mul3A_146 : i32
        %get3A_148 = arith.index_cast %mul3A_147 : i32 to index
        %get3A_149 = tpu.vector_load %arg6[%get3A_148] {strides = array<i32>} : memref<2048xf32, #tpu.memory_space<vmem>>, vector<16xf32>,
        %sign3A = tpu.bitcast %get3A_149 : vector<16xf32> -> vector<16xi32>
        %sign3A_150 = arith.constant -2147483648 : i32
        %sign3A_151 = vector.broadcast %sign3A_150 : i32 to vector<16xi32>
        %sign3A_152 = arith.andi %sign3A, %sign3A_151 : vector<16xi32>
        %sign3A_153 = arith.constant 1065353216 : i32
        %sign3A_154 = vector.broadcast %sign3A_153 : i32 to vector<16xi32>
        %sign3A_155 = arith.ori %sign3A_154, %sign3A_152 : vector<16xi32>
        %sign3A_156 = tpu.bitcast %sign3A_155 : vector<16xi32> -> vector<16xf32>
        %sign3A_157 = math.absf %get3A_149 : vector<16xf32>
        %sign3A_158 = arith.constant 0.000000e+00 : f32
        %sign3A_159 = vector.broadcast %sign3A_158 : f32 to vector<16xf32>
        %sign3A_160 = arith.cmpf ogt, %sign3A_157, %sign3A_159 : vector<16xf32>
        %sign3A_161 = arith.select %sign3A_160, %sign3A_156, %get3A_149 : vector<16xi1>, vector<16xf32>
        %mul3A_162 = arith.mulf %sign3A_161, %max3A_145 : vector<16xf32>
        %sub3A_163 = vector.broadcast %mul3A_129 : f32 to vector<16xf32>
        %sub3A_164 = arith.subf %mul3A_162, %sub3A_163 : vector<16xf32>
        %max3A_165 = arith.constant 0.000000e+00 : f32
        %max3A_166 = vector.broadcast %max3A_165 : f32 to vector<16xf32>
        %max3A_167 = arith.maximumf %sub3A_164, %max3A_166 : vector<16xf32>
        %mul3A_168 = arith.constant 16 : i32
        %mul3A_169 = arith.muli %scan3A_137, %mul3A_168 : i32
        %swap3A = arith.index_cast %mul3A_169 : i32 to index
        %swap3A_170 = tpu.vector_load %arg18[%swap3A] {strides = array<i32>} : memref<2048xf32, #tpu.memory_space<vmem>>, vector<16xf32>,
        tpu.vector_store %arg18[%swap3A], %max3A_167 {strides = array<i32>} : memref<2048xf32, #tpu.memory_space<vmem>>, vector<16xf32>,
        %scan3A_171 = arith.constant 0 : i32
        %scan3A_172 = arith.constant 1 : i32
        %scan3A_173 = arith.addi %scan3A_137, %scan3A_172 : i32
        %mul3A_174 = arith.constant 16 : i32
        %mul3A_175 = arith.muli %scan3A_173, %mul3A_174 : i32
        %get3A_176 = arith.index_cast %mul3A_175 : i32 to index
        %get3A_177 = tpu.vector_load %arg7[%get3A_176] {strides = array<i32>} : memref<2048xi32, #tpu.memory_space<vmem>>, vector<16xi32>,
        %gather3A_178 = tpu.vector_load_idx %arg16[%get3A_177] : memref<2048xf32, #tpu.memory_space<vmem>>[vector<16xi32>], vector<16xf32>,
        %max3A_179 = arith.constant 0.000000e+00 : f32
        %max3A_180 = vector.broadcast %max3A_179 : f32 to vector<16xf32>
        %max3A_181 = arith.maximumf %gather3A_178, %max3A_180 : vector<16xf32>
        %mul3A_182 = arith.constant 16 : i32
        %mul3A_183 = arith.muli %scan3A_173, %mul3A_182 : i32
        %get3A_184 = arith.index_cast %mul3A_183 : i32 to index
        %get3A_185 = tpu.vector_load %arg6[%get3A_184] {strides = array<i32>} : memref<2048xf32, #tpu.memory_space<vmem>>, vector<16xf32>,
        %sign3A_186 = tpu.bitcast %get3A_185 : vector<16xf32> -> vector<16xi32>
        %sign3A_187 = arith.constant -2147483648 : i32
        %sign3A_188 = vector.broadcast %sign3A_187 : i32 to vector<16xi32>
        %sign3A_189 = arith.andi %sign3A_186, %sign3A_188 : vector<16xi32>
        %sign3A_190 = arith.constant 1065353216 : i32
        %sign3A_191 = vector.broadcast %sign3A_190 : i32 to vector<16xi32>
        %sign3A_192 = arith.ori %sign3A_191, %sign3A_189 : vector<16xi32>
        %sign3A_193 = tpu.bitcast %sign3A_192 : vector<16xi32> -> vector<16xf32>
        %sign3A_194 = math.absf %get3A_185 : vector<16xf32>
        %sign3A_195 = arith.constant 0.000000e+00 : f32
        %sign3A_196 = vector.broadcast %sign3A_195 : f32 to vector<16xf32>
        %sign3A_197 = arith.cmpf ogt, %sign3A_194, %sign3A_196 : vector<16xf32>
        %sign3A_198 = arith.select %sign3A_197, %sign3A_193, %get3A_185 : vector<16xi1>, vector<16xf32>
        %mul3A_199 = arith.mulf %sign3A_198, %max3A_181 : vector<16xf32>
        %sub3A_200 = vector.broadcast %mul3A_129 : f32 to vector<16xf32>
        %sub3A_201 = arith.subf %mul3A_199, %sub3A_200 : vector<16xf32>
        %max3A_202 = arith.constant 0.000000e+00 : f32
        %max3A_203 = vector.broadcast %max3A_202 : f32 to vector<16xf32>
        %max3A_204 = arith.maximumf %sub3A_201, %max3A_203 : vector<16xf32>
        %mul3A_205 = arith.constant 16 : i32
        %mul3A_206 = arith.muli %scan3A_173, %mul3A_205 : i32
        %swap3A_207 = arith.index_cast %mul3A_206 : i32 to index
        %swap3A_208 = tpu.vector_load %arg18[%swap3A_207] {strides = array<i32>} : memref<2048xf32, #tpu.memory_space<vmem>>, vector<16xf32>,
        tpu.vector_store %arg18[%swap3A_207], %max3A_204 {strides = array<i32>} : memref<2048xf32, #tpu.memory_space<vmem>>, vector<16xf32>,
        %scan3A_209 = arith.constant 0 : i32
        %scan3A_210 = arith.constant 2 : i32
        %scan3A_211 = arith.addi %scan3A_137, %scan3A_210 : i32
        %mul3A_212 = arith.constant 16 : i32
        %mul3A_213 = arith.muli %scan3A_211, %mul3A_212 : i32
        %get3A_214 = arith.index_cast %mul3A_213 : i32 to index
        %get3A_215 = tpu.vector_load %arg7[%get3A_214] {strides = array<i32>} : memref<2048xi32, #tpu.memory_space<vmem>>, vector<16xi32>,
        %gather3A_216 = tpu.vector_load_idx %arg16[%get3A_215] : memref<2048xf32, #tpu.memory_space<vmem>>[vector<16xi32>], vector<16xf32>,
        %max3A_217 = arith.constant 0.000000e+00 : f32
        %max3A_218 = vector.broadcast %max3A_217 : f32 to vector<16xf32>
        %max3A_219 = arith.maximumf %gather3A_216, %max3A_218 : vector<16xf32>
        %mul3A_220 = arith.constant 16 : i32
        %mul3A_221 = arith.muli %scan3A_211, %mul3A_220 : i32
        %get3A_222 = arith.index_cast %mul3A_221 : i32 to index
        %get3A_223 = tpu.vector_load %arg6[%get3A_222] {strides = array<i32>} : memref<2048xf32, #tpu.memory_space<vmem>>, vector<16xf32>,
        %sign3A_224 = tpu.bitcast %get3A_223 : vector<16xf32> -> vector<16xi32>
        %sign3A_225 = arith.constant -2147483648 : i32
        %sign3A_226 = vector.broadcast %sign3A_225 : i32 to vector<16xi32>
        %sign3A_227 = arith.andi %sign3A_224, %sign3A_226 : vector<16xi32>
        %sign3A_228 = arith.constant 1065353216 : i32
        %sign3A_229 = vector.broadcast %sign3A_228 : i32 to vector<16xi32>
        %sign3A_230 = arith.ori %sign3A_229, %sign3A_227 : vector<16xi32>
        %sign3A_231 = tpu.bitcast %sign3A_230 : vector<16xi32> -> vector<16xf32>
        %sign3A_232 = math.absf %get3A_223 : vector<16xf32>
        %sign3A_233 = arith.constant 0.000000e+00 : f32
        %sign3A_234 = vector.broadcast %sign3A_233 : f32 to vector<16xf32>
        %sign3A_235 = arith.cmpf ogt, %sign3A_232, %sign3A_234 : vector<16xf32>
        %sign3A_236 = arith.select %sign3A_235, %sign3A_231, %get3A_223 : vector<16xi1>, vector<16xf32>
        %mul3A_237 = arith.mulf %sign3A_236, %max3A_219 : vector<16xf32>
        %sub3A_238 = vector.broadcast %mul3A_129 : f32 to vector<16xf32>
        %sub3A_239 = arith.subf %mul3A_237, %sub3A_238 : vector<16xf32>
        %max3A_240 = arith.constant 0.000000e+00 : f32
        %max3A_241 = vector.broadcast %max3A_240 : f32 to vector<16xf32>
        %max3A_242 = arith.maximumf %sub3A_239, %max3A_241 : vector<16xf32>
        %mul3A_243 = arith.constant 16 : i32
        %mul3A_244 = arith.muli %scan3A_211, %mul3A_243 : i32
        %swap3A_245 = arith.index_cast %mul3A_244 : i32 to index
        %swap3A_246 = tpu.vector_load %arg18[%swap3A_245] {strides = array<i32>} : memref<2048xf32, #tpu.memory_space<vmem>>, vector<16xf32>,
        tpu.vector_store %arg18[%swap3A_245], %max3A_242 {strides = array<i32>} : memref<2048xf32, #tpu.memory_space<vmem>>, vector<16xf32>,
        %scan3A_247 = arith.constant 0 : i32
        %scan3A_248 = arith.constant 3 : i32
        %scan3A_249 = arith.addi %scan3A_137, %scan3A_248 : i32
        %mul3A_250 = arith.constant 16 : i32
        %mul3A_251 = arith.muli %scan3A_249, %mul3A_250 : i32
        %get3A_252 = arith.index_cast %mul3A_251 : i32 to index
        %get3A_253 = tpu.vector_load %arg7[%get3A_252] {strides = array<i32>} : memref<2048xi32, #tpu.memory_space<vmem>>, vector<16xi32>,
        %gather3A_254 = tpu.vector_load_idx %arg16[%get3A_253] : memref<2048xf32, #tpu.memory_space<vmem>>[vector<16xi32>], vector<16xf32>,
        %max3A_255 = arith.constant 0.000000e+00 : f32
        %max3A_256 = vector.broadcast %max3A_255 : f32 to vector<16xf32>
        %max3A_257 = arith.maximumf %gather3A_254, %max3A_256 : vector<16xf32>
        %mul3A_258 = arith.constant 16 : i32
        %mul3A_259 = arith.muli %scan3A_249, %mul3A_258 : i32
        %get3A_260 = arith.index_cast %mul3A_259 : i32 to index
        %get3A_261 = tpu.vector_load %arg6[%get3A_260] {strides = array<i32>} : memref<2048xf32, #tpu.memory_space<vmem>>, vector<16xf32>,
        %sign3A_262 = tpu.bitcast %get3A_261 : vector<16xf32> -> vector<16xi32>
        %sign3A_263 = arith.constant -2147483648 : i32
        %sign3A_264 = vector.broadcast %sign3A_263 : i32 to vector<16xi32>
        %sign3A_265 = arith.andi %sign3A_262, %sign3A_264 : vector<16xi32>
        %sign3A_266 = arith.constant 1065353216 : i32
        %sign3A_267 = vector.broadcast %sign3A_266 : i32 to vector<16xi32>
        %sign3A_268 = arith.ori %sign3A_267, %sign3A_265 : vector<16xi32>
        %sign3A_269 = tpu.bitcast %sign3A_268 : vector<16xi32> -> vector<16xf32>
        %sign3A_270 = math.absf %get3A_261 : vector<16xf32>
        %sign3A_271 = arith.constant 0.000000e+00 : f32
        %sign3A_272 = vector.broadcast %sign3A_271 : f32 to vector<16xf32>
        %sign3A_273 = arith.cmpf ogt, %sign3A_270, %sign3A_272 : vector<16xf32>
        %sign3A_274 = arith.select %sign3A_273, %sign3A_269, %get3A_261 : vector<16xi1>, vector<16xf32>
        %mul3A_275 = arith.mulf %sign3A_274, %max3A_257 : vector<16xf32>
        %sub3A_276 = vector.broadcast %mul3A_129 : f32 to vector<16xf32>
        %sub3A_277 = arith.subf %mul3A_275, %sub3A_276 : vector<16xf32>
        %max3A_278 = arith.constant 0.000000e+00 : f32
        %max3A_279 = vector.broadcast %max3A_278 : f32 to vector<16xf32>
        %max3A_280 = arith.maximumf %sub3A_277, %max3A_279 : vector<16xf32>
        %mul3A_281 = arith.constant 16 : i32
        %mul3A_282 = arith.muli %scan3A_249, %mul3A_281 : i32
        %swap3A_283 = arith.index_cast %mul3A_282 : i32 to index
        %swap3A_284 = tpu.vector_load %arg18[%swap3A_283] {strides = array<i32>} : memref<2048xf32, #tpu.memory_space<vmem>>, vector<16xf32>,
        tpu.vector_store %arg18[%swap3A_283], %max3A_280 {strides = array<i32>} : memref<2048xf32, #tpu.memory_space<vmem>>, vector<16xf32>,
        %scan3A_285 = arith.constant 0 : i32
        scf.yield %scan3A_285 : i32
      }
      %scan3A_136 = arith.constant 128 : i32
      "tpu.region"() ({
        %run_scoped3A = tpu.sem_alloc : memref<!tpu.dma_semaphore, #tpu.memory_space<semaphore_mem>>
        %dma_start3A_137 = arith.constant 0 : i32
        %dma_start3A_138 = tpu.memref_slice %arg5[%add3A, %dma_start3A_137] : memref<8x2048xf32, #tpu.memory_space<hbm>> -> memref<1x2048xf32, #tpu.memory_space<hbm>>
        %dma_start3A_139 = tpu.memref_squeeze %dma_start3A_138 : memref<1x2048xf32, #tpu.memory_space<hbm>> -> memref<2048xf32, #tpu.memory_space<hbm>>
        %dma_start3A_140 = arith.constant 0 : i32
        %dma_start3A_141 = tpu.memref_slice %arg5[%add3A, %dma_start3A_140] : memref<8x2048xf32, #tpu.memory_space<hbm>> -> memref<1x2048xf32, #tpu.memory_space<hbm>>
        %dma_start3A_142 = tpu.memref_squeeze %dma_start3A_141 : memref<1x2048xf32, #tpu.memory_space<hbm>> -> memref<2048xf32, #tpu.memory_space<hbm>>
        tpu.enqueue_dma source(%arg18 : memref<2048xf32, #tpu.memory_space<vmem>>) target(%dma_start3A_142 : memref<2048xf32, #tpu.memory_space<hbm>>) target_semaphore(%run_scoped3A : memref<!tpu.dma_semaphore, #tpu.memory_space<semaphore_mem>>)
        %dma_wait3A_143 = arith.constant 0 : i32
        %dma_wait3A_144 = tpu.memref_slice %arg5[%add3A, %dma_wait3A_143] : memref<8x2048xf32, #tpu.memory_space<hbm>> -> memref<1x2048xf32, #tpu.memory_space<hbm>>
        %dma_wait3A_145 = tpu.memref_squeeze %dma_wait3A_144 : memref<1x2048xf32, #tpu.memory_space<hbm>> -> memref<2048xf32, #tpu.memory_space<hbm>>
        %dma_wait3A_146 = arith.constant 0 : i32
        %dma_wait3A_147 = tpu.memref_slice %arg5[%add3A, %dma_wait3A_146] : memref<8x2048xf32, #tpu.memory_space<hbm>> -> memref<1x2048xf32, #tpu.memory_space<hbm>>
        %dma_wait3A_148 = tpu.memref_squeeze %dma_wait3A_147 : memref<1x2048xf32, #tpu.memory_space<hbm>> -> memref<2048xf32, #tpu.memory_space<hbm>>
        tpu.wait_dma2 semaphore(%run_scoped3A : memref<!tpu.dma_semaphore, #tpu.memory_space<semaphore_mem>>) src(%arg18 : memref<2048xf32, #tpu.memory_space<vmem>>) dst(%dma_wait3A_148 : memref<2048xf32, #tpu.memory_space<hbm>>)
        tpu.yield
      }) : () -> ()
    } else {
    }
    return
  }
}

module attributes {stable_mosaic.version = 14 : i64} {
  func.func @_rank_body(%arg0: memref<8x2048xf32, #tpu.memory_space<vmem>>, %arg1: memref<8x2048xi32, #tpu.memory_space<vmem>>) attributes {dimension_semantics = [], scalar_prefetch = 0 : i64, scratch_operands = 0 : i64, tpu.core_type = #tpu.core_type<tc>} {
    %get3A = arith.constant 0 : index
    %get3A_0 = arith.constant 0 : index
    %get3A_1 = vector.load %arg0[%get3A, %get3A_0] : memref<8x2048xf32, #tpu.memory_space<vmem>>, vector<8x2048xf32>
    %abs3A = math.absf %get3A_1 : vector<8x2048xf32>
    %bitcast_convert_type3A = tpu.bitcast %abs3A : vector<8x2048xf32> -> vector<8x2048xi32>
    %transpose3A = tpu.transpose %bitcast_convert_type3A, [1, 0] : vector<8x2048xi32> -> vector<2048x8xi32>
    %iota3A = tpu.iota {dimensions = array<i32: 1>} : vector<1024x1024xi32>
    %iota3A_2 = tpu.iota {dimensions = array<i32: 0>} : vector<1024x1024xi32>
    %lt3A = arith.cmpi slt, %iota3A, %iota3A_2 : vector<1024x1024xi32>
    %convert_element_type3A = arith.extui %lt3A : vector<1024x1024xi1> to vector<1024x1024xi32>
    %slice3A = vector.extract_strided_slice %bitcast_convert_type3A {offsets = [0, 0], sizes = [1, 2048], strides = [1, 1]} : vector<8x2048xi32> to vector<1x2048xi32>
    %slice3A_3 = vector.extract_strided_slice %transpose3A {offsets = [0, 0], sizes = [2048, 1], strides = [1, 1]} : vector<2048x8xi32> to vector<2048x1xi32>
    %slice3A_4 = vector.extract_strided_slice %slice3A_3 {offsets = [0, 0], sizes = [1024, 1], strides = [1, 1]} : vector<2048x1xi32> to vector<1024x1xi32>
    %slice3A_5 = vector.extract_strided_slice %slice3A {offsets = [0, 0], sizes = [1, 1024], strides = [1, 1]} : vector<1x2048xi32> to vector<1x1024xi32>
    %add3A = vector.broadcast %slice3A_5 : vector<1x1024xi32> to vector<1024x1024xi32>
    %add3A_6 = arith.addi %add3A, %convert_element_type3A : vector<1024x1024xi32>
    %gt3A = vector.broadcast %slice3A_4 : vector<1024x1xi32> to vector<1024x1024xi32>
    %gt3A_7 = arith.cmpi sgt, %add3A_6, %gt3A : vector<1024x1024xi32>
    %convert_element_type3A_8 = arith.extui %gt3A_7 : vector<1024x1024xi1> to vector<1024x1024xi32>
    %convert_element_type3A_9 = arith.sitofp %convert_element_type3A_8 : vector<1024x1024xi32> to vector<1024x1024xf32>
    %slice3A_10 = vector.extract_strided_slice %slice3A {offsets = [0, 1024], sizes = [1, 1024], strides = [1, 1]} : vector<1x2048xi32> to vector<1x1024xi32>
    %gt3A_11 = vector.broadcast %slice3A_10 : vector<1x1024xi32> to vector<1024x1024xi32>
    %gt3A_12 = vector.broadcast %slice3A_4 : vector<1024x1xi32> to vector<1024x1024xi32>
    %gt3A_13 = arith.cmpi sgt, %gt3A_11, %gt3A_12 : vector<1024x1024xi32>
    %convert_element_type3A_14 = arith.extui %gt3A_13 : vector<1024x1024xi1> to vector<1024x1024xi32>
    %convert_element_type3A_15 = arith.sitofp %convert_element_type3A_14 : vector<1024x1024xi32> to vector<1024x1024xf32>
    %add3A_16 = arith.addf %convert_element_type3A_9, %convert_element_type3A_15 : vector<1024x1024xf32>
    %reduce_sum3A = arith.constant dense<0.000000e+00> : vector<1024xf32>
    %reduce_sum3A_17 = vector.multi_reduction <add>, %add3A_16, %reduce_sum3A [1] : vector<1024x1024xf32> to vector<1024xf32>
    %broadcast_in_dim3A = vector.shape_cast %reduce_sum3A_17 : vector<1024xf32> to vector<1024x1xf32>
    %slice3A_18 = vector.extract_strided_slice %slice3A_3 {offsets = [1024, 0], sizes = [1024, 1], strides = [1, 1]} : vector<2048x1xi32> to vector<1024x1xi32>
    %slice3A_19 = vector.extract_strided_slice %slice3A {offsets = [0, 1024], sizes = [1, 1024], strides = [1, 1]} : vector<1x2048xi32> to vector<1x1024xi32>
    %add3A_20 = vector.broadcast %slice3A_19 : vector<1x1024xi32> to vector<1024x1024xi32>
    %add3A_21 = arith.addi %add3A_20, %convert_element_type3A : vector<1024x1024xi32>
    %gt3A_22 = vector.broadcast %slice3A_18 : vector<1024x1xi32> to vector<1024x1024xi32>
    %gt3A_23 = arith.cmpi sgt, %add3A_21, %gt3A_22 : vector<1024x1024xi32>
    %convert_element_type3A_24 = arith.extui %gt3A_23 : vector<1024x1024xi1> to vector<1024x1024xi32>
    %convert_element_type3A_25 = arith.sitofp %convert_element_type3A_24 : vector<1024x1024xi32> to vector<1024x1024xf32>
    %reduce_sum3A_26 = arith.constant dense<0.000000e+00> : vector<1024xf32>
    %reduce_sum3A_27 = vector.multi_reduction <add>, %convert_element_type3A_25, %reduce_sum3A_26 [1] : vector<1024x1024xf32> to vector<1024xf32>
    %broadcast_in_dim3A_28 = vector.shape_cast %reduce_sum3A_27 : vector<1024xf32> to vector<1024x1xf32>
    %broadcast_in_dim3A_29 = arith.constant 0.000000e+00 : f32
    %broadcast_in_dim3A_30 = vector.broadcast %broadcast_in_dim3A_29 : f32 to vector<1x1024xf32>
    %reduce_sum3A_31 = arith.constant dense<0.000000e+00> : vector<1024xf32>
    %reduce_sum3A_32 = vector.multi_reduction <add>, %convert_element_type3A_15, %reduce_sum3A_31 [0] : vector<1024x1024xf32> to vector<1024xf32>
    %broadcast_in_dim3A_33 = vector.shape_cast %reduce_sum3A_32 : vector<1024xf32> to vector<1x1024xf32>
    %sub3A = arith.constant 1.024000e+03 : f32
    %sub3A_34 = vector.broadcast %sub3A : f32 to vector<1x1024xf32>
    %sub3A_35 = arith.subf %sub3A_34, %broadcast_in_dim3A_33 : vector<1x1024xf32>
    %concatenate3A = tpu.concatenate %broadcast_in_dim3A, %broadcast_in_dim3A_28 in 0 : vector<1024x1xf32>, vector<1024x1xf32> -> vector<2048x1xf32>
    %transpose3A_36 = tpu.transpose %concatenate3A, [1, 0] : vector<2048x1xf32> -> vector<1x2048xf32>
    %concatenate3A_37 = tpu.concatenate %broadcast_in_dim3A_30, %sub3A_35 in 1 : vector<1x1024xf32>, vector<1x1024xf32> -> vector<1x2048xf32>
    %add3A_38 = arith.addf %transpose3A_36, %concatenate3A_37 : vector<1x2048xf32>
    %convert_element_type3A_39 = arith.fptosi %add3A_38 : vector<1x2048xf32> to vector<1x2048xi32>
    %swap3A = arith.constant 0 : index
    %swap3A_40 = arith.constant 0 : index
    %swap3A_41 = vector.load %arg1[%swap3A, %swap3A_40] : memref<8x2048xi32, #tpu.memory_space<vmem>>, vector<1x2048xi32>
    tpu.vector_store %arg1[%swap3A, %swap3A_40], %convert_element_type3A_39 {strides = array<i32>} : memref<8x2048xi32, #tpu.memory_space<vmem>>, vector<1x2048xi32>,
    %slice3A_42 = vector.extract_strided_slice %bitcast_convert_type3A {offsets = [1, 0], sizes = [1, 2048], strides = [1, 1]} : vector<8x2048xi32> to vector<1x2048xi32>
    %slice3A_43 = vector.extract_strided_slice %transpose3A {offsets = [0, 1], sizes = [2048, 1], strides = [1, 1]} : vector<2048x8xi32> to vector<2048x1xi32>
    %slice3A_44 = vector.extract_strided_slice %slice3A_43 {offsets = [0, 0], sizes = [1024, 1], strides = [1, 1]} : vector<2048x1xi32> to vector<1024x1xi32>
    %slice3A_45 = vector.extract_strided_slice %slice3A_42 {offsets = [0, 0], sizes = [1, 1024], strides = [1, 1]} : vector<1x2048xi32> to vector<1x1024xi32>
    %add3A_46 = vector.broadcast %slice3A_45 : vector<1x1024xi32> to vector<1024x1024xi32>
    %add3A_47 = arith.addi %add3A_46, %convert_element_type3A : vector<1024x1024xi32>
    %gt3A_48 = vector.broadcast %slice3A_44 : vector<1024x1xi32> to vector<1024x1024xi32>
    %gt3A_49 = arith.cmpi sgt, %add3A_47, %gt3A_48 : vector<1024x1024xi32>
    %convert_element_type3A_50 = arith.extui %gt3A_49 : vector<1024x1024xi1> to vector<1024x1024xi32>
    %convert_element_type3A_51 = arith.sitofp %convert_element_type3A_50 : vector<1024x1024xi32> to vector<1024x1024xf32>
    %slice3A_52 = vector.extract_strided_slice %slice3A_42 {offsets = [0, 1024], sizes = [1, 1024], strides = [1, 1]} : vector<1x2048xi32> to vector<1x1024xi32>
    %gt3A_53 = vector.broadcast %slice3A_52 : vector<1x1024xi32> to vector<1024x1024xi32>
    %gt3A_54 = vector.broadcast %slice3A_44 : vector<1024x1xi32> to vector<1024x1024xi32>
    %gt3A_55 = arith.cmpi sgt, %gt3A_53, %gt3A_54 : vector<1024x1024xi32>
    %convert_element_type3A_56 = arith.extui %gt3A_55 : vector<1024x1024xi1> to vector<1024x1024xi32>
    %convert_element_type3A_57 = arith.sitofp %convert_element_type3A_56 : vector<1024x1024xi32> to vector<1024x1024xf32>
    %add3A_58 = arith.addf %convert_element_type3A_51, %convert_element_type3A_57 : vector<1024x1024xf32>
    %reduce_sum3A_59 = arith.constant dense<0.000000e+00> : vector<1024xf32>
    %reduce_sum3A_60 = vector.multi_reduction <add>, %add3A_58, %reduce_sum3A_59 [1] : vector<1024x1024xf32> to vector<1024xf32>
    %broadcast_in_dim3A_61 = vector.shape_cast %reduce_sum3A_60 : vector<1024xf32> to vector<1024x1xf32>
    %slice3A_62 = vector.extract_strided_slice %slice3A_43 {offsets = [1024, 0], sizes = [1024, 1], strides = [1, 1]} : vector<2048x1xi32> to vector<1024x1xi32>
    %slice3A_63 = vector.extract_strided_slice %slice3A_42 {offsets = [0, 1024], sizes = [1, 1024], strides = [1, 1]} : vector<1x2048xi32> to vector<1x1024xi32>
    %add3A_64 = vector.broadcast %slice3A_63 : vector<1x1024xi32> to vector<1024x1024xi32>
    %add3A_65 = arith.addi %add3A_64, %convert_element_type3A : vector<1024x1024xi32>
    %gt3A_66 = vector.broadcast %slice3A_62 : vector<1024x1xi32> to vector<1024x1024xi32>
    %gt3A_67 = arith.cmpi sgt, %add3A_65, %gt3A_66 : vector<1024x1024xi32>
    %convert_element_type3A_68 = arith.extui %gt3A_67 : vector<1024x1024xi1> to vector<1024x1024xi32>
    %convert_element_type3A_69 = arith.sitofp %convert_element_type3A_68 : vector<1024x1024xi32> to vector<1024x1024xf32>
    %reduce_sum3A_70 = arith.constant dense<0.000000e+00> : vector<1024xf32>
    %reduce_sum3A_71 = vector.multi_reduction <add>, %convert_element_type3A_69, %reduce_sum3A_70 [1] : vector<1024x1024xf32> to vector<1024xf32>
    %broadcast_in_dim3A_72 = vector.shape_cast %reduce_sum3A_71 : vector<1024xf32> to vector<1024x1xf32>
    %broadcast_in_dim3A_73 = arith.constant 0.000000e+00 : f32
    %broadcast_in_dim3A_74 = vector.broadcast %broadcast_in_dim3A_73 : f32 to vector<1x1024xf32>
    %reduce_sum3A_75 = arith.constant dense<0.000000e+00> : vector<1024xf32>
    %reduce_sum3A_76 = vector.multi_reduction <add>, %convert_element_type3A_57, %reduce_sum3A_75 [0] : vector<1024x1024xf32> to vector<1024xf32>
    %broadcast_in_dim3A_77 = vector.shape_cast %reduce_sum3A_76 : vector<1024xf32> to vector<1x1024xf32>
    %sub3A_78 = arith.constant 1.024000e+03 : f32
    %sub3A_79 = vector.broadcast %sub3A_78 : f32 to vector<1x1024xf32>
    %sub3A_80 = arith.subf %sub3A_79, %broadcast_in_dim3A_77 : vector<1x1024xf32>
    %concatenate3A_81 = tpu.concatenate %broadcast_in_dim3A_61, %broadcast_in_dim3A_72 in 0 : vector<1024x1xf32>, vector<1024x1xf32> -> vector<2048x1xf32>
    %transpose3A_82 = tpu.transpose %concatenate3A_81, [1, 0] : vector<2048x1xf32> -> vector<1x2048xf32>
    %concatenate3A_83 = tpu.concatenate %broadcast_in_dim3A_74, %sub3A_80 in 1 : vector<1x1024xf32>, vector<1x1024xf32> -> vector<1x2048xf32>
    %add3A_84 = arith.addf %transpose3A_82, %concatenate3A_83 : vector<1x2048xf32>
    %convert_element_type3A_85 = arith.fptosi %add3A_84 : vector<1x2048xf32> to vector<1x2048xi32>
    %swap3A_86 = arith.constant 1 : index
    %swap3A_87 = arith.constant 0 : index
    %swap3A_88 = vector.load %arg1[%swap3A_86, %swap3A_87] : memref<8x2048xi32, #tpu.memory_space<vmem>>, vector<1x2048xi32>
    tpu.vector_store %arg1[%swap3A_86, %swap3A_87], %convert_element_type3A_85 {strides = array<i32>} : memref<8x2048xi32, #tpu.memory_space<vmem>>, vector<1x2048xi32>,
    %slice3A_89 = vector.extract_strided_slice %bitcast_convert_type3A {offsets = [2, 0], sizes = [1, 2048], strides = [1, 1]} : vector<8x2048xi32> to vector<1x2048xi32>
    %slice3A_90 = vector.extract_strided_slice %transpose3A {offsets = [0, 2], sizes = [2048, 1], strides = [1, 1]} : vector<2048x8xi32> to vector<2048x1xi32>
    %slice3A_91 = vector.extract_strided_slice %slice3A_90 {offsets = [0, 0], sizes = [1024, 1], strides = [1, 1]} : vector<2048x1xi32> to vector<1024x1xi32>
    %slice3A_92 = vector.extract_strided_slice %slice3A_89 {offsets = [0, 0], sizes = [1, 1024], strides = [1, 1]} : vector<1x2048xi32> to vector<1x1024xi32>
    %add3A_93 = vector.broadcast %slice3A_92 : vector<1x1024xi32> to vector<1024x1024xi32>
    %add3A_94 = arith.addi %add3A_93, %convert_element_type3A : vector<1024x1024xi32>
    %gt3A_95 = vector.broadcast %slice3A_91 : vector<1024x1xi32> to vector<1024x1024xi32>
    %gt3A_96 = arith.cmpi sgt, %add3A_94, %gt3A_95 : vector<1024x1024xi32>
    %convert_element_type3A_97 = arith.extui %gt3A_96 : vector<1024x1024xi1> to vector<1024x1024xi32>
    %convert_element_type3A_98 = arith.sitofp %convert_element_type3A_97 : vector<1024x1024xi32> to vector<1024x1024xf32>
    %slice3A_99 = vector.extract_strided_slice %slice3A_89 {offsets = [0, 1024], sizes = [1, 1024], strides = [1, 1]} : vector<1x2048xi32> to vector<1x1024xi32>
    %gt3A_100 = vector.broadcast %slice3A_99 : vector<1x1024xi32> to vector<1024x1024xi32>
    %gt3A_101 = vector.broadcast %slice3A_91 : vector<1024x1xi32> to vector<1024x1024xi32>
    %gt3A_102 = arith.cmpi sgt, %gt3A_100, %gt3A_101 : vector<1024x1024xi32>
    %convert_element_type3A_103 = arith.extui %gt3A_102 : vector<1024x1024xi1> to vector<1024x1024xi32>
    %convert_element_type3A_104 = arith.sitofp %convert_element_type3A_103 : vector<1024x1024xi32> to vector<1024x1024xf32>
    %add3A_105 = arith.addf %convert_element_type3A_98, %convert_element_type3A_104 : vector<1024x1024xf32>
    %reduce_sum3A_106 = arith.constant dense<0.000000e+00> : vector<1024xf32>
    %reduce_sum3A_107 = vector.multi_reduction <add>, %add3A_105, %reduce_sum3A_106 [1] : vector<1024x1024xf32> to vector<1024xf32>
    %broadcast_in_dim3A_108 = vector.shape_cast %reduce_sum3A_107 : vector<1024xf32> to vector<1024x1xf32>
    %slice3A_109 = vector.extract_strided_slice %slice3A_90 {offsets = [1024, 0], sizes = [1024, 1], strides = [1, 1]} : vector<2048x1xi32> to vector<1024x1xi32>
    %slice3A_110 = vector.extract_strided_slice %slice3A_89 {offsets = [0, 1024], sizes = [1, 1024], strides = [1, 1]} : vector<1x2048xi32> to vector<1x1024xi32>
    %add3A_111 = vector.broadcast %slice3A_110 : vector<1x1024xi32> to vector<1024x1024xi32>
    %add3A_112 = arith.addi %add3A_111, %convert_element_type3A : vector<1024x1024xi32>
    %gt3A_113 = vector.broadcast %slice3A_109 : vector<1024x1xi32> to vector<1024x1024xi32>
    %gt3A_114 = arith.cmpi sgt, %add3A_112, %gt3A_113 : vector<1024x1024xi32>
    %convert_element_type3A_115 = arith.extui %gt3A_114 : vector<1024x1024xi1> to vector<1024x1024xi32>
    %convert_element_type3A_116 = arith.sitofp %convert_element_type3A_115 : vector<1024x1024xi32> to vector<1024x1024xf32>
    %reduce_sum3A_117 = arith.constant dense<0.000000e+00> : vector<1024xf32>
    %reduce_sum3A_118 = vector.multi_reduction <add>, %convert_element_type3A_116, %reduce_sum3A_117 [1] : vector<1024x1024xf32> to vector<1024xf32>
    %broadcast_in_dim3A_119 = vector.shape_cast %reduce_sum3A_118 : vector<1024xf32> to vector<1024x1xf32>
    %broadcast_in_dim3A_120 = arith.constant 0.000000e+00 : f32
    %broadcast_in_dim3A_121 = vector.broadcast %broadcast_in_dim3A_120 : f32 to vector<1x1024xf32>
    %reduce_sum3A_122 = arith.constant dense<0.000000e+00> : vector<1024xf32>
    %reduce_sum3A_123 = vector.multi_reduction <add>, %convert_element_type3A_104, %reduce_sum3A_122 [0] : vector<1024x1024xf32> to vector<1024xf32>
    %broadcast_in_dim3A_124 = vector.shape_cast %reduce_sum3A_123 : vector<1024xf32> to vector<1x1024xf32>
    %sub3A_125 = arith.constant 1.024000e+03 : f32
    %sub3A_126 = vector.broadcast %sub3A_125 : f32 to vector<1x1024xf32>
    %sub3A_127 = arith.subf %sub3A_126, %broadcast_in_dim3A_124 : vector<1x1024xf32>
    %concatenate3A_128 = tpu.concatenate %broadcast_in_dim3A_108, %broadcast_in_dim3A_119 in 0 : vector<1024x1xf32>, vector<1024x1xf32> -> vector<2048x1xf32>
    %transpose3A_129 = tpu.transpose %concatenate3A_128, [1, 0] : vector<2048x1xf32> -> vector<1x2048xf32>
    %concatenate3A_130 = tpu.concatenate %broadcast_in_dim3A_121, %sub3A_127 in 1 : vector<1x1024xf32>, vector<1x1024xf32> -> vector<1x2048xf32>
    %add3A_131 = arith.addf %transpose3A_129, %concatenate3A_130 : vector<1x2048xf32>
    %convert_element_type3A_132 = arith.fptosi %add3A_131 : vector<1x2048xf32> to vector<1x2048xi32>
    %swap3A_133 = arith.constant 2 : index
    %swap3A_134 = arith.constant 0 : index
    %swap3A_135 = vector.load %arg1[%swap3A_133, %swap3A_134] : memref<8x2048xi32, #tpu.memory_space<vmem>>, vector<1x2048xi32>
    tpu.vector_store %arg1[%swap3A_133, %swap3A_134], %convert_element_type3A_132 {strides = array<i32>} : memref<8x2048xi32, #tpu.memory_space<vmem>>, vector<1x2048xi32>,
    %slice3A_136 = vector.extract_strided_slice %bitcast_convert_type3A {offsets = [3, 0], sizes = [1, 2048], strides = [1, 1]} : vector<8x2048xi32> to vector<1x2048xi32>
    %slice3A_137 = vector.extract_strided_slice %transpose3A {offsets = [0, 3], sizes = [2048, 1], strides = [1, 1]} : vector<2048x8xi32> to vector<2048x1xi32>
    %slice3A_138 = vector.extract_strided_slice %slice3A_137 {offsets = [0, 0], sizes = [1024, 1], strides = [1, 1]} : vector<2048x1xi32> to vector<1024x1xi32>
    %slice3A_139 = vector.extract_strided_slice %slice3A_136 {offsets = [0, 0], sizes = [1, 1024], strides = [1, 1]} : vector<1x2048xi32> to vector<1x1024xi32>
    %add3A_140 = vector.broadcast %slice3A_139 : vector<1x1024xi32> to vector<1024x1024xi32>
    %add3A_141 = arith.addi %add3A_140, %convert_element_type3A : vector<1024x1024xi32>
    %gt3A_142 = vector.broadcast %slice3A_138 : vector<1024x1xi32> to vector<1024x1024xi32>
    %gt3A_143 = arith.cmpi sgt, %add3A_141, %gt3A_142 : vector<1024x1024xi32>
    %convert_element_type3A_144 = arith.extui %gt3A_143 : vector<1024x1024xi1> to vector<1024x1024xi32>
    %convert_element_type3A_145 = arith.sitofp %convert_element_type3A_144 : vector<1024x1024xi32> to vector<1024x1024xf32>
    %slice3A_146 = vector.extract_strided_slice %slice3A_136 {offsets = [0, 1024], sizes = [1, 1024], strides = [1, 1]} : vector<1x2048xi32> to vector<1x1024xi32>
    %gt3A_147 = vector.broadcast %slice3A_146 : vector<1x1024xi32> to vector<1024x1024xi32>
    %gt3A_148 = vector.broadcast %slice3A_138 : vector<1024x1xi32> to vector<1024x1024xi32>
    %gt3A_149 = arith.cmpi sgt, %gt3A_147, %gt3A_148 : vector<1024x1024xi32>
    %convert_element_type3A_150 = arith.extui %gt3A_149 : vector<1024x1024xi1> to vector<1024x1024xi32>
    %convert_element_type3A_151 = arith.sitofp %convert_element_type3A_150 : vector<1024x1024xi32> to vector<1024x1024xf32>
    %add3A_152 = arith.addf %convert_element_type3A_145, %convert_element_type3A_151 : vector<1024x1024xf32>
    %reduce_sum3A_153 = arith.constant dense<0.000000e+00> : vector<1024xf32>
    %reduce_sum3A_154 = vector.multi_reduction <add>, %add3A_152, %reduce_sum3A_153 [1] : vector<1024x1024xf32> to vector<1024xf32>
    %broadcast_in_dim3A_155 = vector.shape_cast %reduce_sum3A_154 : vector<1024xf32> to vector<1024x1xf32>
    %slice3A_156 = vector.extract_strided_slice %slice3A_137 {offsets = [1024, 0], sizes = [1024, 1], strides = [1, 1]} : vector<2048x1xi32> to vector<1024x1xi32>
    %slice3A_157 = vector.extract_strided_slice %slice3A_136 {offsets = [0, 1024], sizes = [1, 1024], strides = [1, 1]} : vector<1x2048xi32> to vector<1x1024xi32>
    %add3A_158 = vector.broadcast %slice3A_157 : vector<1x1024xi32> to vector<1024x1024xi32>
    %add3A_159 = arith.addi %add3A_158, %convert_element_type3A : vector<1024x1024xi32>
    %gt3A_160 = vector.broadcast %slice3A_156 : vector<1024x1xi32> to vector<1024x1024xi32>
    %gt3A_161 = arith.cmpi sgt, %add3A_159, %gt3A_160 : vector<1024x1024xi32>
    %convert_element_type3A_162 = arith.extui %gt3A_161 : vector<1024x1024xi1> to vector<1024x1024xi32>
    %convert_element_type3A_163 = arith.sitofp %convert_element_type3A_162 : vector<1024x1024xi32> to vector<1024x1024xf32>
    %reduce_sum3A_164 = arith.constant dense<0.000000e+00> : vector<1024xf32>
    %reduce_sum3A_165 = vector.multi_reduction <add>, %convert_element_type3A_163, %reduce_sum3A_164 [1] : vector<1024x1024xf32> to vector<1024xf32>
    %broadcast_in_dim3A_166 = vector.shape_cast %reduce_sum3A_165 : vector<1024xf32> to vector<1024x1xf32>
    %broadcast_in_dim3A_167 = arith.constant 0.000000e+00 : f32
    %broadcast_in_dim3A_168 = vector.broadcast %broadcast_in_dim3A_167 : f32 to vector<1x1024xf32>
    %reduce_sum3A_169 = arith.constant dense<0.000000e+00> : vector<1024xf32>
    %reduce_sum3A_170 = vector.multi_reduction <add>, %convert_element_type3A_151, %reduce_sum3A_169 [0] : vector<1024x1024xf32> to vector<1024xf32>
    %broadcast_in_dim3A_171 = vector.shape_cast %reduce_sum3A_170 : vector<1024xf32> to vector<1x1024xf32>
    %sub3A_172 = arith.constant 1.024000e+03 : f32
    %sub3A_173 = vector.broadcast %sub3A_172 : f32 to vector<1x1024xf32>
    %sub3A_174 = arith.subf %sub3A_173, %broadcast_in_dim3A_171 : vector<1x1024xf32>
    %concatenate3A_175 = tpu.concatenate %broadcast_in_dim3A_155, %broadcast_in_dim3A_166 in 0 : vector<1024x1xf32>, vector<1024x1xf32> -> vector<2048x1xf32>
    %transpose3A_176 = tpu.transpose %concatenate3A_175, [1, 0] : vector<2048x1xf32> -> vector<1x2048xf32>
    %concatenate3A_177 = tpu.concatenate %broadcast_in_dim3A_168, %sub3A_174 in 1 : vector<1x1024xf32>, vector<1x1024xf32> -> vector<1x2048xf32>
    %add3A_178 = arith.addf %transpose3A_176, %concatenate3A_177 : vector<1x2048xf32>
    %convert_element_type3A_179 = arith.fptosi %add3A_178 : vector<1x2048xf32> to vector<1x2048xi32>
    %swap3A_180 = arith.constant 3 : index
    %swap3A_181 = arith.constant 0 : index
    %swap3A_182 = vector.load %arg1[%swap3A_180, %swap3A_181] : memref<8x2048xi32, #tpu.memory_space<vmem>>, vector<1x2048xi32>
    tpu.vector_store %arg1[%swap3A_180, %swap3A_181], %convert_element_type3A_179 {strides = array<i32>} : memref<8x2048xi32, #tpu.memory_space<vmem>>, vector<1x2048xi32>,
    %slice3A_183 = vector.extract_strided_slice %bitcast_convert_type3A {offsets = [4, 0], sizes = [1, 2048], strides = [1, 1]} : vector<8x2048xi32> to vector<1x2048xi32>
    %slice3A_184 = vector.extract_strided_slice %transpose3A {offsets = [0, 4], sizes = [2048, 1], strides = [1, 1]} : vector<2048x8xi32> to vector<2048x1xi32>
    %slice3A_185 = vector.extract_strided_slice %slice3A_184 {offsets = [0, 0], sizes = [1024, 1], strides = [1, 1]} : vector<2048x1xi32> to vector<1024x1xi32>
    %slice3A_186 = vector.extract_strided_slice %slice3A_183 {offsets = [0, 0], sizes = [1, 1024], strides = [1, 1]} : vector<1x2048xi32> to vector<1x1024xi32>
    %add3A_187 = vector.broadcast %slice3A_186 : vector<1x1024xi32> to vector<1024x1024xi32>
    %add3A_188 = arith.addi %add3A_187, %convert_element_type3A : vector<1024x1024xi32>
    %gt3A_189 = vector.broadcast %slice3A_185 : vector<1024x1xi32> to vector<1024x1024xi32>
    %gt3A_190 = arith.cmpi sgt, %add3A_188, %gt3A_189 : vector<1024x1024xi32>
    %convert_element_type3A_191 = arith.extui %gt3A_190 : vector<1024x1024xi1> to vector<1024x1024xi32>
    %convert_element_type3A_192 = arith.sitofp %convert_element_type3A_191 : vector<1024x1024xi32> to vector<1024x1024xf32>
    %slice3A_193 = vector.extract_strided_slice %slice3A_183 {offsets = [0, 1024], sizes = [1, 1024], strides = [1, 1]} : vector<1x2048xi32> to vector<1x1024xi32>
    %gt3A_194 = vector.broadcast %slice3A_193 : vector<1x1024xi32> to vector<1024x1024xi32>
    %gt3A_195 = vector.broadcast %slice3A_185 : vector<1024x1xi32> to vector<1024x1024xi32>
    %gt3A_196 = arith.cmpi sgt, %gt3A_194, %gt3A_195 : vector<1024x1024xi32>
    %convert_element_type3A_197 = arith.extui %gt3A_196 : vector<1024x1024xi1> to vector<1024x1024xi32>
    %convert_element_type3A_198 = arith.sitofp %convert_element_type3A_197 : vector<1024x1024xi32> to vector<1024x1024xf32>
    %add3A_199 = arith.addf %convert_element_type3A_192, %convert_element_type3A_198 : vector<1024x1024xf32>
    %reduce_sum3A_200 = arith.constant dense<0.000000e+00> : vector<1024xf32>
    %reduce_sum3A_201 = vector.multi_reduction <add>, %add3A_199, %reduce_sum3A_200 [1] : vector<1024x1024xf32> to vector<1024xf32>
    %broadcast_in_dim3A_202 = vector.shape_cast %reduce_sum3A_201 : vector<1024xf32> to vector<1024x1xf32>
    %slice3A_203 = vector.extract_strided_slice %slice3A_184 {offsets = [1024, 0], sizes = [1024, 1], strides = [1, 1]} : vector<2048x1xi32> to vector<1024x1xi32>
    %slice3A_204 = vector.extract_strided_slice %slice3A_183 {offsets = [0, 1024], sizes = [1, 1024], strides = [1, 1]} : vector<1x2048xi32> to vector<1x1024xi32>
    %add3A_205 = vector.broadcast %slice3A_204 : vector<1x1024xi32> to vector<1024x1024xi32>
    %add3A_206 = arith.addi %add3A_205, %convert_element_type3A : vector<1024x1024xi32>
    %gt3A_207 = vector.broadcast %slice3A_203 : vector<1024x1xi32> to vector<1024x1024xi32>
    %gt3A_208 = arith.cmpi sgt, %add3A_206, %gt3A_207 : vector<1024x1024xi32>
    %convert_element_type3A_209 = arith.extui %gt3A_208 : vector<1024x1024xi1> to vector<1024x1024xi32>
    %convert_element_type3A_210 = arith.sitofp %convert_element_type3A_209 : vector<1024x1024xi32> to vector<1024x1024xf32>
    %reduce_sum3A_211 = arith.constant dense<0.000000e+00> : vector<1024xf32>
    %reduce_sum3A_212 = vector.multi_reduction <add>, %convert_element_type3A_210, %reduce_sum3A_211 [1] : vector<1024x1024xf32> to vector<1024xf32>
    %broadcast_in_dim3A_213 = vector.shape_cast %reduce_sum3A_212 : vector<1024xf32> to vector<1024x1xf32>
    %broadcast_in_dim3A_214 = arith.constant 0.000000e+00 : f32
    %broadcast_in_dim3A_215 = vector.broadcast %broadcast_in_dim3A_214 : f32 to vector<1x1024xf32>
    %reduce_sum3A_216 = arith.constant dense<0.000000e+00> : vector<1024xf32>
    %reduce_sum3A_217 = vector.multi_reduction <add>, %convert_element_type3A_198, %reduce_sum3A_216 [0] : vector<1024x1024xf32> to vector<1024xf32>
    %broadcast_in_dim3A_218 = vector.shape_cast %reduce_sum3A_217 : vector<1024xf32> to vector<1x1024xf32>
    %sub3A_219 = arith.constant 1.024000e+03 : f32
    %sub3A_220 = vector.broadcast %sub3A_219 : f32 to vector<1x1024xf32>
    %sub3A_221 = arith.subf %sub3A_220, %broadcast_in_dim3A_218 : vector<1x1024xf32>
    %concatenate3A_222 = tpu.concatenate %broadcast_in_dim3A_202, %broadcast_in_dim3A_213 in 0 : vector<1024x1xf32>, vector<1024x1xf32> -> vector<2048x1xf32>
    %transpose3A_223 = tpu.transpose %concatenate3A_222, [1, 0] : vector<2048x1xf32> -> vector<1x2048xf32>
    %concatenate3A_224 = tpu.concatenate %broadcast_in_dim3A_215, %sub3A_221 in 1 : vector<1x1024xf32>, vector<1x1024xf32> -> vector<1x2048xf32>
    %add3A_225 = arith.addf %transpose3A_223, %concatenate3A_224 : vector<1x2048xf32>
    %convert_element_type3A_226 = arith.fptosi %add3A_225 : vector<1x2048xf32> to vector<1x2048xi32>
    %swap3A_227 = arith.constant 4 : index
    %swap3A_228 = arith.constant 0 : index
    %swap3A_229 = vector.load %arg1[%swap3A_227, %swap3A_228] : memref<8x2048xi32, #tpu.memory_space<vmem>>, vector<1x2048xi32>
    tpu.vector_store %arg1[%swap3A_227, %swap3A_228], %convert_element_type3A_226 {strides = array<i32>} : memref<8x2048xi32, #tpu.memory_space<vmem>>, vector<1x2048xi32>,
    %slice3A_230 = vector.extract_strided_slice %bitcast_convert_type3A {offsets = [5, 0], sizes = [1, 2048], strides = [1, 1]} : vector<8x2048xi32> to vector<1x2048xi32>
    %slice3A_231 = vector.extract_strided_slice %transpose3A {offsets = [0, 5], sizes = [2048, 1], strides = [1, 1]} : vector<2048x8xi32> to vector<2048x1xi32>
    %slice3A_232 = vector.extract_strided_slice %slice3A_231 {offsets = [0, 0], sizes = [1024, 1], strides = [1, 1]} : vector<2048x1xi32> to vector<1024x1xi32>
    %slice3A_233 = vector.extract_strided_slice %slice3A_230 {offsets = [0, 0], sizes = [1, 1024], strides = [1, 1]} : vector<1x2048xi32> to vector<1x1024xi32>
    %add3A_234 = vector.broadcast %slice3A_233 : vector<1x1024xi32> to vector<1024x1024xi32>
    %add3A_235 = arith.addi %add3A_234, %convert_element_type3A : vector<1024x1024xi32>
    %gt3A_236 = vector.broadcast %slice3A_232 : vector<1024x1xi32> to vector<1024x1024xi32>
    %gt3A_237 = arith.cmpi sgt, %add3A_235, %gt3A_236 : vector<1024x1024xi32>
    %convert_element_type3A_238 = arith.extui %gt3A_237 : vector<1024x1024xi1> to vector<1024x1024xi32>
    %convert_element_type3A_239 = arith.sitofp %convert_element_type3A_238 : vector<1024x1024xi32> to vector<1024x1024xf32>
    %slice3A_240 = vector.extract_strided_slice %slice3A_230 {offsets = [0, 1024], sizes = [1, 1024], strides = [1, 1]} : vector<1x2048xi32> to vector<1x1024xi32>
    %gt3A_241 = vector.broadcast %slice3A_240 : vector<1x1024xi32> to vector<1024x1024xi32>
    %gt3A_242 = vector.broadcast %slice3A_232 : vector<1024x1xi32> to vector<1024x1024xi32>
    %gt3A_243 = arith.cmpi sgt, %gt3A_241, %gt3A_242 : vector<1024x1024xi32>
    %convert_element_type3A_244 = arith.extui %gt3A_243 : vector<1024x1024xi1> to vector<1024x1024xi32>
    %convert_element_type3A_245 = arith.sitofp %convert_element_type3A_244 : vector<1024x1024xi32> to vector<1024x1024xf32>
    %add3A_246 = arith.addf %convert_element_type3A_239, %convert_element_type3A_245 : vector<1024x1024xf32>
    %reduce_sum3A_247 = arith.constant dense<0.000000e+00> : vector<1024xf32>
    %reduce_sum3A_248 = vector.multi_reduction <add>, %add3A_246, %reduce_sum3A_247 [1] : vector<1024x1024xf32> to vector<1024xf32>
    %broadcast_in_dim3A_249 = vector.shape_cast %reduce_sum3A_248 : vector<1024xf32> to vector<1024x1xf32>
    %slice3A_250 = vector.extract_strided_slice %slice3A_231 {offsets = [1024, 0], sizes = [1024, 1], strides = [1, 1]} : vector<2048x1xi32> to vector<1024x1xi32>
    %slice3A_251 = vector.extract_strided_slice %slice3A_230 {offsets = [0, 1024], sizes = [1, 1024], strides = [1, 1]} : vector<1x2048xi32> to vector<1x1024xi32>
    %add3A_252 = vector.broadcast %slice3A_251 : vector<1x1024xi32> to vector<1024x1024xi32>
    %add3A_253 = arith.addi %add3A_252, %convert_element_type3A : vector<1024x1024xi32>
    %gt3A_254 = vector.broadcast %slice3A_250 : vector<1024x1xi32> to vector<1024x1024xi32>
    %gt3A_255 = arith.cmpi sgt, %add3A_253, %gt3A_254 : vector<1024x1024xi32>
    %convert_element_type3A_256 = arith.extui %gt3A_255 : vector<1024x1024xi1> to vector<1024x1024xi32>
    %convert_element_type3A_257 = arith.sitofp %convert_element_type3A_256 : vector<1024x1024xi32> to vector<1024x1024xf32>
    %reduce_sum3A_258 = arith.constant dense<0.000000e+00> : vector<1024xf32>
    %reduce_sum3A_259 = vector.multi_reduction <add>, %convert_element_type3A_257, %reduce_sum3A_258 [1] : vector<1024x1024xf32> to vector<1024xf32>
    %broadcast_in_dim3A_260 = vector.shape_cast %reduce_sum3A_259 : vector<1024xf32> to vector<1024x1xf32>
    %broadcast_in_dim3A_261 = arith.constant 0.000000e+00 : f32
    %broadcast_in_dim3A_262 = vector.broadcast %broadcast_in_dim3A_261 : f32 to vector<1x1024xf32>
    %reduce_sum3A_263 = arith.constant dense<0.000000e+00> : vector<1024xf32>
    %reduce_sum3A_264 = vector.multi_reduction <add>, %convert_element_type3A_245, %reduce_sum3A_263 [0] : vector<1024x1024xf32> to vector<1024xf32>
    %broadcast_in_dim3A_265 = vector.shape_cast %reduce_sum3A_264 : vector<1024xf32> to vector<1x1024xf32>
    %sub3A_266 = arith.constant 1.024000e+03 : f32
    %sub3A_267 = vector.broadcast %sub3A_266 : f32 to vector<1x1024xf32>
    %sub3A_268 = arith.subf %sub3A_267, %broadcast_in_dim3A_265 : vector<1x1024xf32>
    %concatenate3A_269 = tpu.concatenate %broadcast_in_dim3A_249, %broadcast_in_dim3A_260 in 0 : vector<1024x1xf32>, vector<1024x1xf32> -> vector<2048x1xf32>
    %transpose3A_270 = tpu.transpose %concatenate3A_269, [1, 0] : vector<2048x1xf32> -> vector<1x2048xf32>
    %concatenate3A_271 = tpu.concatenate %broadcast_in_dim3A_262, %sub3A_268 in 1 : vector<1x1024xf32>, vector<1x1024xf32> -> vector<1x2048xf32>
    %add3A_272 = arith.addf %transpose3A_270, %concatenate3A_271 : vector<1x2048xf32>
    %convert_element_type3A_273 = arith.fptosi %add3A_272 : vector<1x2048xf32> to vector<1x2048xi32>
    %swap3A_274 = arith.constant 5 : index
    %swap3A_275 = arith.constant 0 : index
    %swap3A_276 = vector.load %arg1[%swap3A_274, %swap3A_275] : memref<8x2048xi32, #tpu.memory_space<vmem>>, vector<1x2048xi32>
    tpu.vector_store %arg1[%swap3A_274, %swap3A_275], %convert_element_type3A_273 {strides = array<i32>} : memref<8x2048xi32, #tpu.memory_space<vmem>>, vector<1x2048xi32>,
    %slice3A_277 = vector.extract_strided_slice %bitcast_convert_type3A {offsets = [6, 0], sizes = [1, 2048], strides = [1, 1]} : vector<8x2048xi32> to vector<1x2048xi32>
    %slice3A_278 = vector.extract_strided_slice %transpose3A {offsets = [0, 6], sizes = [2048, 1], strides = [1, 1]} : vector<2048x8xi32> to vector<2048x1xi32>
    %slice3A_279 = vector.extract_strided_slice %slice3A_278 {offsets = [0, 0], sizes = [1024, 1], strides = [1, 1]} : vector<2048x1xi32> to vector<1024x1xi32>
    %slice3A_280 = vector.extract_strided_slice %slice3A_277 {offsets = [0, 0], sizes = [1, 1024], strides = [1, 1]} : vector<1x2048xi32> to vector<1x1024xi32>
    %add3A_281 = vector.broadcast %slice3A_280 : vector<1x1024xi32> to vector<1024x1024xi32>
    %add3A_282 = arith.addi %add3A_281, %convert_element_type3A : vector<1024x1024xi32>
    %gt3A_283 = vector.broadcast %slice3A_279 : vector<1024x1xi32> to vector<1024x1024xi32>
    %gt3A_284 = arith.cmpi sgt, %add3A_282, %gt3A_283 : vector<1024x1024xi32>
    %convert_element_type3A_285 = arith.extui %gt3A_284 : vector<1024x1024xi1> to vector<1024x1024xi32>
    %convert_element_type3A_286 = arith.sitofp %convert_element_type3A_285 : vector<1024x1024xi32> to vector<1024x1024xf32>
    %slice3A_287 = vector.extract_strided_slice %slice3A_277 {offsets = [0, 1024], sizes = [1, 1024], strides = [1, 1]} : vector<1x2048xi32> to vector<1x1024xi32>
    %gt3A_288 = vector.broadcast %slice3A_287 : vector<1x1024xi32> to vector<1024x1024xi32>
    %gt3A_289 = vector.broadcast %slice3A_279 : vector<1024x1xi32> to vector<1024x1024xi32>
    %gt3A_290 = arith.cmpi sgt, %gt3A_288, %gt3A_289 : vector<1024x1024xi32>
    %convert_element_type3A_291 = arith.extui %gt3A_290 : vector<1024x1024xi1> to vector<1024x1024xi32>
    %convert_element_type3A_292 = arith.sitofp %convert_element_type3A_291 : vector<1024x1024xi32> to vector<1024x1024xf32>
    %add3A_293 = arith.addf %convert_element_type3A_286, %convert_element_type3A_292 : vector<1024x1024xf32>
    %reduce_sum3A_294 = arith.constant dense<0.000000e+00> : vector<1024xf32>
    %reduce_sum3A_295 = vector.multi_reduction <add>, %add3A_293, %reduce_sum3A_294 [1] : vector<1024x1024xf32> to vector<1024xf32>
    %broadcast_in_dim3A_296 = vector.shape_cast %reduce_sum3A_295 : vector<1024xf32> to vector<1024x1xf32>
    %slice3A_297 = vector.extract_strided_slice %slice3A_278 {offsets = [1024, 0], sizes = [1024, 1], strides = [1, 1]} : vector<2048x1xi32> to vector<1024x1xi32>
    %slice3A_298 = vector.extract_strided_slice %slice3A_277 {offsets = [0, 1024], sizes = [1, 1024], strides = [1, 1]} : vector<1x2048xi32> to vector<1x1024xi32>
    %add3A_299 = vector.broadcast %slice3A_298 : vector<1x1024xi32> to vector<1024x1024xi32>
    %add3A_300 = arith.addi %add3A_299, %convert_element_type3A : vector<1024x1024xi32>
    %gt3A_301 = vector.broadcast %slice3A_297 : vector<1024x1xi32> to vector<1024x1024xi32>
    %gt3A_302 = arith.cmpi sgt, %add3A_300, %gt3A_301 : vector<1024x1024xi32>
    %convert_element_type3A_303 = arith.extui %gt3A_302 : vector<1024x1024xi1> to vector<1024x1024xi32>
    %convert_element_type3A_304 = arith.sitofp %convert_element_type3A_303 : vector<1024x1024xi32> to vector<1024x1024xf32>
    %reduce_sum3A_305 = arith.constant dense<0.000000e+00> : vector<1024xf32>
    %reduce_sum3A_306 = vector.multi_reduction <add>, %convert_element_type3A_304, %reduce_sum3A_305 [1] : vector<1024x1024xf32> to vector<1024xf32>
    %broadcast_in_dim3A_307 = vector.shape_cast %reduce_sum3A_306 : vector<1024xf32> to vector<1024x1xf32>
    %broadcast_in_dim3A_308 = arith.constant 0.000000e+00 : f32
    %broadcast_in_dim3A_309 = vector.broadcast %broadcast_in_dim3A_308 : f32 to vector<1x1024xf32>
    %reduce_sum3A_310 = arith.constant dense<0.000000e+00> : vector<1024xf32>
    %reduce_sum3A_311 = vector.multi_reduction <add>, %convert_element_type3A_292, %reduce_sum3A_310 [0] : vector<1024x1024xf32> to vector<1024xf32>
    %broadcast_in_dim3A_312 = vector.shape_cast %reduce_sum3A_311 : vector<1024xf32> to vector<1x1024xf32>
    %sub3A_313 = arith.constant 1.024000e+03 : f32
    %sub3A_314 = vector.broadcast %sub3A_313 : f32 to vector<1x1024xf32>
    %sub3A_315 = arith.subf %sub3A_314, %broadcast_in_dim3A_312 : vector<1x1024xf32>
    %concatenate3A_316 = tpu.concatenate %broadcast_in_dim3A_296, %broadcast_in_dim3A_307 in 0 : vector<1024x1xf32>, vector<1024x1xf32> -> vector<2048x1xf32>
    %transpose3A_317 = tpu.transpose %concatenate3A_316, [1, 0] : vector<2048x1xf32> -> vector<1x2048xf32>
    %concatenate3A_318 = tpu.concatenate %broadcast_in_dim3A_309, %sub3A_315 in 1 : vector<1x1024xf32>, vector<1x1024xf32> -> vector<1x2048xf32>
    %add3A_319 = arith.addf %transpose3A_317, %concatenate3A_318 : vector<1x2048xf32>
    %convert_element_type3A_320 = arith.fptosi %add3A_319 : vector<1x2048xf32> to vector<1x2048xi32>
    %swap3A_321 = arith.constant 6 : index
    %swap3A_322 = arith.constant 0 : index
    %swap3A_323 = vector.load %arg1[%swap3A_321, %swap3A_322] : memref<8x2048xi32, #tpu.memory_space<vmem>>, vector<1x2048xi32>
    tpu.vector_store %arg1[%swap3A_321, %swap3A_322], %convert_element_type3A_320 {strides = array<i32>} : memref<8x2048xi32, #tpu.memory_space<vmem>>, vector<1x2048xi32>,
    %slice3A_324 = vector.extract_strided_slice %bitcast_convert_type3A {offsets = [7, 0], sizes = [1, 2048], strides = [1, 1]} : vector<8x2048xi32> to vector<1x2048xi32>
    %slice3A_325 = vector.extract_strided_slice %transpose3A {offsets = [0, 7], sizes = [2048, 1], strides = [1, 1]} : vector<2048x8xi32> to vector<2048x1xi32>
    %slice3A_326 = vector.extract_strided_slice %slice3A_325 {offsets = [0, 0], sizes = [1024, 1], strides = [1, 1]} : vector<2048x1xi32> to vector<1024x1xi32>
    %slice3A_327 = vector.extract_strided_slice %slice3A_324 {offsets = [0, 0], sizes = [1, 1024], strides = [1, 1]} : vector<1x2048xi32> to vector<1x1024xi32>
    %add3A_328 = vector.broadcast %slice3A_327 : vector<1x1024xi32> to vector<1024x1024xi32>
    %add3A_329 = arith.addi %add3A_328, %convert_element_type3A : vector<1024x1024xi32>
    %gt3A_330 = vector.broadcast %slice3A_326 : vector<1024x1xi32> to vector<1024x1024xi32>
    %gt3A_331 = arith.cmpi sgt, %add3A_329, %gt3A_330 : vector<1024x1024xi32>
    %convert_element_type3A_332 = arith.extui %gt3A_331 : vector<1024x1024xi1> to vector<1024x1024xi32>
    %convert_element_type3A_333 = arith.sitofp %convert_element_type3A_332 : vector<1024x1024xi32> to vector<1024x1024xf32>
    %slice3A_334 = vector.extract_strided_slice %slice3A_324 {offsets = [0, 1024], sizes = [1, 1024], strides = [1, 1]} : vector<1x2048xi32> to vector<1x1024xi32>
    %gt3A_335 = vector.broadcast %slice3A_334 : vector<1x1024xi32> to vector<1024x1024xi32>
    %gt3A_336 = vector.broadcast %slice3A_326 : vector<1024x1xi32> to vector<1024x1024xi32>
    %gt3A_337 = arith.cmpi sgt, %gt3A_335, %gt3A_336 : vector<1024x1024xi32>
    %convert_element_type3A_338 = arith.extui %gt3A_337 : vector<1024x1024xi1> to vector<1024x1024xi32>
    %convert_element_type3A_339 = arith.sitofp %convert_element_type3A_338 : vector<1024x1024xi32> to vector<1024x1024xf32>
    %add3A_340 = arith.addf %convert_element_type3A_333, %convert_element_type3A_339 : vector<1024x1024xf32>
    %reduce_sum3A_341 = arith.constant dense<0.000000e+00> : vector<1024xf32>
    %reduce_sum3A_342 = vector.multi_reduction <add>, %add3A_340, %reduce_sum3A_341 [1] : vector<1024x1024xf32> to vector<1024xf32>
    %broadcast_in_dim3A_343 = vector.shape_cast %reduce_sum3A_342 : vector<1024xf32> to vector<1024x1xf32>
    %slice3A_344 = vector.extract_strided_slice %slice3A_325 {offsets = [1024, 0], sizes = [1024, 1], strides = [1, 1]} : vector<2048x1xi32> to vector<1024x1xi32>
    %slice3A_345 = vector.extract_strided_slice %slice3A_324 {offsets = [0, 1024], sizes = [1, 1024], strides = [1, 1]} : vector<1x2048xi32> to vector<1x1024xi32>
    %add3A_346 = vector.broadcast %slice3A_345 : vector<1x1024xi32> to vector<1024x1024xi32>
    %add3A_347 = arith.addi %add3A_346, %convert_element_type3A : vector<1024x1024xi32>
    %gt3A_348 = vector.broadcast %slice3A_344 : vector<1024x1xi32> to vector<1024x1024xi32>
    %gt3A_349 = arith.cmpi sgt, %add3A_347, %gt3A_348 : vector<1024x1024xi32>
    %convert_element_type3A_350 = arith.extui %gt3A_349 : vector<1024x1024xi1> to vector<1024x1024xi32>
    %convert_element_type3A_351 = arith.sitofp %convert_element_type3A_350 : vector<1024x1024xi32> to vector<1024x1024xf32>
    %reduce_sum3A_352 = arith.constant dense<0.000000e+00> : vector<1024xf32>
    %reduce_sum3A_353 = vector.multi_reduction <add>, %convert_element_type3A_351, %reduce_sum3A_352 [1] : vector<1024x1024xf32> to vector<1024xf32>
    %broadcast_in_dim3A_354 = vector.shape_cast %reduce_sum3A_353 : vector<1024xf32> to vector<1024x1xf32>
    %broadcast_in_dim3A_355 = arith.constant 0.000000e+00 : f32
    %broadcast_in_dim3A_356 = vector.broadcast %broadcast_in_dim3A_355 : f32 to vector<1x1024xf32>
    %reduce_sum3A_357 = arith.constant dense<0.000000e+00> : vector<1024xf32>
    %reduce_sum3A_358 = vector.multi_reduction <add>, %convert_element_type3A_339, %reduce_sum3A_357 [0] : vector<1024x1024xf32> to vector<1024xf32>
    %broadcast_in_dim3A_359 = vector.shape_cast %reduce_sum3A_358 : vector<1024xf32> to vector<1x1024xf32>
    %sub3A_360 = arith.constant 1.024000e+03 : f32
    %sub3A_361 = vector.broadcast %sub3A_360 : f32 to vector<1x1024xf32>
    %sub3A_362 = arith.subf %sub3A_361, %broadcast_in_dim3A_359 : vector<1x1024xf32>
    %concatenate3A_363 = tpu.concatenate %broadcast_in_dim3A_343, %broadcast_in_dim3A_354 in 0 : vector<1024x1xf32>, vector<1024x1xf32> -> vector<2048x1xf32>
    %transpose3A_364 = tpu.transpose %concatenate3A_363, [1, 0] : vector<2048x1xf32> -> vector<1x2048xf32>
    %concatenate3A_365 = tpu.concatenate %broadcast_in_dim3A_356, %sub3A_362 in 1 : vector<1x1024xf32>, vector<1x1024xf32> -> vector<1x2048xf32>
    %add3A_366 = arith.addf %transpose3A_364, %concatenate3A_365 : vector<1x2048xf32>
    %convert_element_type3A_367 = arith.fptosi %add3A_366 : vector<1x2048xf32> to vector<1x2048xi32>
    %swap3A_368 = arith.constant 7 : index
    %swap3A_369 = arith.constant 0 : index
    %swap3A_370 = vector.load %arg1[%swap3A_368, %swap3A_369] : memref<8x2048xi32, #tpu.memory_space<vmem>>, vector<1x2048xi32>
    tpu.vector_store %arg1[%swap3A_368, %swap3A_369], %convert_element_type3A_367 {strides = array<i32>} : memref<8x2048xi32, #tpu.memory_space<vmem>>, vector<1x2048xi32>,
    return
  }
}

</mosaic_0001>

<sc_bundles>
// kernel: kernel.4.cloned.1.call-start
scs
__scs_entry_jumppad:
0x0: {  	(pc) =	sbr.rel $0x88, $3  }
0x1: {  	(tag) =	ssettag $0x0;
	lr =	simm.s32 $0x1  }
0x2: {  	[smem:$0x3FA0] =	sst lr;
	_ =	strace $0xD0000000  }
0x3: {  	_ = 	snop  }
0x4: {  	_ = 	snop  }
0x5: {  	_ = 	snop  }
0x6: {  	_ = 	snop  }
0x7: {  	_ = 	snop  }
__scs_overlays_trampoline_lowered:
0x8: {  	[smem:$0x3FAF] =	sst s0  }
0x9: {  	[smem:$0x3FB0] =	sst s1  }
0xa: {  	[smem:$0x3FB1] =	sst s2  }
0xb: {  	[smem:$0x3FB2] =	sst s3  }
0xc: {  	[smem:$0x3FB3] =	sst s4  }
0xd: {  	[smem:$0x3FB4] =	sst s5  }
0xe: {  	[smem:$0x3FB5] =	sst s6  }
0xf: {  	[smem:$0x3FB6] =	sst s7  }
0x10: {  	[smem:$0x3FB7] =	sst s8  }
0x11: {  	[smem:$0x3FB8] =	sst s9;
	s0 =	simm.s32 @!p0 $0x0  }
0x12: {  	s1 =	sld [smem:$0x3F9E];
	s0 =	simm.s32 @p0 $0x1  }
0x13: {  	[smem:$0x3FB9] =	sst s0;
	s0 =	simm.s32 @!p1 $0x0  }
0x14: {  	s2 =	sld [smem:$0x3F9D];
	s0 =	simm.s32 @p1 $0x1  }
0x15: {  	[smem:$0x3FBA] =	sst s0;
	s0 =	simm.s32 @!p2 $0x0  }
0x16: {  	s3 =	sld [smem:$0x3FDB];
	s0 =	simm.s32 @p2 $0x1  }
0x17: {  	s4 =	simm.s32 $0x1BF5;
	[smem:$0x3FBC] =	sst s0  }
0x18: {  	s0 =	sld [smem:$0x3F9F];
	_ =	swait.ge [sflag:s4], $0x0  }
0x19: {  	s7 =	sld [smem:$0x3FA0]  }
0x1a: {  	s8 =	sadd.s32 $0xFFFFE003, lr  }
0x1b: {  	s9 =	sadd.s32 $0xFFFFFEF7, lr;
	s5 =	simm.s32 $0xFFFFFFFF;
	p2 =	slt.u32 s8, $0xFFFFF086  }
0x1c: {  	p1 =	slt.u32 s9, $0xF7A;
	s5 =	simm.s32 @!p2 $0x0  }
0x1d: {  	s5 =	simm.s32 @p1 $0x1;
	p0 =	seq.s32 s7, s2  }
0x1e: {  	s7 =	smul.u32 @!p0 $0xF7A, s2;
	p2 =	seq.s32 @!p0 s5, $0x0  }
0x1f: {  	s9 =	smul.u32 $0xF7A, s1;
	s8 =	simm.s32 @!p0 $0x1BF5;
	p2 =	por !p2, p0  }
0x20: {  	[sflag:s8] =	ssyncset.s32 @!p0 $0xFFFFF086;
	s6 =	sadd.s32 @!p0 s3, s7;
	s7 =	simm.s32 @!p0 $0x108  }
0x21: {  	s3 =	sadd.s32 s3, s9;
	s6 =	sadd.s32 @!p0 $0x88, s6;
	s7 =	simm.s32 @p2 $0x1082  }
0x22: {  	[simem:s7], [sflag:s8] =	dma.local @!p0 [hbm:s6], $0xF7A  }
0x23: {  	s9 =	sor.u32 $0xD0000000, s2;
	s6 =	simm.s32 $0x108;
	_ =	swait.ge @!p0 [sflag:s8], $0x0  }
0x24: {  	s3 =	sadd.s32 $0x88, s3;
	s6 =	simm.s32 @!p1 $0x1082;
	[sflag:s4] =	ssyncset.s32 $0xFFFFF086  }
0x25: {  	[simem:s6], [sflag:s4] =	dma.local [hbm:s3], $0xF7A  }
0x26: {  	[smem:$0x3FA0] =	sst s1;
	(tag) =	ssettag s2;
	_ =	strace s9  }
0x27: {  	s1 =	sld [smem:$0x3FB0]  }
0x28: {  	s2 =	sld [smem:$0x3FB1]  }
0x29: {  	s4 =	sld [smem:$0x3FB3]  }
0x2a: {  	p0 =	seq.s32 s5, $0x0;
	s5 =	sld [smem:$0x3FB4]  }
0x2b: {  	s6 =	sld [smem:$0x3FB5]  }
0x2c: {  	s7 =	sld [smem:$0x3FB6]  }
0x2d: {  	s3 =	simm.s32 $0x108;
	s8 =	sld [smem:$0x3FB7]  }
0x2e: {  	s3 =	simm.s32 @!p0 $0x1082;
	s9 =	sld [smem:$0x3FB8]  }
0x2f: {  	lr =	sadd.s32 s0, s3;
	s0 =	sld [smem:$0x3FAF]  }
0x30: {  	s3 =	sld [smem:$0x3FB2]  }
0x31: {  	[smem:$0x3FBB] =	sst s10  }
0x32: {  	s10 =	sld [smem:$0x3FB9];
	_ =	sdelay $0x3  }
0x33: {  	p0 =	seq.s32 s10, $0x1;
	s10 =	sld [smem:$0x3FBB];
	_ =	sdelay $0x3  }
0x34: {  	[smem:$0x3FBB] =	sst s10  }
0x35: {  	s10 =	sld [smem:$0x3FBA];
	_ =	sdelay $0x3  }
0x36: {  	p1 =	seq.s32 s10, $0x1;
	s10 =	sld [smem:$0x3FBB];
	_ =	sdelay $0x3  }
0x37: {  	[smem:$0x3FBB] =	sst s10  }
0x38: {  	s10 =	sld [smem:$0x3FBC]  }
0x39: {  	_ = 	snop;
	(pc) =	sbr.ind lr, $3  }
0x3a: {  	_ = 	snop  }
0x3b: {  	_ = 	snop  }
0x3c: {  	p2 =	seq.s32 s10, $0x1;
	s10 =	sld [smem:$0x3FBB]  }
0x3d: {  	_ =	shalt  }
0x3e: {  	_ =	shalt  }
0x3f: {  	_ =	shalt  }
0x40: {  	_ =	shalt  }
0x41: {  	_ =	shalt  }
0x42: {  	_ =	shalt  }
0x43: {  	_ =	shalt  }
0x44: {  	_ =	shalt  }
0x45: {  	_ =	shalt  }
0x46: {  	_ =	shalt  }
0x47: {  	_ =	shalt  }
0x48: {  	_ =	shalt  }
0x49: {  	_ =	shalt  }
0x4a: {  	_ =	shalt  }
0x4b: {  	_ =	shalt  }
0x4c: {  	_ =	shalt  }
0x4d: {  	_ =	shalt  }
0x4e: {  	_ =	shalt  }
0x4f: {  	_ =	shalt  }
0x50: {  	_ =	shalt  }
0x51: {  	_ =	shalt  }
0x52: {  	_ =	shalt  }
0x53: {  	_ =	shalt  }
0x54: {  	_ =	shalt  }
0x55: {  	_ =	shalt  }
0x56: {  	_ =	shalt  }
0x57: {  	_ =	shalt  }
0x58: {  	_ =	shalt  }
0x59: {  	_ =	shalt  }
0x5a: {  	_ =	shalt  }
0x5b: {  	_ =	shalt  }
0x5c: {  	_ =	shalt  }
0x5d: {  	_ =	shalt  }
0x5e: {  	_ =	shalt  }
0x5f: {  	_ =	shalt  }
0x60: {  	_ =	shalt  }
0x61: {  	_ =	shalt  }
0x62: {  	_ =	shalt  }
0x63: {  	_ =	shalt  }
0x64: {  	_ =	shalt  }
0x65: {  	_ =	shalt  }
0x66: {  	_ =	shalt  }
0x67: {  	_ =	shalt  }
0x68: {  	_ =	shalt  }
0x69: {  	_ =	shalt  }
0x6a: {  	_ =	shalt  }
0x6b: {  	_ =	shalt  }
0x6c: {  	_ =	shalt  }
0x6d: {  	_ =	shalt  }
0x6e: {  	_ =	shalt  }
0x6f: {  	_ =	shalt  }
0x70: {  	_ =	shalt  }
0x71: {  	_ =	shalt  }
0x72: {  	_ =	shalt  }
0x73: {  	_ =	shalt  }
0x74: {  	_ =	shalt  }
0x75: {  	_ =	shalt  }
0x76: {  	_ =	shalt  }
0x77: {  	_ =	shalt  }
0x78: {  	_ =	shalt  }
0x79: {  	_ =	shalt  }
0x7a: {  	_ =	shalt  }
0x7b: {  	_ =	shalt  }
0x7c: {  	_ =	shalt  }
0x7d: {  	_ =	shalt  }
0x7e: {  	_ =	shalt  }
0x7f: {  	_ =	shalt  }
0x80: {  	_ =	shalt  }
0x81: {  	_ =	shalt  }
0x82: {  	_ =	shalt  }
0x83: {  	_ =	shalt  }
0x84: {  	_ =	shalt  }
0x85: {  	_ =	shalt  }
0x86: {  	_ =	shalt  }
0x87: {  	_ =	shalt  }
.Lfunc_end0:
.L_simem_size_0:
called_computation_lowered:
.L_overlay_start_0:
0x88: {  	s2 =	sld [smem:$0x3FD9]  }
0x89: {  	s3 =	sld [smem:$0x3FFE];
	_ =	sdelay $0x1  }
0x8a: {  	s1 =	srdreg.scid  }
0x8b: {  	s0 =	sand.u32 $0x1, s1  }
0x8c: {  	s17 =	sshll.u32 s0, $0xA;
	s2 =	sadd.s32 s3, s2  }
0x8d: {  	s2 =	sadd.s32 s2, s17  }
0x8e: {  	[smem:$0x3FC7] =	sst s2  }
0x8f: {  	_ = 	snop  }
0x90: {  	s2 =	sld [smem:$0x3FD0];
	(tm) =	ssettm $0x1  }
0x91: {  	s18 =	sld [smem:$0x3FFB];
	_ =	sdelay $0x3  }
0x92: {  	_ =	strace s18  }
0x93: {  	s3 =	sld [smem:$0x3FFC];
	_ =	sdelay $0x3  }
0x94: {  	_ =	strace s3  }
0x95: {  	s3 =	sld [smem:$0x3FFD];
	_ =	sdelay $0x3  }
0x96: {  	_ =	strace s3  }
0x97: {  	_ =	strace $0x8FFFFFFF  }
0x98: {  	s19 =	sld [smem:$0x3FDB];
	_ =	sdelay $0x1  }
0x99: {  	s4 =	simm.s32 $_scs_section_size  }
0x9a: {  	s5 =	simm.s32 $_size__tile_overlayer_lowered;
	s6 =	simm.s32 $_tile_overlayer_lowered  }
0x9b: {  	s22 =	simm.s32 $0x1BFF;
	s21 =	sshll.u32 s6, $0x1;
	s3 =	sadd.s32 s4, s19  }
0x9c: {  	s7 =	simm.s32 $0x0;
	s20 =	sshll.u32 s5, $0x1;
	s5 =	sadd.s32 s21, s3  }
0x9d: {  	[timem:s7], [sflag:s22] =	dma.local [hbm:s5], s20  }
0x9e: {  	_ =	swait.ge [sflag:s22], s20  }
0x9f: {  	s4 =	ssub.s32 $0x0, s20;
	[sflag:s22] =	ssyncset.done $0x0  }
0xa0: {  	[sflag:s22] =	ssyncadd.s32 s4;
	_ =	sdelay $0x1  }
0xa1: {  	s23 =	simm.s32 $0x1B8B  }
0xa2: {  	_ =	swait.ge [sflag:s23], $0x1  }
0xa3: {  	[sflag:s23] =	ssyncset.done $0x0  }
0xa4: {  	s25 =	simm.s32 $0x1B8E;
	s24 =	sld [smem:$0x3FFE];
	[sflag:s23] =	ssyncadd.s32 $0xFFFFFFFF  }
0xa5: {  	s26 =	simm.s32 $execute0_lowered;
	[smem:$0x3FD2] =	sst s25  }
0xa6: {  	s5 =	sshll.u32 s26, $0x1;
	_ =	strace $0x80000046;
	[dreg:$0x1] =	wrdreg $0xFFFFFFFF  }
0xa7: {  	s28 =	simm.s32 $_size_execute0_lowered;
	s3 =	sadd.s32 s3, s5;
	[dreg:$0x0] =	wrdreg $0x0  }
0xa8: {  	s5 =	sshll.u32 s28, $0x1;
	[dreg:$0x2] =	wrdreg s3  }
0xa9: {  	[dreg:$0x3] =	wrdreg s5  }
0xaa: {  	[dreg:$0x4] =	wrdreg $0xC0  }
0xab: {  	_ =	task [dreg:s7], $0x5FFFF  }
0xac: {  	[dreg:$0x1] =	wrdreg $0xFFFFFFFF  }
0xad: {  	[dreg:$0x0] =	wrdreg $0x60  }
0xae: {  	[dreg:$0x2] =	wrdreg s2  }
0xaf: {  	[dreg:$0x3] =	wrdreg s24  }
0xb0: {  	[dreg:$0x4] =	wrdreg $0x9  }
0xb1: {  	_ =	task.clear_ibuf [dreg:s7], $0x5FFFF;
	_ =	strace $0x90000046  }
0xb2: {  	s29 =	simm.s32 $0x9;
	_ =	strace $0x80000048  }
0xb3: {  	_ =	swait.ge [sflag:s29], $0x1  }
0xb4: {  	[sflag:s29] =	ssyncadd.s32 $0xFFFFFFFF  }
0xb5: {  	_ =	strace $0x90000048  }
0xb6: {  	_ =	sfence  }
0xb7: {  	s30 =	sld [smem:$0x0];
	_ =	sdelay $0x2  }
0xb8: {  	s31 =	sshll.u32 s1, $0xD;
	s1 =	sshrl.u32 s1, $0x2  }
0xb9: {  	s3 =	sand.u32 $0x4000, s31;
	s1 =	sadd.s32 s1, s30  }
0xba: {  	s0 =	sor.u32 s3, s0;
	s1 =	sshll.u32 s1, $0x11  }
0xbb: {  	s0 =	sor.u32 s1, s0  }
0xbc: {  	s0 =	sadd.s32 $0x8F2B, s0  }
0xbd: {  	[sflag:s0] =	ssyncadd.remote.s32 $0x1  }
0xbe: {  	_ =	sfence.sel $0xFFFF  }
0xbf: {  	[dreg:$0x0] =	wrdreg $0xFFFFFFFF;
	(pc) =	sbr.abs _section_cstart, $3  }
0xc0: {  	[dreg:$0x1] =	wrdreg $0xFFFFFFFF  }
0xc1: {  	_ =	task.clear_ibuf [dreg:s7], $0x2FFFF;
	_ =	strace $0x9FFFFFFF  }
0xc2: {  	(tm) =	ssettm $0x7FFFFFFF  }
0xc3: {  	_ =	shalt  }
tec
execute0_lowered:
.L_overlay_start_1:
0x0: {  	(tag) =	ssettag $0x1  }
0x1: {  	s3 =	stileid.u32  }
0x2: {  	p0 =	sgt.u32 s3, $0x3  }
.Ltmp0:
0x3: {  	_ = 	snop;
	(pc) =	sbr.rel @p0 .LBB2_37-.Ltmp0, $4  }
0x4: {  	_ = 	snop  }
0x5: {  	s0 =	rddreg [dreg:$0x0];
	s2 =	simm.s32 $0x0  }
0x6: {  	[smem:$0x7FF] =	sst s2  }
0x7: {  	s1 =	rddreg [dreg:$0x1];
	_ =	strace $0x80000047  }
0x8: {  	s3 =	srdreg.scid;
	s4 =	stileid.u32;
	s29 =	sadd.s32 $0x800, s1  }
0x9: {  	s30 =	sadd.s32 $0x1000, s1;
	s9 =	simm.s32 $0x6860;
	s10 =	simm.s32 $0x1  }
0xa: {  	s11 =	simm.s32 $0x2;
	s12 =	simm.s32 $0x3;
	s13 =	simm.s32 $0x1000  }
0xb: {  	s14 =	simm.s32 $0x1800;
	s15 =	simm.s32 $0x2800;
	s16 =	simm.s32 $0x2000  }
0xc: {  	s17 =	simm.s32 $0x3020;
	s18 =	simm.s32 $0x3830;
	s19 =	simm.s32 $0x4040  }
0xd: {  	s20 =	simm.s32 $0x4850;
	s21 =	simm.s32 $0x5060;
	s22 =	simm.s32 $0x5860  }
0xe: {  	s24 =	simm.s32 $0x4;
	s25 =	simm.s32 $0x0;
	s3 =	sand.u32 $0x1, s3  }
0xf: {  	s4 =	sshll.u32 s4, $0x9;
	s5 =	sshll.u32 s3, $0x8;
	s3 =	ssub.s32 $0x2, s3  }
0x10: {  	v0 =	vimm.f32 $1.000000000e+00;
	[dreg:$0x3] =	wrdreg s30;
	s6 =	sor.u32 s5, s4;
	s7 =	sshrl.u32 s3, $0x1  }
0x11: {  	v1 =	vimm.s32 $0x0;
	v2 =	vlaneseq.u32;
	v4 =	vimm.s32 $0x800;
	s4 =	sadd.s32 s6, s1;
	s31 =	ssub.s32 s3, s7;
	s5 =	sadd.s32 s29, s6  }
0x12: {  	v5 =	vimm.f32 $+Inf;
	v0 =	vand.u32 $0x7FFFFFFF, v0;
	v3 =	vadd.s32 $0xFFFFFFFF, v2;
	s6 =	sadd.s32 s0, s6;
	s4 =	sadd.s32 $0x1200, s4;
	s7 =	smax.u32 s31, $0x1  }
.LBB2_2:
0x13: {  	[tilespmem:s2], [sflag:$0x1] =	stream.linear.gather [hbm4b:s6+s2], $0x800, $0x38;
	[tilespmem:$0x7070] =	vst v63  }
0x14: {  	s0 =	simm.s32 $0x800  }
0x15: {  	[tilespmem:s0], [sflag:$0x2] =	stream.linear.gather [hbm4b:s5+s2], $0x800, $0x38;
	[tilespmem:$0x7070] =	vst v63  }
0x16: {  	s3 =	rddreg [dreg:$0x3]  }
0x17: {  	[tilespmem:s9], [sflag:$0x3] =	stream.linear.gather [hbm4b:s3+s2], $0x810, $0x38;
	[tilespmem:$0x7070] =	vst v63  }
0x18: {  	_ =	swait.ge [sflag:s10], $0x800  }
0x19: {  	[sflag:s10] =	ssyncset.done $0x0  }
0x1a: {  	[sflag:s10] =	ssyncadd.s32 $0xFFFFF800  }
0x1b: {  	_ =	swait.ge [sflag:s11], $0x800  }
0x1c: {  	[sflag:s11] =	ssyncset.done $0x0  }
0x1d: {  	[sflag:s11] =	ssyncadd.s32 $0xFFFFF800  }
0x1e: {  	_ =	swait.ge [sflag:s12], $0x810  }
0x1f: {  	[sflag:s12] =	ssyncset.done $0x0  }
0x20: {  	s8 =	simm.s32 $0x820;
	[sflag:s12] =	ssyncadd.s32 $0xFFFFF7F0  }
0x21: {  	s1 =	simm.s32 $0x20;
	v6 =	vld [tilespmem:s8+$0xFFFFFFE0]  }
0x22: {  	v7 =	vld [tilespmem:s1+$0xFFFFFFE0];
	_ =	sdelay $0x4  }
0x23: {  	v8 =	vand.u32 $0x80000000, v7;
	vm0 =	vlt.f32 v7, $0.0e+00;
	vm1 =	vgt.f32 v7, $0.0e+00  }
0x24: {  	v9 =	vand.u32 $0x7FFFFFFF, v7;
	v8 =	vor.u32 v8, v0;
	vm0 =	vmor vm1, vm0  }
0x25: {  	v7 =	vsel vm0, v8, v7;
	[tilespmem:v6+s13+$0x0] =	vst.idx.msk $0xffff, v9  }
0x26: {  	[tilespmem:v6+s14+$0x0] =	vst.idx.msk $0xffff, v7  }
0x27: {  	v6 =	vld [tilespmem:s8+$0xFFFFFFF0]  }
0x28: {  	v7 =	vld [tilespmem:s1+$0xFFFFFFF0];
	_ =	sdelay $0x4  }
0x29: {  	v8 =	vand.u32 $0x80000000, v7;
	vm8 =	vlt.f32 v7, $0.0e+00;
	vm2 =	vgt.f32 v7, $0.0e+00  }
0x2a: {  	v57 =	vand.u32 $0x7FFFFFFF, v7;
	v8 =	vor.u32 v8, v0;
	vm0 =	vmor vm2, vm8  }
0x2b: {  	v7 =	vsel vm0, v8, v7;
	[tilespmem:v6+s13+$0x0] =	vst.idx.msk $0xffff, v57  }
0x2c: {  	[tilespmem:v6+s14+$0x0] =	vst.idx.msk $0xffff, v7  }
0x2d: {  	v6 =	vld [tilespmem:s8+$0x0]  }
0x2e: {  	v7 =	vld [tilespmem:s1+$0x0];
	_ =	sdelay $0x4  }
0x2f: {  	v8 =	vand.u32 $0x80000000, v7;
	vm9 =	vlt.f32 v7, $0.0e+00;
	vm3 =	vgt.f32 v7, $0.0e+00  }
0x30: {  	v58 =	vand.u32 $0x7FFFFFFF, v7;
	v8 =	vor.u32 v8, v0;
	vm0 =	vmor vm3, vm9  }
0x31: {  	v10 =	vsel vm1, $0x3F800000, v1;
	v7 =	vsel vm0, v8, v7;
	[tilespmem:v6+s13+$0x0] =	vst.idx.msk $0xffff, v58  }
0x32: {  	(xrf2) =	vadd.scan.msk.f32 $0xffff, v10;
	[tilespmem:v6+s14+$0x0] =	vst.idx.msk $0xffff, v7;
	v6 =	vsel vm2, $0x3F800000, v1  }
0x33: {  	(xrf2) =	vadd.scan.msk.f32 $0xffff, v6;
	v6 =	vld [tilespmem:s1+$0x10]  }
0x34: {  	v8 =	vsel vm3, $0x3F800000, v1  }
0x35: {  	v7 =	vld [tilespmem:s8+$0x10];
	(xrf2) =	vadd.scan.msk.f32 $0xffff, v8;
	_ =	sdelay $0x2  }
0x36: {  	v8 =	vand.u32 $0x80000000, v6  }
0x37: {  	v8 =	vor.u32 v8, v0  }
0x38: {  	vm10 =	vlt.f32 v6, $0.0e+00;
	vm11 =	vgt.f32 v6, $0.0e+00  }
0x39: {  	vm0 =	vmor vm11, vm10  }
0x3a: {  	v59 =	vand.u32 $0x7FFFFFFF, v6;
	v6 =	vsel vm0, v8, v6;
	v8, _, _ =	vpop (xrf2)  }
0x3b: {  	[tilespmem:v7+s13+$0x0] =	vst.idx.msk $0xffff, v59;
	(v2sf) =	vpush v8, $0xF  }
0x3c: {  	[tilespmem:v7+s14+$0x0] =	vst.idx.msk $0xffff, v6;
	v7, _, _ =	vpop (xrf2)  }
0x3d: {  	(v2sf) =	vpush v7, $0xF;
	v7, _, _ =	vpop (xrf2)  }
0x3e: {  	(v2sf) =	vpush v7, $0xF;
	v7 =	vsel vm11, $0x3F800000, v1  }
0x3f: {  	s28 =	simm.s32 $0x860;
	(xrf2) =	vadd.scan.msk.f32 $0xffff, v7  }
0x40: {  	s29 =	simm.s32 $0x60;
	v6 =	vld [tilespmem:s28+$0xFFFFFFE0]  }
0x41: {  	v8 =	vld [tilespmem:s29+$0xFFFFFFE0];
	_ =	sdelay $0x4  }
0x42: {  	v60 =	vand.u32 $0x80000000, v8;
	vm12 =	vlt.f32 v8, $0.0e+00;
	vm13 =	vgt.f32 v8, $0.0e+00  }
0x43: {  	v61 =	vand.u32 $0x7FFFFFFF, v8;
	v9 =	vor.u32 v60, v0;
	vm0 =	vmor vm13, vm12  }
0x44: {  	v7 =	vsel vm0, v9, v8;
	[tilespmem:v6+s13+$0x0] =	vst.idx.msk $0xffff, v61  }
0x45: {  	v8 =	vsel vm13, $0x3F800000, v1;
	[tilespmem:v6+s14+$0x0] =	vst.idx.msk $0xffff, v7;
	v63, _, _ =	vpop (xrf2)  }
0x46: {  	(xrf2) =	vadd.scan.msk.f32 $0xffff, v8;
	v7 =	vld [tilespmem:s29+$0xFFFFFFF0];
	s23 =	spop (v2sf);
	(v2sf) =	vpush v63, $0xF  }
0x47: {  	v6 =	vld [tilespmem:s28+$0xFFFFFFF0];
	_ =	sdelay $0x3  }
0x48: {  	v8 =	vand.u32 $0x80000000, v7;
	vm14 =	vlt.f32 v7, $0.0e+00;
	vm15 =	vgt.f32 v7, $0.0e+00  }
0x49: {  	s26 =	simm.f32 $0.0e+00;
	v8 =	vor.u32 v8, v0;
	vm0 =	vmor vm15, vm14  }
0x4a: {  	v62 =	vand.u32 $0x7FFFFFFF, v7;
	s0 =	sadd.f32 s23, s26;
	v7 =	vsel vm0, v8, v7  }
0x4b: {  	s31 =	spop (v2sf)  }
0x4c: {  	v8 =	vsel vm15, $0x3F800000, v1;
	[tilespmem:v6+s13+$0x0] =	vst.idx.msk $0xffff, v62;
	s1 =	sadd.f32 s31, s0  }
0x4d: {  	s3 =	spop (v2sf);
	(xrf2) =	vadd.scan.msk.f32 $0xffff, v8;
	[tilespmem:v6+s14+$0x0] =	vst.idx.msk $0xffff, v7;
	v7, _, _ =	vpop (xrf2)  }
0x4e: {  	s0 =	simm.s32 $0x4;
	s30 =	sadd.f32 s3, s1;
	v6 =	vld [tilespmem:s28+$0x0];
	(v2sf) =	vpush v7, $0xF  }
.LBB2_3:
0x4f: {  	s0 =	sadd.s32 $0x4, s0;
	v7 =	vld [tilespmem:s29+$0x0]  }
0x50: {  	p0 =	slt.u32 s0, $0x7C;
	_ =	sdelay $0x1  }
0x51: {  	s1 =	spop (v2sf)  }
0x52: {  	s30 =	sadd.f32 s1, s30  }
0x53: {  	v8 =	vand.u32 $0x80000000, v7;
	vm0 =	vlt.f32 v7, $0.0e+00;
	vm1 =	vgt.f32 v7, $0.0e+00  }
0x54: {  	v9 =	vand.u32 $0x7FFFFFFF, v7;
	v8 =	vor.u32 v8, v0;
	vm0 =	vmor vm1, vm0  }
0x55: {  	[tilespmem:v6+s13+$0x0] =	vst.idx.msk $0xffff, v9;
	v7 =	vsel vm0, v8, v7;
	v8 =	vsel vm1, $0x3F800000, v1  }
0x56: {  	[tilespmem:v6+s14+$0x0] =	vst.idx.msk $0xffff, v7;
	v6, _, _ =	vpop (xrf2);
	(xrf2) =	vadd.scan.msk.f32 $0xffff, v8  }
0x57: {  	v7 =	vld [tilespmem:s28+$0x10];
	(v2sf) =	vpush v6, $0xF  }
0x58: {  	v6 =	vld [tilespmem:s29+$0x10];
	_ =	sdelay $0x3  }
0x59: {  	s1 =	spop (v2sf)  }
0x5a: {  	v8 =	vand.u32 $0x7FFFFFFF, v6;
	v9 =	vand.u32 $0x80000000, v6;
	vm0 =	vlt.f32 v6, $0.0e+00  }
0x5b: {  	vm1 =	vgt.f32 v6, $0.0e+00;
	v10 =	vor.u32 v9, v0  }
0x5c: {  	s28 =	sadd.s32 $0x40, s28;
	vm0 =	vmor vm1, vm0;
	[tilespmem:v7+s13+$0x0] =	vst.idx.msk $0xffff, v8;
	v8 =	vsel vm1, $0x3F800000, v1  }
0x5d: {  	s29 =	sadd.s32 $0x40, s29;
	v6 =	vsel vm0, v10, v6;
	v9, _, _ =	vpop (xrf2);
	(xrf2) =	vadd.scan.msk.f32 $0xffff, v8  }
0x5e: {  	[tilespmem:v7+s14+$0x0] =	vst.idx.msk $0xffff, v6;
	(v2sf) =	vpush v9, $0xF  }
0x5f: {  	v6 =	vld [tilespmem:s28+$0xFFFFFFE0]  }
0x60: {  	v7 =	vld [tilespmem:s29+$0xFFFFFFE0];
	_ =	sdelay $0x2  }
0x61: {  	s3 =	spop (v2sf);
	_ =	sdelay $0x1  }
0x62: {  	v8 =	vand.u32 $0x80000000, v7;
	vm0 =	vlt.f32 v7, $0.0e+00;
	vm1 =	vgt.f32 v7, $0.0e+00  }
0x63: {  	v10 =	vand.u32 $0x7FFFFFFF, v7;
	v8 =	vor.u32 v8, v0;
	vm0 =	vmor vm1, vm0  }
0x64: {  	[tilespmem:v6+s13+$0x0] =	vst.idx.msk $0xffff, v10;
	v7 =	vsel vm0, v8, v7;
	v8 =	vsel vm1, $0x3F800000, v1;
	v9, _, _ =	vpop (xrf2)  }
0x65: {  	[tilespmem:v6+s14+$0x0] =	vst.idx.msk $0xffff, v7;
	(xrf2) =	vadd.scan.msk.f32 $0xffff, v8;
	(v2sf) =	vpush v9, $0xF  }
0x66: {  	v6 =	vld [tilespmem:s28+$0xFFFFFFF0]  }
0x67: {  	v7 =	vld [tilespmem:s29+$0xFFFFFFF0];
	_ =	sdelay $0x2  }
0x68: {  	s8 =	spop (v2sf)  }
0x69: {  	s1 =	sadd.f32 s1, s30  }
.Ltmp1:
0x6a: {  	v8 =	vand.u32 $0x80000000, v7;
	vm0 =	vlt.f32 v7, $0.0e+00;
	vm1 =	vgt.f32 v7, $0.0e+00;
	(pc) =	sbr.rel @p0 .LBB2_3-.Ltmp1, $4  }
0x6b: {  	s1 =	sadd.f32 s3, s1;
	v9 =	vand.u32 $0x7FFFFFFF, v7;
	v8 =	vor.u32 v8, v0;
	vm0 =	vmor vm1, vm0  }
0x6c: {  	[tilespmem:v6+s13+$0x0] =	vst.idx.msk $0xffff, v9;
	v9 =	vsel vm0, v8, v7;
	v8 =	vsel vm1, $0x3F800000, v1  }
0x6d: {  	s30 =	sadd.f32 s8, s1;
	[tilespmem:v6+s14+$0x0] =	vst.idx.msk $0xffff, v9;
	v7, _, _ =	vpop (xrf2);
	(xrf2) =	vadd.scan.msk.f32 $0xffff, v8  }
0x6e: {  	v6 =	vld [tilespmem:s28+$0x0];
	(v2sf) =	vpush v7, $0xF  }
0x6f: {  	_ = 	snop  }
0x70: {  	v7 =	vld [tilespmem:s29+$0x0];
	_ =	sdelay $0x4  }
0x71: {  	v8 =	vand.u32 $0x80000000, v7;
	vm0 =	vlt.f32 v7, $0.0e+00;
	vm1 =	vgt.f32 v7, $0.0e+00  }
0x72: {  	v9 =	vand.u32 $0x7FFFFFFF, v7;
	v8 =	vor.u32 v8, v0;
	vm0 =	vmor vm1, vm0  }
0x73: {  	[tilespmem:v6+s13+$0x0] =	vst.idx.msk $0xffff, v9;
	v7 =	vsel vm0, v8, v7  }
0x74: {  	[tilespmem:v6+s14+$0x0] =	vst.idx.msk $0xffff, v7  }
0x75: {  	v6 =	vld [tilespmem:s28+$0x10]  }
0x76: {  	v7 =	vld [tilespmem:s29+$0x10];
	_ =	sdelay $0x4  }
0x77: {  	v8 =	vand.u32 $0x80000000, v7;
	vm10 =	vlt.f32 v7, $0.0e+00;
	vm2 =	vgt.f32 v7, $0.0e+00  }
0x78: {  	v60 =	vand.u32 $0x7FFFFFFF, v7;
	v8 =	vor.u32 v8, v0;
	vm0 =	vmor vm2, vm10  }
0x79: {  	v7 =	vsel vm0, v8, v7;
	[tilespmem:v6+s13+$0x0] =	vst.idx.msk $0xffff, v60  }
0x7a: {  	s0 =	simm.s32 $0x1010;
	[tilespmem:v6+s14+$0x0] =	vst.idx.msk $0xffff, v7  }
0x7b: {  	v6 =	vld [tilespmem:s0+$0xFFFFFFF0];
	_ =	sdelay $0x1  }
0x7c: {  	v7 =	vsel vm1, $0x3F800000, v1  }
0x7d: {  	(xrf2) =	vadd.scan.msk.f32 $0xffff, v7;
	v7 =	vsel vm2, $0x3F800000, v1  }
0x7e: {  	(xrf2) =	vadd.scan.msk.f32 $0xffff, v7  }
0x7f: {  	(xrf2) =	vadd.scan.msk.f32 $0xffff, v6;
	_ =	sdelay $0x5  }
0x80: {  	s1 =	simm.s32 $0x0  }
0x81: {  	v8 =	vadd.s32 s1, v3;
	v7, _, _ =	vpop (xrf2)  }
0x82: {  	vm11 =	vgt.s32 v8, $0x0;
	v61, _, _ =	vpop (xrf2)  }
0x83: {  	v8 =	vnsel vm11, $0x0, v8;
	v10, _, _ =	vpop (xrf2)  }
0x84: {  	v11, _, _ =	vpop (xrf2)  }
0x85: {  	v11 =	vadd.f32 s26, v11  }
0x86: {  	s28 =	simm.s32 $0x2010  }
0x87: {  	[tilespmem:s28+$0xFFFFFFF0] =	vst v11  }
0x88: {  	v8 =	vld.idx.msk [tilespmem:v8+s13+$0x0], $0xffff;
	_ =	sdelay $0x2  }
0x89: {  	v12 =	vmov s1  }
0x8a: {  	vm12 =	veq.s32 v12, v2  }
0x8b: {  	v8 =	vsel vm12, $0x7F800000, v8  }
0x8c: {  	v6 =	vsub.f32 v8, v6;
	_ =	sdelay $0x1  }
0x8d: {  	vm13 =	vgt.f32 v6, $1.000000000e+00  }
0x8e: {  	v6 =	vsel vm13, $0x3F800000, v1  }
0x8f: {  	(xrf2) =	vadd.scan.msk.f32 $0xffff, v6;
	_ =	sdelay $0x9  }
0x90: {  	v8, _, _ =	vpop (xrf2)  }
0x91: {  	v6 =	vsub.f32 v8, v6;
	_ =	sdelay $0x1  }
0x92: {  	v6 =	vtrunc.f32 v6  }
0x93: {  	v6 =	vcvt.f32.s32 v6  }
0x94: {  	s3 =	simm.s32 $0x0  }
0x95: {  	v6 =	vadd.s32 s3, v6;
	_ =	sdelay $0x3  }
0x96: {  	v62 =	vor.u32 s1, v2  }
0x97: {  	[tilespmem:v6+s15+$0x0] =	vst.idx.msk vm13, v62  }
0x98: {  	v6 =	vld [tilespmem:s0+$0x0];
	_ =	sdelay $0x4  }
0x99: {  	(xrf2) =	vadd.scan.msk.f32 $0xffff, v6;
	_ =	sdelay $0x5  }
0x9a: {  	s1 =	simm.s32 $0x10  }
0x9b: {  	v63 =	vadd.s32 s1, v3  }
0x9c: {  	vm14 =	vgt.s32 v63, $0x0  }
0x9d: {  	v12 =	vnsel vm14, $0x0, v63;
	v11 =	vbroadcast v11, $0xF  }
0x9e: {  	v13, _, _ =	vpop (xrf2)  }
0x9f: {  	v11 =	vadd.f32 v13, v11;
	_ =	sdelay $0x1  }
0xa0: {  	[tilespmem:s28+$0x0] =	vst v11  }
0xa1: {  	v12 =	vld.idx.msk [tilespmem:v12+s13+$0x0], $0xffff;
	_ =	sdelay $0x2  }
0xa2: {  	(v2sf) =	vpush v7, $0xF  }
0xa3: {  	(v2sf) =	vpush v61, $0xF  }
0xa4: {  	(v2sf) =	vpush v10, $0xF;
	v6 =	vsub.f32 v12, v6  }
0xa5: {  	(v2sf) =	vpush v8, $0xF  }
0xa6: {  	vm15 =	vgt.f32 v6, $1.000000000e+00  }
0xa7: {  	v6 =	vsel vm15, $0x3F800000, v1  }
0xa8: {  	(xrf2) =	vadd.scan.msk.f32 $0xffff, v6;
	_ =	sdelay $0x6  }
0xa9: {  	s3 =	spop (v2sf)  }
0xaa: {  	s8 =	spop (v2sf)  }
0xab: {  	s23 =	spop (v2sf)  }
0xac: {  	s26 =	spop (v2sf);
	(v2sf) =	vpush v11, $0xF;
	v7, _, _ =	vpop (xrf2)  }
0xad: {  	s29 =	spop (v2sf);
	v6 =	vsub.f32 v7, v6;
	(v2sf) =	vpush v7, $0xF  }
0xae: {  	s0 =	spop (v2sf)  }
0xaf: {  	s0 =	scvt.f32.s32 s0;
	v6 =	vtrunc.f32 v6  }
0xb0: {  	v6 =	vcvt.f32.s32 v6  }
0xb1: {  	s0 =	sadd.s32 $0x0, s0  }
0xb2: {  	v6 =	vadd.s32 s0, v6;
	_ =	sdelay $0x3  }
0xb3: {  	s3 =	sadd.f32 s3, s30;
	v7 =	vor.u32 s1, v2  }
0xb4: {  	s30 =	simm.s32 $0x1030;
	[tilespmem:v6+s15+$0x0] =	vst.idx.msk vm15, v7  }
0xb5: {  	s3 =	sadd.f32 s8, s3;
	v6 =	vld [tilespmem:s30+$0xFFFFFFF0];
	_ =	sdelay $0x1  }
0xb6: {  	s8 =	sadd.f32 s23, s3  }
0xb7: {  	s1 =	spop (v2sf)  }
0xb8: {  	s3 =	sadd.f32 s26, s8;
	s23 =	spop (v2sf)  }
0xb9: {  	(xrf2) =	vadd.scan.msk.f32 $0xffff, v6;
	s8 =	scvt.f32.s32 s23  }
0xba: {  	s31 =	simm.s32 $0x2;
	s26 =	sadd.f32 s29, s3;
	s29 =	simm.s32 $0x30  }
.LBB2_5:
0xbb: {  	s31 =	sadd.s32 $0x2, s31;
	s0 =	sadd.s32 s8, s0;
	s28 =	sadd.s32 $0x20, s28  }
0xbc: {  	p0 =	slt.u32 s31, $0x7E;
	_ =	sdelay $0x2  }
0xbd: {  	s3 =	sadd.s32 $0xFFFFFFF0, s29  }
0xbe: {  	v7 =	vmov s3;
	v8 =	vadd.s32 s3, v3  }
0xbf: {  	vm0 =	vgt.s32 v8, $0x0  }
0xc0: {  	v8 =	vnsel vm0, $0x0, v8  }
0xc1: {  	v9, _, _ =	vpop (xrf2)  }
0xc2: {  	v9 =	vadd.f32 s1, v9;
	_ =	sdelay $0x1  }
0xc3: {  	[tilespmem:s28+$0xFFFFFFF0] =	vst v9  }
0xc4: {  	v8 =	vld.idx.msk [tilespmem:v8+s13+$0x0], $0xffff;
	_ =	sdelay $0x4  }
0xc5: {  	vm0 =	veq.s32 v7, v2  }
0xc6: {  	v7 =	vsel vm0, $0x7F800000, v8  }
0xc7: {  	v6 =	vsub.f32 v7, v6;
	_ =	sdelay $0x1  }
0xc8: {  	vm0 =	vgt.f32 v6, $1.000000000e+00  }
0xc9: {  	v6 =	vsel vm0, $0x3F800000, v1  }
0xca: {  	(xrf2) =	vadd.scan.msk.f32 $0xffff, v6;
	_ =	sdelay $0x9  }
0xcb: {  	v7, _, _ =	vpop (xrf2)  }
0xcc: {  	v6 =	vsub.f32 v7, v6;
	(v2sf) =	vpush v7, $0xF;
	_ =	sdelay $0x1  }
0xcd: {  	v6 =	vtrunc.f32 v6  }
0xce: {  	v6 =	vcvt.f32.s32 v6;
	_ =	sdelay $0x1  }
0xcf: {  	v6 =	vadd.s32 s0, v6;
	_ =	sdelay $0x3  }
0xd0: {  	v7 =	vor.u32 s3, v2  }
0xd1: {  	[tilespmem:v6+s15+$0x0] =	vst.idx.msk vm0, v7  }
0xd2: {  	v6 =	vld [tilespmem:s30+$0x0];
	_ =	sdelay $0x3  }
0xd3: {  	s1 =	spop (v2sf)  }
0xd4: {  	s3 =	scvt.f32.s32 s1;
	(xrf2) =	vadd.scan.msk.f32 $0xffff, v6;
	_ =	sdelay $0x6  }
0xd5: {  	v7 =	vadd.s32 s29, v3  }
0xd6: {  	vm0 =	vgt.s32 v7, $0x0  }
0xd7: {  	v8 =	vbroadcast v9, $0xF;
	v7 =	vnsel vm0, $0x0, v7  }
0xd8: {  	v9, _, _ =	vpop (xrf2)  }
0xd9: {  	v8 =	vadd.f32 v9, v8;
	_ =	sdelay $0x1  }
0xda: {  	[tilespmem:s28+$0x0] =	vst v8;
	(v2sf) =	vpush v8, $0xF  }
0xdb: {  	v7 =	vld.idx.msk [tilespmem:v7+s13+$0x0], $0xffff;
	_ =	sdelay $0x5  }
0xdc: {  	v6 =	vsub.f32 v7, v6;
	_ =	sdelay $0x1  }
0xdd: {  	vm0 =	vgt.f32 v6, $1.000000000e+00  }
0xde: {  	v6 =	vsel vm0, $0x3F800000, v1  }
0xdf: {  	(xrf2) =	vadd.scan.msk.f32 $0xffff, v6;
	_ =	sdelay $0x3  }
0xe0: {  	s1 =	spop (v2sf);
	_ =	sdelay $0x5  }
0xe1: {  	v7, _, _ =	vpop (xrf2)  }
0xe2: {  	v6 =	vsub.f32 v7, v6;
	(v2sf) =	vpush v7, $0xF;
	_ =	sdelay $0x1  }
0xe3: {  	v6 =	vtrunc.f32 v6  }
0xe4: {  	v6 =	vcvt.f32.s32 v6  }
0xe5: {  	s0 =	sadd.s32 s3, s0  }
0xe6: {  	v6 =	vadd.s32 s0, v6;
	_ =	sdelay $0x3  }
0xe7: {  	v7 =	vor.u32 s29, v2  }
0xe8: {  	s30 =	sadd.s32 $0x20, s30;
	[tilespmem:v6+s15+$0x0] =	vst.idx.msk vm0, v7  }
0xe9: {  	v6 =	vld [tilespmem:s30+$0xFFFFFFF0];
	_ =	sdelay $0x1  }
.Ltmp2:
0xea: {  	(pc) =	sbr.rel @p0 .LBB2_5-.Ltmp2, $4  }
0xeb: {  	_ = 	snop  }
0xec: {  	s3 =	spop (v2sf)  }
0xed: {  	(xrf2) =	vadd.scan.msk.f32 $0xffff, v6;
	s8 =	scvt.f32.s32 s3  }
0xee: {  	s29 =	sadd.s32 $0x20, s29  }
0xef: {  	_ =	sdelay $0x3  }
0xf0: {  	s3 =	sadd.s32 $0xFFFFFFF0, s29  }
0xf1: {  	v7 =	vadd.s32 s3, v3  }
0xf2: {  	vm0 =	vgt.s32 v7, $0x0  }
0xf3: {  	v7 =	vnsel vm0, $0x0, v7  }
0xf4: {  	v8, _, _ =	vpop (xrf2)  }
0xf5: {  	v8 =	vadd.f32 s1, v8  }
0xf6: {  	s23 =	sadd.s32 $0x20, s28  }
0xf7: {  	[tilespmem:s23+$0xFFFFFFF0] =	vst v8  }
0xf8: {  	v7 =	vld.idx.msk [tilespmem:v7+s13+$0x0], $0xffff;
	_ =	sdelay $0x2  }
0xf9: {  	v9 =	vmov s3  }
0xfa: {  	vm12 =	veq.s32 v9, v2  }
0xfb: {  	v7 =	vsel vm12, $0x7F800000, v7  }
0xfc: {  	v6 =	vsub.f32 v7, v6;
	_ =	sdelay $0x1  }
0xfd: {  	vm13 =	vgt.f32 v6, $1.000000000e+00  }
0xfe: {  	v6 =	vsel vm13, $0x3F800000, v1  }
0xff: {  	(xrf2) =	vadd.scan.msk.f32 $0xffff, v6;
	_ =	sdelay $0x9  }
0x100: {  	v7, _, _ =	vpop (xrf2)  }
0x101: {  	v6 =	vsub.f32 v7, v6;
	_ =	sdelay $0x1  }
0x102: {  	v6 =	vtrunc.f32 v6  }
0x103: {  	v6 =	vcvt.f32.s32 v6  }
0x104: {  	s0 =	sadd.s32 s8, s0  }
0x105: {  	v6 =	vadd.s32 s0, v6;
	_ =	sdelay $0x3  }
0x106: {  	v62 =	vor.u32 s3, v2  }
0x107: {  	[tilespmem:v6+s15+$0x0] =	vst.idx.msk vm13, v62  }
0x108: {  	v6 =	vld [tilespmem:s30+$0x0];
	_ =	sdelay $0x4  }
0x109: {  	(xrf2) =	vadd.scan.msk.f32 $0xffff, v6;
	_ =	sdelay $0x6  }
0x10a: {  	v63 =	vadd.s32 s29, v3  }
0x10b: {  	vm14 =	vgt.s32 v63, $0x0  }
0x10c: {  	v9 =	vnsel vm14, $0x0, v63;
	v8 =	vbroadcast v8, $0xF  }
0x10d: {  	v10, _, _ =	vpop (xrf2)  }
0x10e: {  	v8 =	vadd.f32 v10, v8;
	_ =	sdelay $0x1  }
0x10f: {  	[tilespmem:s23+$0x0] =	vst v8  }
0x110: {  	v9 =	vld.idx.msk [tilespmem:v9+s13+$0x0], $0xffff;
	_ =	sdelay $0x4  }
0x111: {  	v6 =	vsub.f32 v9, v6;
	_ =	sdelay $0x1  }
0x112: {  	vm15 =	vgt.f32 v6, $1.000000000e+00  }
0x113: {  	v6 =	vsel vm15, $0x3F800000, v1  }
0x114: {  	(xrf2) =	vadd.scan.msk.f32 $0xffff, v6;
	_ =	sdelay $0x8  }
0x115: {  	(v2sf) =	vpush v7, $0xF  }
0x116: {  	(v2sf) =	vpush v8, $0xF;
	v7, _, _ =	vpop (xrf2)  }
0x117: {  	(v2sf) =	vpush v7, $0xF;
	_ =	sdelay $0xc  }
0x118: {  	s30 =	spop (v2sf)  }
0x119: {  	s31 =	spop (v2sf);
	v6 =	vsub.f32 v7, v6  }
0x11a: {  	s1 =	scvt.f32.s32 s30;
	s3 =	spop (v2sf)  }
0x11b: {  	v6 =	vtrunc.f32 v6;
	s3 =	scvt.f32.s32 s3  }
0x11c: {  	s0 =	sadd.s32 s1, s0;
	v6 =	vcvt.f32.s32 v6  }
0x11d: {  	s28 =	sadd.s32 s3, s0  }
0x11e: {  	v7 =	vadd.s32 s0, v6;
	s0 =	sadd.s32 $0xF, s28  }
0x11f: {  	s0 =	sshra.s32 s0, $0x4  }
0x120: {  	v6 =	vmov s28;
	p0 =	sgt.s32 s0, $0x0  }
.Ltmp3:
0x121: {  	_ = 	snop;
	(pc) =	sbr.rel @!p0 .LBB2_15-.Ltmp3, $4  }
0x122: {  	_ = 	snop  }
0x123: {  	v8 =	vor.u32 s29, v2  }
0x124: {  	[tilespmem:v7+s15+$0x0] =	vst.idx.msk vm15, v8  }
0x125: {  	[tilespmem:v6+s15+$0x0] =	vst.idx.msk $0xffff, v4  }
0x126: {  	p2 =	seq.s32 s0, $0x1  }
.Ltmp4:
0x127: {  	_ = 	snop;
	(pc) =	sbr.rel @p2 .LBB2_8-.Ltmp4, $4  }
0x128: {  	_ = 	snop  }
0x129: {  	s1 =	simm.s32 $0x0  }
0x12a: {  	s30 =	simm.s32 $0x3020;
	s29 =	simm.s32 $0x3830;
	v9 =	vor.u32 s1, v2  }
0x12b: {  	s0 =	sadd.s32 $0xFFFFFFFF, s0;
	p0 =	por $0x0, $0x0;
	p1 =	por $0x0, $0x0;
	vm0 =	vlt.s32 v9, v6  }
0x12c: {  	v7 =	vnsel vm0, $0x0, v9  }
0x12d: {  	v8 =	vadd.s32 $0x1, v7;
	_ =	sdelay $0x3  }
0x12e: {  	v7 =	vld.idx.msk [tilespmem:v7+s15+$0x0], $0xffff  }
0x12f: {  	v8 =	vld.idx.msk [tilespmem:v8+s15+$0x0], $0xffff;
	_ =	sdelay $0x3  }
0x130: {  	v9 =	vadd.s32 $0xFFFFFFFF, v7  }
0x131: {  	vm1 =	vgt.s32 v9, $0x0;
	v10 =	vadd.s32 $0xFFFFFFFF, v8  }
0x132: {  	v9 =	vnsel vm1, $0x0, v9;
	vm1 =	vgt.s32 v10, $0x0  }
0x133: {  	v11 =	vcvt.s32.f32 v7;
	v12 =	vcvt.s32.f32 v8;
	v10 =	vnsel vm1, $0x0, v10;
	_ =	sdelay $0x1  }
0x134: {  	v13 =	vadd.f32 v12, v11;
	_ =	sdelay $0x1  }
0x135: {  	v11 =	vsub.f32 v12, v11;
	v63 =	vadd.f32 $-1.000000000e+00, v13;
	v9 =	vld.idx.msk [tilespmem:v9+s16+$0x0], $0xffff  }
0x136: {  	v10 =	vld.idx.msk [tilespmem:v10+s16+$0x0], $0xffff  }
0x137: {  	v8 =	vsub.s32 v8, v7;
	v12 =	vmul.f32 v63, v11  }
0x138: {  	p2 =	seq.s32 s0, $0x1;
	v8 =	vnsel vm0, $0x1, v8  }
.Ltmp5:
0x139: {  	vm1 =	veq.s32 v7, $0x0;
	v7 =	vmul.f32 $2.047000000e+03, v11;
	v12 =	vmul.f32 $-5.000000000e-01, v12;
	(pc) =	sbr.rel @p2 .LBB2_10-.Ltmp5, $4  }
0x13a: {  	v9 =	vsel vm1, $0x0, v9  }
0x13b: {  	s1 =	simm.s32 $0x10;
	v12 =	vadd.f32 v12, v7;
	v10 =	vsub.f32 v10, v9  }
0x13c: {  	v9 =	vor.u32 s1, v2  }
0x13d: {  	s0 =	sadd.s32 $0xFFFFFFFF, s0;
	p0 =	por $0x1, $0x1;
	v8 =	vld.idx.msk [tilespmem:v8+s9+$0x0], $0xffff;
	v7 =	vnsel vm0, $0x0, v11;
	vm0 =	vlt.s32 v9, v6;
	v10 =	vsub.f32 v10, v12  }
0x13e: {  	_ =	sdelay $0x2  }
0x13f: {  	v9 =	vnsel vm0, $0x0, v9  }
0x140: {  	v11 =	vadd.s32 $0x1, v9;
	v8 =	vmul.f32 v10, v8;
	_ =	sdelay $0x1  }
0x141: {  	[tilespmem:s30+$0x0] =	vst v8  }
0x142: {  	[tilespmem:s29+$0x0] =	vst v7  }
0x143: {  	v7 =	vld.idx.msk [tilespmem:v9+s15+$0x0], $0xffff  }
0x144: {  	v8 =	vld.idx.msk [tilespmem:v11+s15+$0x0], $0xffff;
	_ =	sdelay $0x3  }
0x145: {  	v9 =	vadd.s32 $0xFFFFFFFF, v7  }
0x146: {  	v10 =	vadd.s32 $0xFFFFFFFF, v8;
	vm1 =	vgt.s32 v9, $0x0  }
0x147: {  	v9 =	vnsel vm1, $0x0, v9;
	vm1 =	vgt.s32 v10, $0x0  }
0x148: {  	v11 =	vcvt.s32.f32 v7;
	v12 =	vcvt.s32.f32 v8;
	v10 =	vnsel vm1, $0x0, v10;
	_ =	sdelay $0x1  }
0x149: {  	v13 =	vadd.f32 v12, v11  }
0x14a: {  	v8 =	vsub.s32 v8, v7  }
0x14b: {  	v8 =	vnsel vm0, $0x1, v8;
	v11 =	vsub.f32 v12, v11;
	v63 =	vadd.f32 $-1.000000000e+00, v13;
	v9 =	vld.idx.msk [tilespmem:v9+s16+$0x0], $0xffff  }
0x14c: {  	v10 =	vld.idx.msk [tilespmem:v10+s16+$0x0], $0xffff  }
0x14d: {  	v12 =	vmul.f32 v63, v11  }
0x14e: {  	p2 =	seq.s32 s0, $0x1  }
.Ltmp6:
0x14f: {  	vm1 =	veq.s32 v7, $0x0;
	v7 =	vmul.f32 $2.047000000e+03, v11;
	v12 =	vmul.f32 $-5.000000000e-01, v12;
	(pc) =	sbr.rel @p2 .LBB2_12-.Ltmp6, $4  }
0x150: {  	v8 =	vld.idx.msk [tilespmem:v8+s9+$0x0], $0xffff;
	v9 =	vsel vm1, $0x0, v9  }
0x151: {  	s1 =	simm.s32 $0x20;
	v12 =	vadd.f32 v12, v7;
	v10 =	vsub.f32 v10, v9  }
0x152: {  	s8 =	sadd.s32 $0xFFFFFFFF, s0;
	v9 =	vor.u32 s1, v2  }
0x153: {  	p1 =	por $0x1, $0x1;
	s0 =	simm.s32 $0x3020;
	s31 =	simm.s32 $0x3830;
	v7 =	vnsel vm0, $0x0, v11;
	vm0 =	vlt.s32 v9, v6;
	v10 =	vsub.f32 v10, v12  }
.LBB2_13:
0x154: {  	p2 =	seq.s32 s8, $0x1;
	v9 =	vnsel vm0, $0x0, v9  }
0x155: {  	v11 =	vadd.s32 $0x1, v9;
	v8 =	vmul.f32 v10, v8  }
0x156: {  	s0 =	sadd.s32 $0x10, s0  }
0x157: {  	s31 =	sadd.s32 $0x10, s31;
	[tilespmem:s0+$0x0] =	vst v8  }
0x158: {  	[tilespmem:s31+$0x0] =	vst v7  }
0x159: {  	v8 =	vld.idx.msk [tilespmem:v9+s15+$0x0], $0xffff  }
0x15a: {  	v7 =	vld.idx.msk [tilespmem:v11+s15+$0x0], $0xffff;
	_ =	sdelay $0x4  }
0x15b: {  	v9 =	vadd.s32 $0xFFFFFFFF, v8  }
0x15c: {  	vm1 =	vgt.s32 v9, $0x0;
	v10 =	vadd.s32 $0xFFFFFFFF, v7  }
0x15d: {  	v9 =	vnsel vm1, $0x0, v9;
	vm1 =	vgt.s32 v10, $0x0  }
0x15e: {  	v10 =	vnsel vm1, $0x0, v10  }
0x15f: {  	v11 =	vcvt.s32.f32 v8;
	v12 =	vcvt.s32.f32 v7;
	_ =	sdelay $0x1  }
0x160: {  	v7 =	vsub.s32 v7, v8;
	v13 =	vadd.f32 v12, v11  }
0x161: {  	v14 =	vnsel vm0, $0x1, v7;
	v9 =	vld.idx.msk [tilespmem:v9+s16+$0x0], $0xffff  }
0x162: {  	v11 =	vsub.f32 v12, v11;
	v7 =	vadd.f32 $-1.000000000e+00, v13;
	v10 =	vld.idx.msk [tilespmem:v10+s16+$0x0], $0xffff;
	_ =	sdelay $0x1  }
0x163: {  	v12 =	vmul.f32 v7, v11;
	v7 =	vnsel vm0, $0x0, v11;
	_ =	sdelay $0x1  }
.Ltmp7:
0x164: {  	vm0 =	veq.s32 v8, $0x0;
	v11 =	vmul.f32 $2.047000000e+03, v11;
	v12 =	vmul.f32 $-5.000000000e-01, v12;
	v8 =	vld.idx.msk [tilespmem:v14+s9+$0x0], $0xffff;
	(pc) =	sbr.rel @!p2 .LBB2_13-.Ltmp7, $4  }
0x165: {  	v9 =	vsel vm0, $0x0, v9  }
0x166: {  	s1 =	sadd.s32 $0x10, s1;
	v11 =	vadd.f32 v12, v11;
	v10 =	vsub.f32 v10, v9  }
0x167: {  	v9 =	vor.u32 s1, v2  }
0x168: {  	s8 =	sadd.s32 $0xFFFFFFFF, s8;
	vm0 =	vlt.s32 v9, v6;
	v10 =	vsub.f32 v10, v11  }
.LBB2_14:
0x169: {  	v6 =	vnsel vm0, $0x0, v9  }
0x16a: {  	s0 =	sadd.s32 @p1 $0x10, s0;
	s1 =	simm.s32 $0x3020;
	v9 =	vadd.s32 $0x1, v6;
	v8 =	vmul.f32 @p0 v10, v8  }
0x16b: {  	s3 =	simm.s32 $0x3830;
	s1 =	smov.u32 @p1 s0;
	s0 =	sadd.s32 @p1 $0x10, s31  }
0x16c: {  	s3 =	smov.u32 @p1 s0;
	[tilespmem:s1+$0x0] =	vst @p0 v8  }
0x16d: {  	[tilespmem:s3+$0x0] =	vst @p0 v7  }
0x16e: {  	v6 =	vld.idx.msk [tilespmem:v6+s15+$0x0], $0xffff  }
0x16f: {  	v7 =	vld.idx.msk [tilespmem:v9+s15+$0x0], $0xffff;
	_ =	sdelay $0x3  }
0x170: {  	v61 =	vadd.s32 $0xFFFFFFFF, v6  }
0x171: {  	vm1 =	vgt.s32 v61, $0x0;
	v9 =	vadd.s32 $0xFFFFFFFF, v7  }
0x172: {  	v8 =	vnsel vm1, $0x0, v61;
	vm14 =	vgt.s32 v9, $0x0  }
0x173: {  	v62 =	vcvt.s32.f32 v6;
	v11 =	vcvt.s32.f32 v7;
	v9 =	vnsel vm14, $0x0, v9;
	_ =	sdelay $0x1  }
0x174: {  	v12 =	vadd.f32 v11, v62  }
0x175: {  	v7 =	vsub.s32 v7, v6  }
0x176: {  	v7 =	vnsel vm0, $0x1, v7;
	v10 =	vsub.f32 v11, v62;
	v63 =	vadd.f32 $-1.000000000e+00, v12;
	v8 =	vld.idx.msk [tilespmem:v8+s16+$0x0], $0xffff  }
0x177: {  	v9 =	vld.idx.msk [tilespmem:v9+s16+$0x0], $0xffff  }
0x178: {  	v11 =	vmul.f32 v63, v10;
	_ =	sdelay $0x1  }
0x179: {  	vm15 =	veq.s32 v6, $0x0;
	v6 =	vmul.f32 $2.047000000e+03, v10;
	v11 =	vmul.f32 $-5.000000000e-01, v11  }
0x17a: {  	v7 =	vld.idx.msk [tilespmem:v7+s9+$0x0], $0xffff;
	v8 =	vsel vm15, $0x0, v8  }
0x17b: {  	v6 =	vadd.f32 v11, v6;
	v8 =	vsub.f32 v9, v8;
	_ =	sdelay $0x1  }
0x17c: {  	v6 =	vsub.f32 v8, v6;
	_ =	sdelay $0x1  }
0x17d: {  	s0 =	sadd.s32 @p0 $0x10, s1;
	v6 =	vmul.f32 v6, v7  }
0x17e: {  	s30 =	smov.u32 @p0 s0;
	s0 =	sadd.s32 @p0 $0x10, s3  }
0x17f: {  	s29 =	smov.u32 @p0 s0;
	v7 =	vnsel vm0, $0x0, v10;
	[tilespmem:s30+$0x0] =	vst v6  }
0x180: {  	[tilespmem:s29+$0x0] =	vst v7  }
.LBB2_15:
0x181: {  	p0 =	sgt.s32 s28, $0x0  }
.Ltmp8:
0x182: {  	_ = 	snop;
	(pc) =	sbr.rel @p0 .LBB2_16-.Ltmp8, $3  }
0x183: {  	_ =	sdelay $0x1  }
0x184: {  	s0 =	simm.s32 $0x0  }
0x185: {  	s29 =	simm.s32 $0x1;
	s8 =	simm.f32 $+Inf;
	s1 =	simm.f32 $1.000000000e+00  }
.LBB2_19:
0x186: {  	s0 =	sadd.s32 $0xFFFFFFFF, s29  }
0x187: {  	v6 =	vmov s0;
	_ =	sdelay $0x3  }
0x188: {  	v7 =	vmov s8  }
0x189: {  	[tilespmem:v6+s19+$0x0] =	vst.idx.msk $0xffff, v7;
	v7 =	vmov s1  }
0x18a: {  	s0 =	simm.s32 $0x50A0;
	[tilespmem:v6+s20+$0x0] =	vst.idx.msk $0xffff, v7  }
0x18b: {  	[tilespmem:s0+$0xFFFFFFC0] =	vst v5  }
0x18c: {  	[tilespmem:s0+$0x30] =	vst v5  }
0x18d: {  	[tilespmem:s0+$0x20] =	vst v5  }
0x18e: {  	[tilespmem:s0+$0x10] =	vst v5  }
0x18f: {  	[tilespmem:s0+$0x0] =	vst v5  }
0x190: {  	[tilespmem:s0+$0xFFFFFFF0] =	vst v5  }
0x191: {  	s1 =	simm.s32 $0x0;
	[tilespmem:s0+$0xFFFFFFE0] =	vst v5  }
.LBB2_20:
0x192: {  	s1 =	sadd.s32 $0x8, s1;
	[tilespmem:s0+$0xFFFFFFD0] =	vst v5;
	s0 =	sadd.s32 $0x80, s0  }
0x193: {  	[tilespmem:s0+$0xFFFFFFC0] =	vst v5;
	p0 =	slt.u32 s1, $0x78  }
0x194: {  	[tilespmem:s0+$0x30] =	vst v5  }
.Ltmp9:
0x195: {  	[tilespmem:s0+$0x20] =	vst v5;
	(pc) =	sbr.rel @p0 .LBB2_20-.Ltmp9, $4  }
0x196: {  	[tilespmem:s0+$0x10] =	vst v5  }
0x197: {  	[tilespmem:s0+$0x0] =	vst v5  }
0x198: {  	[tilespmem:s0+$0xFFFFFFF0] =	vst v5  }
0x199: {  	[tilespmem:s0+$0xFFFFFFE0] =	vst v5  }
0x19a: {  	s1 =	sadd.s32 $0xF, s29  }
0x19b: {  	s1 =	sshra.s32 s1, $0x4  }
0x19c: {  	p0 =	slt.s32 s1, $0x1  }
.Ltmp10:
0x19d: {  	_ = 	snop;
	(pc) =	sbr.rel @p0 .LBB2_28-.Ltmp10, $2  }
0x19e: {  	_ =	sdelay $0x2  }
0x19f: {  	[tilespmem:s0+$0xFFFFFFD0] =	vst v5  }
0x1a0: {  	p1 =	sne.s32 s1, $0x1  }
.Ltmp11:
0x1a1: {  	_ = 	snop;
	(pc) =	sbr.rel @!p1 .LBB2_23-.Ltmp11, $3  }
0x1a2: {  	_ =	sdelay $0x1  }
0x1a3: {  	s28 =	simm.f32 $0.0e+00;
	s3 =	simm.s32 $0x4850;
	s0 =	simm.s32 $0x4040  }
0x1a4: {  	v6 =	vmov s29;
	s29 =	simm.s32 $0x0;
	s1 =	sadd.s32 $0xFFFFFFFF, s1;
	p0 =	por $0x0, $0x0;
	v7 =	vld [tilespmem:s3+$0x0]  }
0x1a5: {  	_ = 	snop  }
0x1a6: {  	v8 =	vor.u32 s29, v2  }
0x1a7: {  	vm0 =	vgt.s32 v8, $0x0;
	vm1 =	vlt.s32 v8, v6  }
0x1a8: {  	vm0 =	vmand vm0, vm1  }
0x1a9: {  	v7 =	vnsel vm0, $0x0, v7  }
0x1aa: {  	(xrf2) =	vadd.scan.msk.f32 $0xffff, v7;
	_ =	sdelay $0x9  }
0x1ab: {  	v8, _, _ =	vpop (xrf2)  }
0x1ac: {  	v9 =	vadd.f32 s28, v8;
	(v2sf) =	vpush v8, $0xF;
	_ =	sdelay $0x1  }
0x1ad: {  	v7 =	vsub.f32 v9, v7;
	_ =	sdelay $0x1  }
0x1ae: {  	v7 =	vtrunc.f32 v7  }
0x1af: {  	v7 =	vcvt.f32.s32 v7  }
0x1b0: {  	v63 =	vld [tilespmem:s0+$0x0]  }
0x1b1: {  	p1 =	sne.s32 s1, $0x1  }
.Ltmp12:
0x1b2: {  	_ = 	snop;
	(pc) =	sbr.rel @!p1 .LBB2_25-.Ltmp12, $3  }
0x1b3: {  	_ =	sdelay $0x1  }
0x1b4: {  	s31 =	simm.s32 $0x4860;
	s23 =	sadd.s32 $0xFFFFFFFF, s1;
	p0 =	por $0x1, $0x1;
	[tilespmem:v7+s21+$0x0] =	vst.idx.msk vm0, v63  }
0x1b5: {  	s30 =	simm.s32 $0x0;
	s8 =	simm.f32 $0.0e+00;
	s1 =	simm.s32 $0x4040;
	v7 =	vld [tilespmem:s31+$0x0]  }
.LBB2_26:
0x1b6: {  	p1 =	sne.s32 s23, $0x1;
	s30 =	sadd.s32 $0x10, s30  }
0x1b7: {  	v8 =	vor.u32 s30, v2  }
0x1b8: {  	vm0 =	vgt.s32 v8, $0x0;
	vm1 =	vlt.s32 v8, v6;
	s3 =	spop (v2sf)  }
0x1b9: {  	vm0 =	vmand vm0, vm1;
	s8 =	sadd.f32 s3, s8  }
0x1ba: {  	v7 =	vnsel vm0, $0x0, v7  }
0x1bb: {  	(xrf2) =	vadd.scan.msk.f32 $0xffff, v7;
	_ =	sdelay $0x9  }
0x1bc: {  	v8, _, _ =	vpop (xrf2)  }
0x1bd: {  	v9 =	vadd.f32 s8, v8;
	(v2sf) =	vpush v8, $0xF;
	_ =	sdelay $0x1  }
0x1be: {  	v7 =	vsub.f32 v9, v7;
	_ =	sdelay $0x1  }
0x1bf: {  	v7 =	vtrunc.f32 v7  }
0x1c0: {  	s1 =	sadd.s32 $0x10, s1;
	v7 =	vcvt.f32.s32 v7  }
0x1c1: {  	v8 =	vld [tilespmem:s1+$0x0];
	_ =	sdelay $0x1  }
.Ltmp13:
0x1c2: {  	(pc) =	sbr.rel @p1 .LBB2_26-.Ltmp13, $3  }
0x1c3: {  	_ =	sdelay $0x1  }
0x1c4: {  	s31 =	sadd.s32 $0x10, s31;
	[tilespmem:v7+s21+$0x0] =	vst.idx.msk vm0, v8  }
0x1c5: {  	s23 =	sadd.s32 $0xFFFFFFFF, s23;
	v7 =	vld [tilespmem:s31+$0x0]  }
.LBB2_27:
0x1c6: {  	s3 =	sadd.s32 @p0 $0x10, s30  }
0x1c7: {  	s29 =	smov.u32 @p0 s3  }
0x1c8: {  	v8 =	vor.u32 s29, v2  }
0x1c9: {  	vm0 =	vgt.s32 v8, $0x0;
	vm1 =	vlt.s32 v8, v6  }
0x1ca: {  	vm0 =	vmand vm0, vm1  }
0x1cb: {  	v6 =	vnsel vm0, $0x0, v7  }
0x1cc: {  	(xrf2) =	vadd.scan.msk.f32 $0xffff, v6;
	_ =	sdelay $0x9  }
0x1cd: {  	v7, _, _ =	vpop (xrf2)  }
0x1ce: {  	s3 =	spop @p0 (v2sf);
	(v2sf) =	vpush v7, $0xF  }
0x1cf: {  	s3 =	sadd.f32 @p0 s3, s8;
	_ =	sdelay $0x1  }
0x1d0: {  	s28 =	smov.u32 @p0 s3  }
0x1d1: {  	v7 =	vadd.f32 s28, v7;
	_ =	sdelay $0x1  }
0x1d2: {  	v6 =	vsub.f32 v7, v6;
	_ =	sdelay $0x1  }
0x1d3: {  	s1 =	sadd.s32 @p0 $0x10, s1;
	v6 =	vtrunc.f32 v6  }
0x1d4: {  	s0 =	smov.u32 @p0 s1;
	v6 =	vcvt.f32.s32 v6  }
0x1d5: {  	v7 =	vld [tilespmem:s0+$0x0];
	_ =	sdelay $0x4  }
0x1d6: {  	[tilespmem:v6+s21+$0x0] =	vst.idx.msk vm0, v7;
	s31 =	spop (v2sf)  }
.LBB2_28:
0x1d7: {  	s29 =	simm.s32 $0x5070  }
0x1d8: {  	v6 =	vld [tilespmem:s29+$0xFFFFFFF0];
	_ =	sdelay $0x2  }
0x1d9: {  	v7 =	vld [tilespmem:s29+$0x0];
	_ =	sdelay $0x1  }
0x1da: {  	v6 =	vsub.f32 $0.0e+00, v6;
	_ =	sdelay $0x1  }
0x1db: {  	(xrf0) =	vmax.scan.msk.f32 $0xffff, v6  }
0x1dc: {  	v6 =	vsub.f32 $0.0e+00, v7;
	_ =	sdelay $0x1  }
0x1dd: {  	(xrf0) =	vmax.scan.msk.f32 $0xffff, v6;
	_ =	sdelay $0x2  }
0x1de: {  	s0 =	simm.f32 $-Inf;
	v6, _, _ =	vpop (xrf0)  }
0x1df: {  	v6 =	vmax.f32 v6, s0  }
0x1e0: {  	v7 =	vbroadcast v6, $0xF  }
0x1e1: {  	v6 =	vsub.f32 $0.0e+00, v6;
	v8, _, _ =	vpop (xrf0)  }
0x1e2: {  	v7 =	vmax.f32 v8, v7  }
0x1e3: {  	s30 =	simm.s32 $0xFFFFFFFE;
	[tilespmem:s29+$0xFFFFFFF0] =	vst v6;
	v6 =	vsub.f32 $0.0e+00, v7;
	(v2sf) =	vpush v7, $0xF  }
0x1e4: {  	s1 =	simm.s32 $0x5090;
	s8 =	simm.s32 $0x5070;
	s0 =	simm.s32 $0x0  }
.LBB2_29:
0x1e5: {  	v7 =	vld [tilespmem:s1+$0xFFFFFFF0];
	s0 =	sadd.s32 $0x2, s0;
	[tilespmem:s8+$0x0] =	vst v6;
	s31 =	simm.s32 $0x1810  }
0x1e6: {  	s8 =	smov.u32 s1;
	p0 =	slt.u32 s0, $0x7E;
	_ =	sdelay $0x1  }
0x1e7: {  	v6 =	vld [tilespmem:s1+$0x0];
	_ =	sdelay $0x1  }
0x1e8: {  	v7 =	vsub.f32 $0.0e+00, v7;
	_ =	sdelay $0x1  }
0x1e9: {  	(xrf0) =	vmax.scan.msk.f32 $0xffff, v7  }
0x1ea: {  	v6 =	vsub.f32 $0.0e+00, v6;
	_ =	sdelay $0x1  }
0x1eb: {  	(xrf0) =	vmax.scan.msk.f32 $0xffff, v6;
	_ =	sdelay $0x2  }
0x1ec: {  	v6, _, _ =	vpop (xrf0);
	s3 =	spop (v2sf)  }
0x1ed: {  	v6 =	vmax.f32 v6, s3  }
.Ltmp14:
0x1ee: {  	v7 =	vsub.f32 $0.0e+00, v6;
	v6 =	vbroadcast v6, $0xF;
	(pc) =	sbr.rel @p0 .LBB2_29-.Ltmp14, $4  }
0x1ef: {  	v8, _, _ =	vpop (xrf0)  }
0x1f0: {  	[tilespmem:s1+$0xFFFFFFF0] =	vst v7;
	v7 =	vmax.f32 v8, v6  }
0x1f1: {  	v6 =	vsub.f32 $0.0e+00, v7;
	(v2sf) =	vpush v7, $0xF  }
0x1f2: {  	s1 =	sadd.s32 $0x20, s1  }
0x1f3: {  	_ =	sdelay $0xc  }
0x1f4: {  	s28 =	simm.f32 $0.0e+00;
	s0 =	spop (v2sf)  }
0x1f5: {  	[tilespmem:s8+$0x0] =	vst v6;
	s1 =	simm.f32 $0.0e+00;
	s8 =	simm.f32 $0.0e+00;
	s0 =	simm.f32 $0.0e+00  }
.LBB2_31:
0x1f6: {  	v6 =	vld [tilespmem:s31+$0xFFFFFFF0];
	_ =	sdelay $0x4  }
0x1f7: {  	vm0 =	vgt.f32 v6, $0.0e+00  }
0x1f8: {  	vm11 =	veq.f32 v6, $0.0e+00;
	v7 =	vsel vm0, $0x3F800000, v1  }
0x1f9: {  	vm12 =	vlt.f32 v6, $0.0e+00;
	v8 =	vsel vm11, $0x3F800000, v1;
	(xrf2) =	vadd.scan.msk.f32 $0xffff, v7  }
0x1fa: {  	v6 =	vsel vm12, $0x3F800000, v1;
	(xrf2) =	vadd.scan.msk.f32 $0xffff, v8  }
0x1fb: {  	(xrf2) =	vadd.scan.msk.f32 $0xffff, v6;
	_ =	sdelay $0x7  }
0x1fc: {  	v9, _, _ =	vpop (xrf2)  }
0x1fd: {  	v10, _, _ =	vpop (xrf2)  }
0x1fe: {  	v12 =	vsub.f32 v9, v7;
	v11, _, _ =	vpop (xrf2)  }
0x1ff: {  	s3 =	sadd.f32 s1, s26;
	v13 =	vsub.f32 v10, v8;
	v14 =	vsub.f32 v11, v6  }
0x200: {  	v12 =	vadd.f32 s8, v12  }
0x201: {  	v13 =	vadd.f32 s3, v13;
	v14 =	vadd.f32 s0, v14;
	_ =	sdelay $0x1  }
0x202: {  	v12 =	vmul.f32 v7, v12;
	v8 =	vmul.f32 v8, v13;
	v14 =	vsub.f32 $2.047000000e+03, v14;
	_ =	sdelay $0x1  }
0x203: {  	v8 =	vadd.f32 v8, v12;
	v51 =	vmul.f32 v6, v14;
	_ =	sdelay $0x1  }
0x204: {  	v8 =	vadd.f32 v51, v8  }
0x205: {  	v52 =	vld [tilespmem:s29+$0xFFFFFFF0]  }
0x206: {  	v8 =	vtrunc.f32 v8  }
0x207: {  	v8 =	vcvt.f32.s32 v8;
	_ =	sdelay $0x1  }
0x208: {  	v6 =	vsub.f32 v7, v6  }
0x209: {  	v7 =	vmax.f32 v52, $0.0e+00  }
0x20a: {  	v6 =	vmul.f32 v6, v7;
	_ =	sdelay $0x1  }
0x20b: {  	[tilespmem:v8+s22+$0x0] =	vst.idx.msk $0xffff, v6  }
0x20c: {  	v6 =	vld [tilespmem:s31+$0x0]  }
0x20d: {  	(v2sf) =	vpush v9, $0xF  }
0x20e: {  	(v2sf) =	vpush v10, $0xF  }
0x20f: {  	(v2sf) =	vpush v11, $0xF;
	_ =	sdelay $0x1  }
0x210: {  	vm13 =	vgt.f32 v6, $0.0e+00  }
0x211: {  	vm14 =	veq.f32 v6, $0.0e+00;
	v7 =	vsel vm13, $0x3F800000, v1  }
0x212: {  	vm15 =	vlt.f32 v6, $0.0e+00;
	v53 =	vsel vm14, $0x3F800000, v1;
	(xrf2) =	vadd.scan.msk.f32 $0xffff, v7  }
0x213: {  	v6 =	vsel vm15, $0x3F800000, v1;
	(xrf2) =	vadd.scan.msk.f32 $0xffff, v53  }
0x214: {  	(xrf2) =	vadd.scan.msk.f32 $0xffff, v6;
	_ =	sdelay $0x6  }
0x215: {  	s23 =	spop (v2sf)  }
0x216: {  	s3 =	sadd.f32 s23, s8;
	s23 =	spop (v2sf);
	v54, _, _ =	vpop (xrf2)  }
0x217: {  	s1 =	sadd.f32 s23, s1;
	s23 =	spop (v2sf);
	v55, _, _ =	vpop (xrf2);
	v56 =	vsub.f32 v54, v7  }
0x218: {  	s0 =	sadd.f32 s23, s0;
	(v2sf) =	vpush v54, $0xF;
	v57, _, _ =	vpop (xrf2);
	v58 =	vsub.f32 v55, v53  }
0x219: {  	s23 =	sadd.f32 s1, s26;
	(v2sf) =	vpush v55, $0xF;
	v59 =	vsub.f32 v57, v6  }
0x21a: {  	(v2sf) =	vpush v57, $0xF;
	v60 =	vadd.f32 s3, v56  }
0x21b: {  	v61 =	vadd.f32 s23, v58;
	v10 =	vadd.f32 s0, v59;
	_ =	sdelay $0x1  }
0x21c: {  	v9 =	vmul.f32 v7, v60;
	v8 =	vmul.f32 v53, v61;
	v10 =	vsub.f32 $2.047000000e+03, v10;
	_ =	sdelay $0x1  }
0x21d: {  	v8 =	vadd.f32 v8, v9;
	v62 =	vmul.f32 v6, v10;
	_ =	sdelay $0x1  }
0x21e: {  	v8 =	vadd.f32 v8, v62  }
0x21f: {  	v63 =	vld [tilespmem:s29+$0x0]  }
0x220: {  	v8 =	vtrunc.f32 v8  }
0x221: {  	s30 =	sadd.s32 $0x2, s30;
	v8 =	vcvt.f32.s32 v8  }
0x222: {  	p0 =	slt.u32 s30, $0x7E  }
.Ltmp15:
0x223: {  	v6 =	vsub.f32 v7, v6;
	(pc) =	sbr.rel @p0 .LBB2_31-.Ltmp15, $4  }
0x224: {  	v7 =	vmax.f32 v63, $0.0e+00;
	s8 =	spop (v2sf)  }
0x225: {  	s29 =	sadd.s32 $0x20, s29;
	v6 =	vmul.f32 v6, v7;
	s23 =	spop (v2sf);
	s8 =	sadd.f32 s8, s3  }
0x226: {  	s31 =	sadd.s32 $0x20, s31;
	s1 =	sadd.f32 s23, s1;
	s23 =	spop (v2sf)  }
0x227: {  	s3 =	simm.s32 $0x5870;
	s0 =	sadd.f32 s23, s0;
	s23 =	simm.s32 $0x10;
	[tilespmem:v8+s22+$0x0] =	vst.idx.msk $0xffff, v6  }
0x228: {  	v10 =	vld [tilespmem:s3+$0x0]  }
0x229: {  	v12 =	vld [tilespmem:s3+$0xFFFFFFF0];
	_ =	sdelay $0x3  }
0x22a: {  	(xrf2) =	vadd.scan.msk.f32 $0xffff, v10  }
0x22b: {  	(xrf2) =	vadd.scan.msk.f32 $0xffff, v12;
	_ =	sdelay $0x7  }
0x22c: {  	s0 =	simm.s32 $0x0;
	v8 =	vadd.s32 $0x1, v2  }
0x22d: {  	s31 =	simm.s32 $0x5890;
	v6 =	vor.u32 s0, v8;
	v7, _, _ =	vpop (xrf2)  }
0x22e: {  	v11 =	vcvt.s32.f32 v6;
	v6 =	vld [tilespmem:s31+$0x0];
	v9, _, _ =	vpop (xrf2)  }
0x22f: {  	v14 =	vadd.f32 s28, v9;
	v9 =	vld [tilespmem:s31+$0xFFFFFFF0];
	_ =	sdelay $0x1  }
0x230: {  	v11 =	vmul.f32 v11, v12  }
0x231: {  	v13 =	vadd.s32 s23, v8  }
0x232: {  	v13 =	vcvt.s32.f32 v13;
	v11 =	vadd.f32 $1.000000000e+00, v11;
	(xrf2) =	vadd.scan.msk.f32 $0xffff, v6  }
0x233: {  	(xrf2) =	vadd.scan.msk.f32 $0xffff, v9  }
0x234: {  	v13 =	vmul.f32 v13, v10;
	v15 =	vbroadcast v14, $0xF;
	vm0 =	vgt.f32 v11, v14  }
0x235: {  	v11 =	vsel vm0, $0x3F800000, v1  }
0x236: {  	v15 =	vadd.f32 v15, v7;
	v7 =	vadd.f32 $1.000000000e+00, v13;
	(xrf2) =	vadd.scan.msk.f32 $0xffff, v11;
	_ =	sdelay $0x1  }
0x237: {  	vm1 =	vgt.f32 v7, v15;
	(v2sf) =	vpush v15, $0xF  }
0x238: {  	v7 =	vsel vm1, $0x3F800000, v1  }
0x239: {  	(xrf2) =	vadd.scan.msk.f32 $0xffff, v7;
	_ =	sdelay $0x1  }
0x23a: {  	v13 =	vnsel vm0, $0x0, v12;
	v11, _, _ =	vpop (xrf2)  }
0x23b: {  	v12, _, _ =	vpop (xrf2);
	(xrf2) =	vadd.scan.msk.f32 $0xffff, v13;
	_ =	sdelay $0x1  }
0x23c: {  	v10 =	vnsel vm1, $0x0, v10  }
0x23d: {  	s0 =	simm.s32 $0x58B0;
	v13, _, _ =	vpop (xrf2);
	(xrf2) =	vadd.scan.msk.f32 $0xffff, v10  }
0x23e: {  	s1 =	simm.s32 $0x20;
	v7 =	vld [tilespmem:s0+$0x0];
	(v2sf) =	vpush v13, $0xF  }
0x23f: {  	v14 =	vor.u32 s1, v8  }
0x240: {  	v14 =	vcvt.s32.f32 v14  }
0x241: {  	v10 =	vld [tilespmem:s0+$0xFFFFFFF0];
	v15, _, _ =	vpop (xrf2)  }
0x242: {  	v13 =	vmul.f32 v14, v9;
	(v2sf) =	vpush v15, $0xF  }
0x243: {  	s30 =	simm.s32 $0x4;
	s29 =	simm.s32 $0x30;
	s26 =	simm.f32 $0.0e+00;
	(xrf2) =	vadd.scan.msk.f32 $0xffff, v7  }
.LBB2_33:
0x244: {  	s30 =	sadd.s32 $0x2, s30;
	v13 =	vadd.f32 $1.000000000e+00, v13;
	v14 =	vadd.s32 s29, v8;
	v15, _, _ =	vpop (xrf2);
	s1 =	spop (v2sf)  }
0x245: {  	p0 =	slt.u32 s30, $0x7E;
	v12 =	vadd.f32 s1, v12;
	v16 =	vcvt.s32.f32 v14;
	(v2sf) =	vpush v15, $0xF  }
0x246: {  	(xrf2) =	vadd.scan.msk.f32 $0xffff, v10  }
0x247: {  	vm0 =	vgt.f32 v13, v12;
	v12 =	vbroadcast v12, $0xF;
	v13 =	vmul.f32 v16, v6;
	v14, _, _ =	vpop (xrf2)  }
0x248: {  	v15 =	vsel vm0, $0x3F800000, v1;
	v16 =	vnsel vm0, $0x0, v9;
	(v2sf) =	vpush v14, $0xF;
	v9 =	vmovc v10  }
0x249: {  	v10 =	vadd.f32 v12, v11;
	v11 =	vadd.f32 $1.000000000e+00, v13;
	(xrf2) =	vadd.scan.msk.f32 $0xffff, v15;
	_ =	sdelay $0x1  }
0x24a: {  	vm0 =	vgt.f32 v11, v10;
	(v2sf) =	vpush v10, $0xF  }
0x24b: {  	v10 =	vsel vm0, $0x3F800000, v1;
	v13 =	vnsel vm0, $0x0, v6;
	v6 =	vmov v7  }
0x24c: {  	v11, _, _ =	vpop (xrf2);
	(xrf2) =	vadd.scan.msk.f32 $0xffff, v10;
	s1 =	spop (v2sf)  }
0x24d: {  	s1 =	sadd.f32 s1, s28;
	_ =	sdelay $0x1  }
0x24e: {  	v12, _, _ =	vpop (xrf2);
	(xrf2) =	vadd.scan.msk.f32 $0xffff, v16  }
0x24f: {  	s3 =	spop (v2sf)  }
0x250: {  	s28 =	sadd.f32 s3, s1  }
0x251: {  	s0 =	sadd.s32 $0x20, s0;
	s29 =	sadd.s32 $0x20, s29;
	v10, _, _ =	vpop (xrf2);
	(xrf2) =	vadd.scan.msk.f32 $0xffff, v13  }
0x252: {  	s1 =	sadd.s32 $0xFFFFFFF0, s29;
	v7 =	vld [tilespmem:s0+$0x0];
	(v2sf) =	vpush v10, $0xF;
	s3 =	spop (v2sf)  }
.Ltmp16:
0x253: {  	v10 =	vor.u32 s1, v8;
	s1 =	sadd.f32 s3, s26;
	(pc) =	sbr.rel @p0 .LBB2_33-.Ltmp16, $4  }
0x254: {  	v13 =	vcvt.s32.f32 v10  }
0x255: {  	v10 =	vld [tilespmem:s0+$0xFFFFFFF0];
	v14, _, _ =	vpop (xrf2);
	s3 =	spop (v2sf)  }
0x256: {  	v13 =	vmul.f32 v13, v9;
	(v2sf) =	vpush v14, $0xF;
	s26 =	sadd.f32 s3, s1  }
0x257: {  	(xrf2) =	vadd.scan.msk.f32 $0xffff, v7  }
0x258: {  	s0 =	spop (v2sf)  }
0x259: {  	v12 =	vadd.f32 s0, v12;
	_ =	sdelay $0x1  }
0x25a: {  	v14 =	vbroadcast v12, $0xF  }
0x25b: {  	v15, _, _ =	vpop (xrf2)  }
0x25c: {  	(v2sf) =	vpush v15, $0xF;
	v54, _, _ =	vpop (xrf2);
	v11 =	vadd.f32 v14, v11  }
0x25d: {  	(v2sf) =	vpush v54, $0xF  }
0x25e: {  	(v2sf) =	vpush v11, $0xF;
	_ =	sdelay $0x4  }
0x25f: {  	(xrf2) =	vadd.scan.msk.f32 $0xffff, v10;
	_ =	sdelay $0x3  }
0x260: {  	v55 =	vadd.s32 s29, v8  }
0x261: {  	v14 =	vcvt.s32.f32 v55  }
0x262: {  	s8 =	sadd.s32 $0x20, s29;
	s3 =	spop (v2sf)  }
0x263: {  	v13 =	vadd.f32 $1.000000000e+00, v13;
	s1 =	sadd.s32 $0xFFFFFFF0, s8;
	v14 =	vmul.f32 v14, v6;
	s23 =	spop (v2sf)  }
0x264: {  	v56 =	vor.u32 s1, v8;
	v8 =	vadd.s32 s8, v8;
	s0 =	spop (v2sf)  }
0x265: {  	vm0 =	vgt.f32 v13, v12;
	v58 =	vcvt.s32.f32 v56;
	v14 =	vadd.f32 $1.000000000e+00, v14;
	v57, _, _ =	vpop (xrf2);
	s1 =	spop (v2sf)  }
0x266: {  	v8 =	vcvt.s32.f32 v8;
	v59 =	vsel vm0, $0x3F800000, v1;
	v60, _, _ =	vpop (xrf2);
	s29 =	spop (v2sf)  }
0x267: {  	v13 =	vmul.f32 v58, v10;
	vm1 =	vgt.f32 v14, v11;
	v11 =	vadd.f32 s29, v60  }
0x268: {  	v9 =	vnsel vm0, $0x0, v9;
	(xrf2) =	vadd.scan.msk.f32 $0xffff, v59;
	v14 =	vsel vm1, $0x3F800000, v1  }
0x269: {  	v8 =	vmul.f32 v8, v7;
	v13 =	vadd.f32 $1.000000000e+00, v13;
	(xrf2) =	vadd.scan.msk.f32 $0xffff, v14;
	v61 =	vbroadcast v11, $0xF  }
0x26a: {  	v6 =	vnsel vm1, $0x0, v6;
	(xrf2) =	vadd.scan.msk.f32 $0xffff, v9  }
0x26b: {  	v8 =	vadd.f32 $1.000000000e+00, v8;
	(xrf2) =	vadd.scan.msk.f32 $0xffff, v6;
	vm14 =	vgt.f32 v13, v11;
	v6 =	vadd.f32 v61, v57  }
0x26c: {  	v62 =	vsel vm14, $0x3F800000, v1  }
0x26d: {  	(xrf2) =	vadd.scan.msk.f32 $0xffff, v62;
	vm15 =	vgt.f32 v8, v6  }
0x26e: {  	v8 =	vsel vm15, $0x3F800000, v1  }
0x26f: {  	(xrf2) =	vadd.scan.msk.f32 $0xffff, v8;
	_ =	sdelay $0x2  }
0x270: {  	v8, _, _ =	vpop (xrf2)  }
0x271: {  	v63, _, _ =	vpop (xrf2);
	(v2sf) =	vpush v8, $0xF  }
0x272: {  	v8, _, _ =	vpop (xrf2);
	(v2sf) =	vpush v63, $0xF  }
0x273: {  	(v2sf) =	vpush v8, $0xF;
	v8, _, _ =	vpop (xrf2)  }
0x274: {  	(v2sf) =	vpush v8, $0xF  }
0x275: {  	(v2sf) =	vpush v6, $0xF;
	v6, _, _ =	vpop (xrf2)  }
0x276: {  	(v2sf) =	vpush v6, $0xF  }
0x277: {  	v6, _, _ =	vpop (xrf2)  }
0x278: {  	(v2sf) =	vpush v6, $0xF;
	_ =	sdelay $0x5  }
0x279: {  	s3 =	sadd.f32 s3, s28;
	_ =	sdelay $0x1  }
0x27a: {  	s3 =	sadd.f32 s23, s3;
	s30 =	spop (v2sf)  }
0x27b: {  	s31 =	spop (v2sf)  }
0x27c: {  	s3 =	sadd.f32 s30, s3;
	s8 =	spop (v2sf)  }
0x27d: {  	s29 =	spop (v2sf)  }
0x27e: {  	s3 =	sadd.f32 s31, s3;
	s30 =	spop (v2sf)  }
0x27f: {  	v6 =	vnsel vm14, $0x0, v10;
	s23 =	spop (v2sf)  }
0x280: {  	(xrf2) =	vadd.scan.msk.f32 $0xffff, v6;
	s3 =	sadd.f32 s23, s3  }
0x281: {  	v6 =	vnsel vm15, $0x0, v7;
	s31 =	spop (v2sf)  }
0x282: {  	(xrf2) =	vadd.scan.msk.f32 $0xffff, v6;
	s3 =	sadd.f32 s31, s3;
	_ =	sdelay $0x1  }
0x283: {  	s3 =	smax.f32 s3, $1.000000000e+00  }
0x284: {  	s3 =	scvt.f32.s32 s3;
	_ =	sdelay $0x1  }
0x285: {  	v6 =	vmov s3;
	_ =	sdelay $0x2  }
0x286: {  	v7, _, _ =	vpop (xrf2)  }
0x287: {  	(v2sf) =	vpush v7, $0xF  }
0x288: {  	v7, _, _ =	vpop (xrf2);
	v6 =	vld.idx.msk [tilespmem:v6+s9+$0x0], $0xffff  }
0x289: {  	(v2sf) =	vpush v7, $0xF;
	_ =	sdelay $0x3  }
0x28a: {  	(v2sf) =	vpush v6, $0x0;
	_ =	sdelay $0x1  }
0x28b: {  	s0 =	sadd.f32 s0, s26;
	_ =	sdelay $0x1  }
0x28c: {  	s0 =	sadd.f32 s1, s0;
	_ =	sdelay $0x1  }
0x28d: {  	s0 =	sadd.f32 s8, s0;
	_ =	sdelay $0x1  }
0x28e: {  	s0 =	sadd.f32 s29, s0  }
0x28f: {  	s29 =	spop (v2sf)  }
0x290: {  	s0 =	sadd.f32 s29, s0  }
0x291: {  	s30 =	spop (v2sf)  }
0x292: {  	s0 =	sadd.f32 s30, s0;
	_ =	sdelay $0x1  }
0x293: {  	s0 =	sadd.f32 $-1.000000000e+00, s0  }
0x294: {  	s31 =	spop (v2sf)  }
0x295: {  	s1 =	smul.f32 s31, s0  }
0x296: {  	s26 =	simm.s32 $0x6080  }
0x297: {  	s8 =	simm.s32 $0x20;
	s0 =	simm.s32 $0xFFFFFFFC;
	v6 =	vmov s1;
	s1 =	simm.s32 $0x820  }
.LBB2_35:
0x298: {  	v7 =	vld [tilespmem:s1+$0xFFFFFFE0];
	_ =	sdelay $0x5  }
0x299: {  	v8 =	vld [tilespmem:s8+$0xFFFFFFE0];
	_ =	sdelay $0x1  }
0x29a: {  	v7 =	vld.idx.msk [tilespmem:v7+s21+$0x0], $0xffff;
	_ =	sdelay $0x2  }
0x29b: {  	v9 =	vand.u32 $0x80000000, v8;
	vm0 =	vlt.f32 v8, $0.0e+00;
	vm1 =	vgt.f32 v8, $0.0e+00  }
0x29c: {  	v9 =	vor.u32 v9, v0;
	vm0 =	vmor vm1, vm0  }
0x29d: {  	v8 =	vsel vm0, v9, v8;
	v7 =	vmax.f32 v7, $0.0e+00  }
0x29e: {  	v7 =	vmul.f32 v8, v7;
	_ =	sdelay $0x1  }
0x29f: {  	v7 =	vsub.f32 v7, v6;
	_ =	sdelay $0x1  }
0x2a0: {  	v7 =	vmax.f32 v7, $0.0e+00  }
0x2a1: {  	[tilespmem:s26+$0xFFFFFFE0] =	vst v7  }
0x2a2: {  	v7 =	vld [tilespmem:s1+$0xFFFFFFF0];
	_ =	sdelay $0x5  }
0x2a3: {  	v8 =	vld [tilespmem:s8+$0xFFFFFFF0];
	_ =	sdelay $0x1  }
0x2a4: {  	v7 =	vld.idx.msk [tilespmem:v7+s21+$0x0], $0xffff;
	_ =	sdelay $0x2  }
0x2a5: {  	v61 =	vand.u32 $0x80000000, v8;
	vm10 =	vlt.f32 v8, $0.0e+00;
	vm11 =	vgt.f32 v8, $0.0e+00  }
0x2a6: {  	v9 =	vor.u32 v61, v0;
	vm0 =	vmor vm11, vm10  }
0x2a7: {  	v8 =	vsel vm0, v9, v8;
	v7 =	vmax.f32 v7, $0.0e+00  }
0x2a8: {  	v7 =	vmul.f32 v8, v7;
	_ =	sdelay $0x1  }
0x2a9: {  	v7 =	vsub.f32 v7, v6;
	_ =	sdelay $0x1  }
0x2aa: {  	v7 =	vmax.f32 v7, $0.0e+00  }
0x2ab: {  	[tilespmem:s26+$0xFFFFFFF0] =	vst v7  }
0x2ac: {  	v7 =	vld [tilespmem:s1+$0x0];
	_ =	sdelay $0x5  }
0x2ad: {  	v8 =	vld [tilespmem:s8+$0x0];
	_ =	sdelay $0x1  }
0x2ae: {  	v7 =	vld.idx.msk [tilespmem:v7+s21+$0x0], $0xffff;
	_ =	sdelay $0x2  }
0x2af: {  	v62 =	vand.u32 $0x80000000, v8;
	vm12 =	vlt.f32 v8, $0.0e+00;
	vm13 =	vgt.f32 v8, $0.0e+00  }
0x2b0: {  	v9 =	vor.u32 v62, v0;
	vm0 =	vmor vm13, vm12  }
0x2b1: {  	v8 =	vsel vm0, v9, v8;
	v7 =	vmax.f32 v7, $0.0e+00  }
0x2b2: {  	v7 =	vmul.f32 v8, v7;
	_ =	sdelay $0x1  }
0x2b3: {  	v7 =	vsub.f32 v7, v6;
	_ =	sdelay $0x1  }
0x2b4: {  	v7 =	vmax.f32 v7, $0.0e+00  }
0x2b5: {  	[tilespmem:s26+$0x0] =	vst v7  }
0x2b6: {  	v7 =	vld [tilespmem:s1+$0x10];
	_ =	sdelay $0x5  }
0x2b7: {  	v8 =	vld [tilespmem:s8+$0x10];
	_ =	sdelay $0x1  }
0x2b8: {  	v7 =	vld.idx.msk [tilespmem:v7+s21+$0x0], $0xffff;
	_ =	sdelay $0x2  }
0x2b9: {  	v63 =	vand.u32 $0x80000000, v8;
	vm14 =	vlt.f32 v8, $0.0e+00;
	vm15 =	vgt.f32 v8, $0.0e+00  }
0x2ba: {  	v9 =	vor.u32 v63, v0;
	vm0 =	vmor vm15, vm14  }
0x2bb: {  	s0 =	sadd.s32 $0x4, s0;
	v8 =	vsel vm0, v9, v8;
	v7 =	vmax.f32 v7, $0.0e+00  }
0x2bc: {  	p0 =	slt.u32 s0, $0x7C;
	v7 =	vmul.f32 v8, v7  }
.Ltmp17:
0x2bd: {  	_ = 	snop;
	(pc) =	sbr.rel @p0 .LBB2_35-.Ltmp17, $3  }
0x2be: {  	v7 =	vsub.f32 v7, v6;
	_ =	sdelay $0x1  }
0x2bf: {  	v7 =	vmax.f32 v7, $0.0e+00  }
0x2c0: {  	s1 =	sadd.s32 $0x40, s1;
	s8 =	sadd.s32 $0x40, s8;
	[tilespmem:s26+$0x10] =	vst v7;
	s26 =	sadd.s32 $0x40, s26  }
0x2c1: {  	s0 =	simm.s32 $0x6060;
	s25 =	sadd.s32 $0x1, s25  }
0x2c2: {  	[hbm4b:s4+s2] =	stream.linear.scatter [tilespmem:s0], [sflag:$0x4], $0x800, $0x38;
	[tilespmem:$0x7070] =	vst v63  }
0x2c3: {  	p0 =	sne.s32 s25, s7  }
.Ltmp18:
0x2c4: {  	_ = 	snop;
	(pc) =	sbr.rel @p0 .LBB2_2-.Ltmp18, $4  }
.Ltmp19:
0x2c5: {  	_ = 	snop;
	(pc) =	sbr.rel @!p0 .LBB2_37-.Ltmp19, $4  }
0x2c6: {  	_ =	swait.ge [sflag:s24], $0x800  }
0x2c7: {  	[sflag:s24] =	ssyncset.done $0x0  }
0x2c8: {  	[sflag:s24] =	ssyncadd.s32 $0xFFFFF800  }
0x2c9: {  	_ = 	snop  }
.LBB2_18:
0x2ca: {  	s3 =	sadd.s32 $0xFFFFFFFF, s29  }
0x2cb: {  	s0 =	sadd.s32 $0x1, s0;
	v6 =	vmov s3  }
0x2cc: {  	p0 =	sne.s32 s0, s28  }
.Ltmp20:
0x2cd: {  	_ = 	snop;
	(pc) =	sbr.rel @!p0 .LBB2_19-.Ltmp20, $4  }
0x2ce: {  	_ = 	snop  }
0x2cf: {  	v7 =	vmov s8  }
0x2d0: {  	[tilespmem:v6+s19+$0x0] =	vst.idx.msk $0xffff, v7;
	v7 =	vmov s1  }
0x2d1: {  	s29 =	sadd.s32 $0x1, s29;
	s8 =	smov.u32 s23;
	s1 =	smov.u32 s30;
	[tilespmem:v6+s20+$0x0] =	vst.idx.msk $0xffff, v7  }
.LBB2_16:
0x2d2: {  	v6 =	vmov s0;
	_ =	sdelay $0x4  }
0x2d3: {  	v7 =	vld.idx.msk [tilespmem:v6+s17+$0x0], $0xffff;
	_ =	sdelay $0x4  }
0x2d4: {  	(v2sf) =	vpush v7, $0x0  }
0x2d5: {  	v6 =	vld.idx.msk [tilespmem:v6+s18+$0x0], $0xffff;
	_ =	sdelay $0x4  }
0x2d6: {  	(v2sf) =	vpush v6, $0x0;
	_ =	sdelay $0x8  }
0x2d7: {  	s23 =	spop (v2sf)  }
0x2d8: {  	p0 =	sle.f32 s8, s23  }
.Ltmp21:
0x2d9: {  	_ = 	snop;
	(pc) =	sbr.rel @!p0 .LBB2_18-.Ltmp21, $2  }
0x2da: {  	_ =	sdelay $0x2  }
0x2db: {  	s30 =	spop (v2sf)  }
.LBB2_17:
0x2dc: {  	s3 =	sadd.f32 s30, s1;
	_ =	sdelay $0x1  }
0x2dd: {  	s31 =	scvt.f32.s32 s3;
	_ =	sdelay $0x1  }
0x2de: {  	v6 =	vmov s31  }
0x2df: {  	s31 =	sadd.s32 $0xFFFFFFFE, s29  }
0x2e0: {  	v7 =	vmov s31;
	_ =	sdelay $0x2  }
0x2e1: {  	v6 =	vld.idx.msk [tilespmem:v6+s9+$0x0], $0xffff;
	_ =	sdelay $0x1  }
0x2e2: {  	v8 =	vld.idx.msk [tilespmem:v7+s19+$0x0], $0xffff;
	_ =	sdelay $0x2  }
0x2e3: {  	(v2sf) =	vpush v6, $0x0;
	_ =	sdelay $0x1  }
0x2e4: {  	(v2sf) =	vpush v8, $0x0  }
0x2e5: {  	v6 =	vld.idx.msk [tilespmem:v7+s20+$0x0], $0xffff;
	_ =	sdelay $0x4  }
0x2e6: {  	(v2sf) =	vpush v6, $0x0;
	_ =	sdelay $0x2  }
0x2e7: {  	s8 =	smul.f32 s1, s8  }
0x2e8: {  	s23 =	smul.f32 s30, s23;
	_ =	sdelay $0x1  }
0x2e9: {  	s1 =	sadd.f32 s23, s8  }
0x2ea: {  	s31 =	spop (v2sf)  }
0x2eb: {  	s23 =	smul.f32 s31, s1  }
0x2ec: {  	s8 =	spop (v2sf)  }
0x2ed: {  	p0 =	sle.f32 s8, s23  }
.Ltmp22:
0x2ee: {  	_ = 	snop;
	(pc) =	sbr.rel @p0 .LBB2_17-.Ltmp22, $2  }
0x2ef: {  	_ =	sdelay $0x2  }
0x2f0: {  	s30 =	smov.u32 s3;
	s29 =	sadd.s32 $0xFFFFFFFF, s29;
	s1 =	spop (v2sf)  }
.Ltmp23:
0x2f1: {  	_ = 	snop;
	(pc) =	sbr.rel .LBB2_18-.Ltmp23, $1  }
0x2f2: {  	_ =	sdelay $0x3  }
.LBB2_8:
.Ltmp24:
0x2f3: {  	(pc) =	sbr.rel .LBB2_14-.Ltmp24, $2  }
0x2f4: {  	_ =	sdelay $0x2  }
0x2f5: {  	s0 =	simm.s32 $0x3020;
	s31 =	simm.s32 $0x3830  }
.LBB2_23:
.Ltmp25:
0x2f6: {  	(pc) =	sbr.rel .LBB2_27-.Ltmp25, $2  }
0x2f7: {  	_ =	sdelay $0x2  }
0x2f8: {  	s30 =	simm.s32 $0x0;
	s8 =	simm.f32 $0.0e+00;
	s1 =	simm.s32 $0x4040  }
.LBB2_10:
.Ltmp26:
0x2f9: {  	(pc) =	sbr.rel .LBB2_14-.Ltmp26, $2  }
0x2fa: {  	_ =	sdelay $0x2  }
0x2fb: {  	s0 =	simm.s32 $0x3020;
	s31 =	simm.s32 $0x3830  }
.LBB2_25:
.Ltmp27:
0x2fc: {  	(pc) =	sbr.rel .LBB2_27-.Ltmp27, $2  }
0x2fd: {  	_ =	sdelay $0x2  }
0x2fe: {  	s30 =	simm.s32 $0x0;
	s8 =	simm.f32 $0.0e+00;
	s1 =	simm.s32 $0x4040  }
.LBB2_12:
.Ltmp28:
0x2ff: {  	(pc) =	sbr.rel .LBB2_14-.Ltmp28, $2  }
0x300: {  	_ =	sdelay $0x2  }
0x301: {  	s0 =	simm.s32 $0x3020;
	s31 =	simm.s32 $0x3830  }
.LBB2_37:
0x302: {  	_ =	sfence.sel $0x180000  }
0x303: {  	[bflag:$0x0] =	sbarrier.arrive $0xFFFF  }
0x304: {  	_ =	strace $0x90000047  }
0x305: {  	s0 =	stileid.u32;
	[bflag:$0x2] =	sbarrier.arrive $0xFFFF  }
0x306: {  	p0 =	sne.s32 s0, $0x0;
	s0 =	rddreg [dreg:$0x2]  }
0x307: {  	s0 =	sadd.s32 @!p0 $0x100000, s0  }
0x308: {  	[sflag:s0] =	ssyncadd.tile.s32 @!p0 $0x1;
	_ =	shalt  }
.Lfunc_end2:
_tile_overlayer_lowered:
.L_overlay_start_2:
0x309: {  	(tag) =	ssettag $0x2  }
0x30a: {  	s0 =	rddreg [dreg:$0x0];
	s2 =	stileid.u32  }
0x30b: {  	s1 =	rddreg [dreg:$0x1];
	p0 =	sne.s32 s2, $0x0  }
0x30c: {  	s3 =	rddreg [dreg:$0x2];
	[bflag:$0x3] =	sbarrier.arrive $0xFFFF;
	s2 =	simm.s32 @!p0 $0x1C04  }
0x30d: {  	[timem:s3], [sflag:s2] =	dma.local @!p0 [hbm:s0], s1  }
0x30e: {  	s0 =	simm.s32 @!p0 $0x4  }
0x30f: {  	_ =	swait.ge @!p0 [sflag:s0], s1  }
0x310: {  	s1 =	ssub.s32 @!p0 $0x0, s1;
	[sflag:s0] =	ssyncset.done @!p0 $0x0  }
0x311: {  	[sflag:s0] =	ssyncadd.s32 @!p0 s1  }
0x312: {  	[bflag:$0x3] =	sbarrier.arrive $0xFFFF  }
0x313: {  	_ =	shalt  }

</sc_bundles>
